<compile_context>
chip_gen: v7x
topology: tpu7x:2x2x1
jax: 0.10.2.dev20260603
libtpu: 0.0.44.dev20260713+nightly
codegen_flags: <defaults>
</compile_context>

<pallas_src>
import functools

import jax
import jax.numpy as jnp
from jax.experimental import pallas as pl
import jax.experimental.pallas.tpu as pltpu
from jax.experimental.pallas import tpu_sc as plsc

B, S, D = 1, 2048, 1024
H, DH = 16, 64
E, K = 8, 2
DFF, DSH = 512, 2048
EPS = 1e-6

BS = 256
NSB = S // BS
H2 = H // 2
DP = 2 * DH
BQ = 512
NQB = S // BQ

BLKA = 256
NBLK = (S * K) // BLKA + E
PAD = NBLK * BLKA
CH = 32


def _rms(x, g):
    return x * jax.lax.rsqrt(jnp.mean(x * x, axis=-1, keepdims=True) + EPS) * g


def _qkv_kernel(x_ref, g_ref, wq_ref, wk_ref, wv_ref, q_ref, k_ref, v_ref):
    h = _rms(x_ref[...], g_ref[...]).astype(jnp.bfloat16)
    q = jnp.dot(h, wq_ref[...].astype(jnp.bfloat16),
                preferred_element_type=jnp.float32).astype(jnp.bfloat16)
    k = jnp.dot(h, wk_ref[...].astype(jnp.bfloat16),
                preferred_element_type=jnp.float32).astype(jnp.bfloat16)
    v = jnp.dot(h, wv_ref[...].astype(jnp.bfloat16),
                preferred_element_type=jnp.float32).astype(jnp.bfloat16)
    q_ref[...] = q.reshape(BS, H2, DP).swapaxes(0, 1)
    k_ref[...] = k.reshape(BS, H2, DP).swapaxes(0, 1)
    v_ref[...] = v.reshape(BS, H2, DP).swapaxes(0, 1)


def _qkv(x, gamma, Wq, Wk, Wv):
    g2 = gamma.reshape(1, D)
    return pl.pallas_call(
        _qkv_kernel,
        grid=(NSB,),
        in_specs=[
            pl.BlockSpec((BS, D), lambda i: (i, 0)),
            pl.BlockSpec((1, D), lambda i: (0, 0)),
            pl.BlockSpec((D, H * DH), lambda i: (0, 0)),
            pl.BlockSpec((D, H * DH), lambda i: (0, 0)),
            pl.BlockSpec((D, H * DH), lambda i: (0, 0)),
        ],
        out_specs=[
            pl.BlockSpec((H2, BS, DP), lambda i: (0, i, 0)),
            pl.BlockSpec((H2, BS, DP), lambda i: (0, i, 0)),
            pl.BlockSpec((H2, BS, DP), lambda i: (0, i, 0)),
        ],
        out_shape=[jax.ShapeDtypeStruct((H2, S, DP), jnp.bfloat16)] * 3,
    )(x, g2, Wq, Wk, Wv)


def _attn_kernel(q_ref, k_ref, v_ref, o_ref, *, scale):
    i = pl.program_id(1)
    q2 = q_ref[0]
    lane = jax.lax.broadcasted_iota(jnp.int32, (BQ, DP), 1)
    is_a = lane < DH
    zero = jnp.zeros((), jnp.bfloat16)
    qa = jnp.where(is_a, q2, zero)
    qb = jnp.where(is_a, zero, q2)
    rows = jax.lax.broadcasted_iota(jnp.int32, (BQ, BQ), 0) + i * BQ

    def body(j, carry):
        ma, la, aa, mb, lb, ab = carry
        base = pl.multiple_of(j * BQ, BQ)
        k2 = k_ref[0, pl.ds(base, BQ), :]
        v2 = v_ref[0, pl.ds(base, BQ), :]
        cols = jax.lax.broadcasted_iota(jnp.int32, (BQ, BQ), 1) + j * BQ
        causal = cols <= rows

        def one(qh, m, l, acc):
            s = jax.lax.dot_general(qh, k2, (((1,), (1,)), ((), ())),
                                    preferred_element_type=jnp.float32) * scale
            s = jnp.where(causal, s, jnp.float32(-1e30))
            m_new = jnp.maximum(m, jnp.max(s, axis=-1, keepdims=True))
            alpha = jnp.exp(m - m_new)
            p = jnp.exp(s - m_new)
            l = l * alpha + jnp.sum(p, axis=-1, keepdims=True)
            acc = acc * alpha + jnp.dot(p.astype(jnp.bfloat16), v2,
                                        preferred_element_type=jnp.float32)
            return m_new, l, acc

        ma, la, aa = one(qa, ma, la, aa)
        mb, lb, ab = one(qb, mb, lb, ab)
        return ma, la, aa, mb, lb, ab

    m0 = jnp.full((BQ, 1), -1e30, jnp.float32)
    l0 = jnp.zeros((BQ, 1), jnp.float32)
    a0 = jnp.zeros((BQ, DP), jnp.float32)
    ma, la, aa, mb, lb, ab = jax.lax.fori_loop(
        0, i + 1, body, (m0, l0, a0, m0, l0, a0))
    oa = aa * (1.0 / la)
    ob = ab * (1.0 / lb)
    o_ref[0] = jnp.where(is_a, oa, ob).astype(jnp.bfloat16)


def _attention(q3, k3, v3):
    scale = 1.0 / float(DH) ** 0.5
    return pl.pallas_call(
        functools.partial(_attn_kernel, scale=scale),
        grid=(H2, NQB),
        in_specs=[
            pl.BlockSpec((1, BQ, DP), lambda h, i: (h, i, 0)),
            pl.BlockSpec((1, S, DP), lambda h, i: (h, 0, 0)),
            pl.BlockSpec((1, S, DP), lambda h, i: (h, 0, 0)),
        ],
        out_specs=pl.BlockSpec((1, BQ, DP), lambda h, i: (h, i, 0)),
        out_shape=jax.ShapeDtypeStruct((H2, S, DP), jnp.bfloat16),
    )(q3, k3, v3)


def _proj_router_kernel(a_ref, wo_ref, res_ref, g_ref, gw_ref,
                        h_ref, x2_ref, e12_ref, r12_ref, w12_ref, cnt_ref,
                        run_ref):
    i = pl.program_id(0)

    @pl.when(i == 0)
    def _():
        run_ref[...] = jnp.zeros_like(run_ref)

    attn = jnp.dot(a_ref[0], wo_ref[0].astype(jnp.bfloat16),
                   preferred_element_type=jnp.float32)
    for hh in range(1, H2):
        attn += jnp.dot(a_ref[hh], wo_ref[hh].astype(jnp.bfloat16),
                        preferred_element_type=jnp.float32)
    hstate = res_ref[...] + attn
    h_ref[...] = hstate
    x2 = _rms(hstate, g_ref[...])
    x2_ref[...] = x2.astype(jnp.bfloat16)
    logits = jnp.dot(x2, gw_ref[...], preferred_element_type=jnp.float32)
    m = jnp.max(logits, axis=-1, keepdims=True)
    p = jnp.exp(logits - m)
    p = p / jnp.sum(p, axis=-1, keepdims=True)
    idx = jax.lax.broadcasted_iota(jnp.int32, (BS, E), 1)
    m1 = jnp.max(p, axis=-1, keepdims=True)
    i1 = jnp.min(jnp.where(p == m1, idx, E), axis=-1, keepdims=True)
    p2 = jnp.where(idx == i1, -jnp.inf, p)
    m2 = jnp.max(p2, axis=-1, keepdims=True)
    i2 = jnp.min(jnp.where(p2 == m2, idx, E), axis=-1, keepdims=True)
    tot = m1 + m2
    oh = ((idx == i1) | (idx == i2)).astype(jnp.bfloat16)
    r_lo = jax.lax.broadcasted_iota(jnp.int32, (BS, BS), 0)
    c_lo = jax.lax.broadcasted_iota(jnp.int32, (BS, BS), 1)
    tril = (c_lo < r_lo).astype(jnp.bfloat16)
    prior = jnp.dot(tril, oh, preferred_element_type=jnp.float32)
    prior = prior + run_ref[...]
    rank1 = jnp.sum(jnp.where(idx == i1, prior, 0.0), axis=-1, keepdims=True)
    rank2 = jnp.sum(jnp.where(idx == i2, prior, 0.0), axis=-1, keepdims=True)
    run_ref[...] += jnp.sum(oh.astype(jnp.float32), axis=0, keepdims=True)
    cnt_ref[...] = run_ref[...]
    e12_ref[...] = jnp.concatenate([i1, i2], axis=1)
    r12_ref[...] = jnp.concatenate([rank1, rank2], axis=1).astype(jnp.int32)
    w12_ref[...] = jnp.concatenate([m1 / tot, m2 / tot], axis=1)


def _proj_router(attn, Wo, residual, gamma, gate_w):
    g2 = gamma.reshape(1, D)
    return pl.pallas_call(
        _proj_router_kernel,
        grid=(NSB,),
        in_specs=[
            pl.BlockSpec((H2, BS, DP), lambda i: (0, i, 0)),
            pl.BlockSpec((H2, DP, D), lambda i: (0, 0, 0)),
            pl.BlockSpec((BS, D), lambda i: (i, 0)),
            pl.BlockSpec((1, D), lambda i: (0, 0)),
            pl.BlockSpec((D, E), lambda i: (0, 0)),
        ],
        out_specs=[
            pl.BlockSpec((BS, D), lambda i: (i, 0)),
            pl.BlockSpec((BS, D), lambda i: (i, 0)),
            pl.BlockSpec((BS, 2), lambda i: (i, 0)),
            pl.BlockSpec((BS, 2), lambda i: (i, 0)),
            pl.BlockSpec((BS, 2), lambda i: (i, 0)),
            pl.BlockSpec((1, E), lambda i: (0, 0)),
        ],
        out_shape=[
            jax.ShapeDtypeStruct((S, D), jnp.float32),
            jax.ShapeDtypeStruct((S, D), jnp.bfloat16),
            jax.ShapeDtypeStruct((S, 2), jnp.int32),
            jax.ShapeDtypeStruct((S, 2), jnp.int32),
            jax.ShapeDtypeStruct((S, 2), jnp.float32),
            jax.ShapeDtypeStruct((1, E), jnp.float32),
        ],
        scratch_shapes=[pltpu.VMEM((1, E), jnp.float32)],
    )(attn, Wo.reshape(H2, DP, D), residual, g2, gate_w)


def _route_kernel(cnt_ref, e12_ref, r12_ref, dest_ref, be_ref):
    c = cnt_ref[...]
    padded = jnp.floor((c + (BLKA - 1)) / BLKA) * BLKA
    tri_r = jax.lax.broadcasted_iota(jnp.int32, (E, E), 0)
    tri_c = jax.lax.broadcasted_iota(jnp.int32, (E, E), 1)
    tril8 = (tri_r < tri_c).astype(jnp.float32)
    pad_start = jnp.dot(padded, tril8, preferred_element_type=jnp.float32)
    pad_end = pad_start + padded
    e12 = e12_ref[...]
    r12 = r12_ref[...]
    base = jnp.zeros((S, 2), jnp.float32)
    for ee in range(E):
        base = base + jnp.where(e12 == ee, pad_start[0, ee], 0.0)
    dest_ref[...] = (base + r12.astype(jnp.float32)).astype(jnp.int32)
    bvals = jax.lax.broadcasted_iota(jnp.int32, (1, NBLK), 1).astype(
        jnp.float32) * BLKA
    be = jnp.zeros((1, NBLK), jnp.int32)
    for ee in range(E):
        be = be + jnp.where(bvals >= pad_end[0, ee], 1, 0)
    be_ref[...] = jnp.minimum(be, E - 1)


def _route(counts, e12, r12):
    return pl.pallas_call(
        _route_kernel,
        out_shape=[
            jax.ShapeDtypeStruct((S, 2), jnp.int32),
            jax.ShapeDtypeStruct((1, NBLK), jnp.int32),
        ],
    )(counts, e12, r12)


def _sc_mesh():
    return plsc.VectorSubcoreMesh(core_axis_name="c", subcore_axis_name="s")


def _bf16_to_i32v(x):
    n, d = x.shape
    return jax.lax.bitcast_convert_type(
        x.reshape(n, d // 2, 2), jnp.int32).reshape(2 * n, d // 4)


def _i32v_to_bf16(x):
    n2, q = x.shape
    return jax.lax.bitcast_convert_type(
        x.reshape(n2 // 2, 2 * q), jnp.bfloat16).reshape(n2 // 2, 4 * q)


SCCH = 128
DQ = D // 4


def _dispatch(x2v, i0, i1):
    @pl.kernel(
        out_type=jax.ShapeDtypeStruct((2 * PAD, DQ), jnp.int32),
        mesh=_sc_mesh(),
    )
    def kern(x2_hbm, i0_hbm, i1_hbm, xs_hbm):
        def body(x_vmem, i0_vmem, i1_vmem):
            pltpu.sync_copy(x_vmem, xs_hbm.at[i0_vmem.at[0]])
            pltpu.sync_copy(x_vmem, xs_hbm.at[i1_vmem.at[0]])

        pltpu.emit_pipeline(
            body,
            grid=(2 * S // SCCH,),
            in_specs=[
                pl.BlockSpec((SCCH, DQ), lambda i: (i, 0)),
                pl.BlockSpec((1, SCCH), lambda i: (i, 0)),
                pl.BlockSpec((1, SCCH), lambda i: (i, 0)),
            ],
            out_specs=[],
            core_axis_name=("c", "s"),
            dimension_semantics=(pltpu.PARALLEL,),
        )(x2_hbm, i0_hbm, i1_hbm)

    return kern(x2v, i0, i1)


def _shared_kernel(x_ref, w1_ref, w3_ref, w2_ref, h_ref, o_ref):
    x = x_ref[...]
    g = jnp.dot(x, w1_ref[...].astype(jnp.bfloat16),
                preferred_element_type=jnp.float32)
    u = jnp.dot(x, w3_ref[...].astype(jnp.bfloat16),
                preferred_element_type=jnp.float32)
    a = (g * jax.lax.logistic(g) * u).astype(jnp.bfloat16)
    sh = jnp.dot(a, w2_ref[...].astype(jnp.bfloat16),
                 preferred_element_type=jnp.float32)
    o_ref[...] = h_ref[...] + sh


def _shared(x2, Ws1, Ws3, Ws2, hstate):
    return pl.pallas_call(
        _shared_kernel,
        grid=(NSB,),
        in_specs=[
            pl.BlockSpec((BS, D), lambda i: (i, 0)),
            pl.BlockSpec((D, DSH), lambda i: (0, 0)),
            pl.BlockSpec((D, DSH), lambda i: (0, 0)),
            pl.BlockSpec((DSH, D), lambda i: (0, 0)),
            pl.BlockSpec((BS, D), lambda i: (i, 0)),
        ],
        out_specs=pl.BlockSpec((BS, D), lambda i: (i, 0)),
        out_shape=jax.ShapeDtypeStruct((S, D), jnp.float32),
    )(x2, Ws1, Ws3, Ws2, hstate)


def _ffn_kernel(be_ref, xs_ref, wg_ref, wu_ref, wd_ref, ds_ref):
    x = xs_ref[...]
    g = jnp.dot(x, wg_ref[0].astype(jnp.bfloat16),
                preferred_element_type=jnp.float32)
    u = jnp.dot(x, wu_ref[0].astype(jnp.bfloat16),
                preferred_element_type=jnp.float32)
    a = (g * jax.lax.logistic(g) * u).astype(jnp.bfloat16)
    d = jnp.dot(a, wd_ref[0].astype(jnp.bfloat16),
                preferred_element_type=jnp.float32)
    ds_ref[...] = d.astype(jnp.bfloat16)


def _ffn(block_expert, xs, We_gate, We_up, We_down):
    grid_spec = pltpu.PrefetchScalarGridSpec(
        num_scalar_prefetch=1,
        grid=(NBLK,),
        in_specs=[
            pl.BlockSpec((BLKA, D), lambda b, be: (b, 0)),
            pl.BlockSpec((1, D, DFF), lambda b, be: (be[b], 0, 0)),
            pl.BlockSpec((1, D, DFF), lambda b, be: (be[b], 0, 0)),
            pl.BlockSpec((1, DFF, D), lambda b, be: (be[b], 0, 0)),
        ],
        out_specs=pl.BlockSpec((BLKA, D), lambda b, be: (b, 0)),
    )
    return pl.pallas_call(
        _ffn_kernel,
        grid_spec=grid_spec,
        out_shape=jax.ShapeDtypeStruct((PAD, D), jnp.bfloat16),
    )(block_expert, xs, We_gate, We_up, We_down)


def _gather_rows(dsv, idx):
    @pl.kernel(
        out_type=jax.ShapeDtypeStruct((2 * S, DQ), jnp.int32),
        mesh=_sc_mesh(),
    )
    def kern(ds_hbm, i_hbm, o_hbm):
        def body(i_vmem, o_vmem):
            pltpu.sync_copy(ds_hbm.at[i_vmem.at[0]], o_vmem)

        pltpu.emit_pipeline(
            body,
            grid=(2 * S // SCCH,),
            in_specs=[pl.BlockSpec((1, SCCH), lambda i: (i, 0))],
            out_specs=[pl.BlockSpec((SCCH, DQ), lambda i: (i, 0))],
            core_axis_name=("c", "s"),
            dimension_semantics=(pltpu.PARALLEL,),
        )(i_hbm, o_hbm)

    return kern(dsv, idx)


def _final_kernel(hs_ref, a_ref, b_ref, w0_ref, w1_ref, o_ref):
    o_ref[...] = hs_ref[...] + \
        w0_ref[...] * a_ref[...].astype(jnp.float32) + \
        w1_ref[...] * b_ref[...].astype(jnp.float32)


def _final(hs, A, Bm, w0, w1):
    return pl.pallas_call(
        _final_kernel,
        grid=(NSB,),
        in_specs=[
            pl.BlockSpec((BS, D), lambda i: (i, 0)),
            pl.BlockSpec((BS, D), lambda i: (i, 0)),
            pl.BlockSpec((BS, D), lambda i: (i, 0)),
            pl.BlockSpec((BS, 1), lambda i: (i, 0)),
            pl.BlockSpec((BS, 1), lambda i: (i, 0)),
        ],
        out_specs=pl.BlockSpec((BS, D), lambda i: (i, 0)),
        out_shape=jax.ShapeDtypeStruct((S, D), jnp.float32),
    )(hs, A, Bm, w0, w1)


def kernel(hidden_states, pre_ln_gamma, post_ln_gamma, Wq, Wk, Wv, Wo,
           gate_w, We_gate, We_up, We_down, Ws1, Ws3, Ws2):
    x = hidden_states.reshape(S, D)
    q3, k3, v3 = _qkv(x, pre_ln_gamma, Wq, Wk, Wv)
    attn = _attention(q3, k3, v3)
    hstate, x2, e12, r12, w12, counts = _proj_router(
        attn, Wo, x, post_ln_gamma, gate_w)
    dest, block_expert = _route(counts, e12, r12)
    d0 = dest[:, 0].reshape(1, S)
    d1 = dest[:, 1].reshape(1, S)
    w0 = w12[:, 0:1]
    w1 = w12[:, 1:2]
    two = jnp.int32(2)
    i0 = (dest[:, 0:1] * two + jnp.arange(2, dtype=jnp.int32)[None, :])
    i1 = (dest[:, 1:2] * two + jnp.arange(2, dtype=jnp.int32)[None, :])
    i0 = i0.reshape(2 * S // SCCH, SCCH)
    i1 = i1.reshape(2 * S // SCCH, SCCH)
    xs = _i32v_to_bf16(_dispatch(_bf16_to_i32v(x2), i0, i1))
    hs = _shared(x2, Ws1, Ws3, Ws2, hstate)
    ds = _ffn(block_expert.reshape(NBLK), xs, We_gate, We_up, We_down)
    dsv = _bf16_to_i32v(ds)
    A = _i32v_to_bf16(_gather_rows(dsv, i0))
    Bm = _i32v_to_bf16(_gather_rows(dsv, i1))
    out = _final(hs, A, Bm, w0, w1)
    return out.reshape(B, S, D)

# --- scband reference (transcript-rebuilt; emitter-appended) ---
"""Pipeline reference for scband-deep-seek-v2-decoder-layer-16690242913253 (READ-ONLY COPY).

The authoritative reference and input builder live on the scoring server;
editing this copy changes nothing except your own understanding.
"""

import jax, jax.numpy as jnp
import numpy as np

B, S, D = 1, 2048, 1024
H, DH = 16, 64
E, K = 8, 2
DFF, DSH = 512, 2048
EPS = 1e-6


def setup_inputs(seed: int = 0):
    key = jax.random.key(seed)
    ks = jax.random.split(key, 12)
    s = 0.02
    return {
        "hidden_states": jax.random.normal(ks[0], (B, S, D), dtype=jnp.float32),
        "pre_ln_gamma": jnp.ones((D,), dtype=jnp.float32),
        "post_ln_gamma": jnp.ones((D,), dtype=jnp.float32),
        "Wq": jax.random.normal(ks[1], (D, H * DH), dtype=jnp.float32) * s,
        "Wk": jax.random.normal(ks[2], (D, H * DH), dtype=jnp.float32) * s,
        "Wv": jax.random.normal(ks[3], (D, H * DH), dtype=jnp.float32) * s,
        "Wo": jax.random.normal(ks[4], (H * DH, D), dtype=jnp.float32) * s,
        "gate_w": jax.random.normal(ks[5], (D, E), dtype=jnp.float32) * s,
        "We_gate": jax.random.normal(ks[6], (E, D, DFF), dtype=jnp.float32) * s,
        "We_up": jax.random.normal(ks[7], (E, D, DFF), dtype=jnp.float32) * s,
        "We_down": jax.random.normal(ks[8], (E, DFF, D), dtype=jnp.float32) * s,
        "Ws1": jax.random.normal(ks[9], (D, DSH), dtype=jnp.float32) * s,
        "Ws3": jax.random.normal(ks[10], (D, DSH), dtype=jnp.float32) * s,
        "Ws2": jax.random.normal(ks[11], (DSH, D), dtype=jnp.float32) * s,
    }


def _rmsnorm(x, g):
    return x * jax.lax.rsqrt(jnp.mean(x * x, axis=-1, keepdims=True) + EPS) * g


def reference(hidden_states, pre_ln_gamma, post_ln_gamma, Wq, Wk, Wv, Wo,
              gate_w, We_gate, We_up, We_down, Ws1, Ws3, Ws2):
    # --- input layernorm + self attention (causal) ---
    residual = hidden_states
    h = _rmsnorm(hidden_states, pre_ln_gamma)
    q = (h @ Wq).reshape(B, S, H, DH).transpose(0, 2, 1, 3)
    k = (h @ Wk).reshape(B, S, H, DH).transpose(0, 2, 1, 3)
    v = (h @ Wv).reshape(B, S, H, DH).transpose(0, 2, 1, 3)
    scores = jnp.einsum('bhqd,bhkd->bhqk', q, k) / np.sqrt(DH)
    mask = jnp.tril(jnp.ones((S, S), dtype=bool))
    scores = jnp.where(mask[None, None, :, :], scores, jnp.float32(-1e9))
    p = jax.nn.softmax(scores, axis=-1)
    attn = jnp.einsum('bhqk,bhkd->bhqd', p, v).transpose(0, 2, 1, 3).reshape(B, S, H * DH)
    attn = attn @ Wo
    h = residual + attn
    # --- post attention layernorm + MoE (gate -> top-k routed experts) + shared expert ---
    residual = h
    h2 = _rmsnorm(h, post_ln_gamma)
    xt = h2.reshape(B * S, D)
    router_logits = xt @ gate_w
    probs = jax.nn.softmax(router_logits, axis=-1)
    topv, topi = jax.lax.top_k(probs, K)
    topv = topv / jnp.sum(topv, axis=-1, keepdims=True)
    w_full = jnp.sum(jax.nn.one_hot(topi, E, dtype=xt.dtype) * topv[..., None], axis=1)  # [T, E]
    g = jnp.einsum('td,edf->etf', xt, We_gate)
    u = jnp.einsum('td,edf->etf', xt, We_up)
    a = jax.nn.silu(g) * u
    dwn = jnp.einsum('etf,efd->etd', a, We_down)
    moe_out = jnp.einsum('te,etd->td', w_full, dwn)
    shared_out = (jax.nn.silu(xt @ Ws1) * (xt @ Ws3)) @ Ws2
    out = (moe_out + shared_out).reshape(B, S, D)
    return residual + out

if __name__ == "__main__":
    import jax
    _d = setup_inputs()
    print(jax.jit(kernel)(*tuple(_d.values())))

</pallas_src>

<mosaic_0001>
#map = affine_map<(d0, d1) -> (0, 0)>
module attributes {stable_mosaic.version = 14 : i64} {
  func.func @kern(%arg0: i32, %arg1: i32, %arg2: memref<4096x256xi32, #tpu.memory_space<hbm>>, %arg3: memref<32x128xi32, #tpu.memory_space<hbm>>, %arg4: memref<32x128xi32, #tpu.memory_space<hbm>>, %arg5: memref<12288x256xi32, #tpu.memory_space<hbm>>) attributes {dimension_semantics = [#tpu.dimension_semantics<core_parallel>, #tpu.dimension_semantics<subcore_parallel>], iteration_bounds = array<i64: 2, 16>, scalar_prefetch = 0 : i64, scratch_operands = 0 : i64, tpu.core_type = #tpu.core_type<sc_vector_subcore>, window_params = [{transform_indices = #map}, {transform_indices = #map}, {transform_indices = #map}, {transform_indices = #map}]} {
    %mul3A = arith.constant 1 : i32
    %mul3A_0 = arith.muli %arg1, %mul3A : i32
    %add3A = arith.constant 0 : i32
    %add3A_1 = arith.addi %add3A, %mul3A_0 : i32
    %mul3A_2 = arith.constant 16 : i32
    %mul3A_3 = arith.muli %arg0, %mul3A_2 : i32
    %add3A_4 = arith.addi %add3A_1, %mul3A_3 : i32
    %mul3A_5 = arith.constant 1 : i32
    %mul3A_6 = arith.muli %add3A_4, %mul3A_5 : i32
    "tpu.region"() ({
      %run_scoped3A = memref.alloca() : memref<2x128x256xi32, #tpu.memory_space<vmem>>
      %run_scoped3A_7 = tpu.sem_alloc : memref<2x!tpu.dma_semaphore, #tpu.memory_space<semaphore_mem>>
      %run_scoped3A_8 = memref.alloca() : memref<2x1x128xi32, #tpu.memory_space<vmem>>
      %run_scoped3A_9 = tpu.sem_alloc : memref<2x!tpu.dma_semaphore, #tpu.memory_space<semaphore_mem>>
      %run_scoped3A_10 = memref.alloca() : memref<2x1x128xi32, #tpu.memory_space<vmem>>
      %run_scoped3A_11 = tpu.sem_alloc : memref<2x!tpu.dma_semaphore, #tpu.memory_space<semaphore_mem>>
      %add3A_12 = arith.constant 0 : i32
      %add3A_13 = arith.addi %add3A_12, %mul3A_6 : i32
      %select_n3A = arith.constant true
      %select_n3A_14 = arith.constant 0 : i32
      %select_n3A_15 = arith.constant -1 : i32
      %select_n3A_16 = arith.select %select_n3A, %select_n3A_15, %select_n3A_14 : i32
      %eq3A = arith.constant -1 : i32
      %eq3A_17 = arith.cmpi eq, %select_n3A_16, %eq3A : i32
      %select_n3A_18 = arith.constant 0 : i32
      %select_n3A_19 = arith.select %eq3A_17, %select_n3A_18, %select_n3A_16 : i32
      %add3A_20 = arith.constant 0 : i32
      %add3A_21 = arith.addi %add3A_20, %mul3A_6 : i32
      %select_n3A_22 = arith.constant true
      %select_n3A_23 = arith.constant 0 : i32
      %select_n3A_24 = arith.constant 1 : i32
      %select_n3A_25 = arith.select %select_n3A_22, %select_n3A_24, %select_n3A_23 : i32
      %eq3A_26 = arith.constant 1 : i32
      %eq3A_27 = arith.cmpi eq, %select_n3A_25, %eq3A_26 : i32
      %select_n3A_28 = arith.constant 0 : i32
      %select_n3A_29 = arith.select %eq3A_27, %select_n3A_28, %select_n3A_25 : i32
      %add3A_30 = arith.constant 0 : i32
      %add3A_31 = arith.addi %add3A_30, %mul3A_6 : i32
      %select_n3A_32 = arith.constant true
      %select_n3A_33 = arith.constant 0 : i32
      %select_n3A_34 = arith.constant 1 : i32
      %select_n3A_35 = arith.select %select_n3A_32, %select_n3A_34, %select_n3A_33 : i32
      %eq3A_36 = arith.constant 1 : i32
      %eq3A_37 = arith.cmpi eq, %select_n3A_35, %eq3A_36 : i32
      %select_n3A_38 = arith.constant 0 : i32
      %select_n3A_39 = arith.select %eq3A_37, %select_n3A_38, %select_n3A_35 : i32
      %add3A_40 = arith.constant 0 : i32
      %add3A_41 = arith.addi %add3A_40, %mul3A_6 : i32
      "tpu.trace_start"() <{level = 10 : i32, message = "ep_initialize_0"}> : () -> ()
      %rem3A = arith.constant 0 : i32
      %rem3A_42 = arith.constant 2 : i32
      %rem3A_43 = arith.remui %rem3A, %rem3A_42 : i32
      %mul3A_44 = arith.constant 128 : i32
      %mul3A_45 = arith.muli %mul3A_44, %add3A_13 : i32
      %dma_start3A = arith.constant 0 : i32
      %dma_start3A_46 = arith.constant 0 : i32
      %dma_start3A_47 = tpu.memref_slice %run_scoped3A[%rem3A_43, %dma_start3A, %dma_start3A_46] : memref<2x128x256xi32, #tpu.memory_space<vmem>> -> memref<1x128x256xi32, #tpu.memory_space<vmem>>
      %dma_start3A_48 = tpu.memref_squeeze %dma_start3A_47 : memref<1x128x256xi32, #tpu.memory_space<vmem>> -> memref<128x256xi32, #tpu.memory_space<vmem>>
      %dma_start3A_49 = arith.constant 0 : i32
      %dma_start3A_50 = tpu.memref_slice %arg2[%mul3A_45, %dma_start3A_49] : memref<4096x256xi32, #tpu.memory_space<hbm>> -> memref<128x256xi32, #tpu.memory_space<hbm>>
      %dma_start3A_51 = tpu.memref_slice %run_scoped3A_7[%rem3A_43] : memref<2x!tpu.dma_semaphore, #tpu.memory_space<semaphore_mem>> -> memref<1x!tpu.dma_semaphore, #tpu.memory_space<semaphore_mem>>
      %dma_start3A_52 = tpu.memref_squeeze %dma_start3A_51 : memref<1x!tpu.dma_semaphore, #tpu.memory_space<semaphore_mem>> -> memref<!tpu.dma_semaphore, #tpu.memory_space<semaphore_mem>>
      %dma_start3A_53 = arith.constant 0 : i32
      %dma_start3A_54 = arith.constant 0 : i32
      %dma_start3A_55 = tpu.memref_slice %run_scoped3A[%rem3A_43, %dma_start3A_53, %dma_start3A_54] : memref<2x128x256xi32, #tpu.memory_space<vmem>> -> memref<1x128x256xi32, #tpu.memory_space<vmem>>
      %dma_start3A_56 = tpu.memref_squeeze %dma_start3A_55 : memref<1x128x256xi32, #tpu.memory_space<vmem>> -> memref<128x256xi32, #tpu.memory_space<vmem>>
      %dma_start3A_57 = arith.constant 0 : i32
      %dma_start3A_58 = tpu.memref_slice %arg2[%mul3A_45, %dma_start3A_57] : memref<4096x256xi32, #tpu.memory_space<hbm>> -> memref<128x256xi32, #tpu.memory_space<hbm>>
      tpu.enqueue_dma source(%dma_start3A_58 : memref<128x256xi32, #tpu.memory_space<hbm>>) target(%dma_start3A_56 : memref<128x256xi32, #tpu.memory_space<vmem>>) target_semaphore(%dma_start3A_52 : memref<!tpu.dma_semaphore, #tpu.memory_space<semaphore_mem>>)
      %add3A_59 = arith.constant 0 : i32
      %add3A_60 = arith.constant 1 : i32
      %add3A_61 = arith.addi %add3A_59, %add3A_60 : i32
      %select_n3A_62 = arith.constant true
      %select_n3A_63 = arith.constant 0 : i32
      %select_n3A_64 = arith.select %select_n3A_62, %add3A_61, %select_n3A_63 : i32
      %rem3A_65 = arith.constant 0 : i32
      %rem3A_66 = arith.constant 2 : i32
      %rem3A_67 = arith.remui %rem3A_65, %rem3A_66 : i32
      %mul3A_68 = arith.constant 1 : i32
      %mul3A_69 = arith.muli %mul3A_68, %add3A_13 : i32
      %dma_start3A_70 = arith.constant 0 : i32
      %dma_start3A_71 = arith.constant 0 : i32
      %dma_start3A_72 = tpu.memref_slice %run_scoped3A_8[%rem3A_67, %dma_start3A_70, %dma_start3A_71] : memref<2x1x128xi32, #tpu.memory_space<vmem>> -> memref<1x1x128xi32, #tpu.memory_space<vmem>>
      %dma_start3A_73 = tpu.memref_squeeze %dma_start3A_72 : memref<1x1x128xi32, #tpu.memory_space<vmem>> -> memref<1x128xi32, #tpu.memory_space<vmem>>
      %dma_start3A_74 = arith.constant 0 : i32
      %dma_start3A_75 = tpu.memref_slice %arg3[%mul3A_69, %dma_start3A_74] : memref<32x128xi32, #tpu.memory_space<hbm>> -> memref<1x128xi32, #tpu.memory_space<hbm>>
      %dma_start3A_76 = tpu.memref_slice %run_scoped3A_9[%rem3A_67] : memref<2x!tpu.dma_semaphore, #tpu.memory_space<semaphore_mem>> -> memref<1x!tpu.dma_semaphore, #tpu.memory_space<semaphore_mem>>
      %dma_start3A_77 = tpu.memref_squeeze %dma_start3A_76 : memref<1x!tpu.dma_semaphore, #tpu.memory_space<semaphore_mem>> -> memref<!tpu.dma_semaphore, #tpu.memory_space<semaphore_mem>>
      %dma_start3A_78 = arith.constant 0 : i32
      %dma_start3A_79 = arith.constant 0 : i32
      %dma_start3A_80 = tpu.memref_slice %run_scoped3A_8[%rem3A_67, %dma_start3A_78, %dma_start3A_79] : memref<2x1x128xi32, #tpu.memory_space<vmem>> -> memref<1x1x128xi32, #tpu.memory_space<vmem>>
      %dma_start3A_81 = tpu.memref_squeeze %dma_start3A_80 : memref<1x1x128xi32, #tpu.memory_space<vmem>> -> memref<1x128xi32, #tpu.memory_space<vmem>>
      %dma_start3A_82 = arith.constant 0 : i32
      %dma_start3A_83 = tpu.memref_slice %arg3[%mul3A_69, %dma_start3A_82] : memref<32x128xi32, #tpu.memory_space<hbm>> -> memref<1x128xi32, #tpu.memory_space<hbm>>
      tpu.enqueue_dma source(%dma_start3A_83 : memref<1x128xi32, #tpu.memory_space<hbm>>) target(%dma_start3A_81 : memref<1x128xi32, #tpu.memory_space<vmem>>) target_semaphore(%dma_start3A_77 : memref<!tpu.dma_semaphore, #tpu.memory_space<semaphore_mem>>)
      %add3A_84 = arith.constant 0 : i32
      %add3A_85 = arith.constant 1 : i32
      %add3A_86 = arith.addi %add3A_84, %add3A_85 : i32
      %select_n3A_87 = arith.constant true
      %select_n3A_88 = arith.constant 0 : i32
      %select_n3A_89 = arith.select %select_n3A_87, %add3A_86, %select_n3A_88 : i32
      %rem3A_90 = arith.constant 0 : i32
      %rem3A_91 = arith.constant 2 : i32
      %rem3A_92 = arith.remui %rem3A_90, %rem3A_91 : i32
      %mul3A_93 = arith.constant 1 : i32
      %mul3A_94 = arith.muli %mul3A_93, %add3A_13 : i32
      %dma_start3A_95 = arith.constant 0 : i32
      %dma_start3A_96 = arith.constant 0 : i32
      %dma_start3A_97 = tpu.memref_slice %run_scoped3A_10[%rem3A_92, %dma_start3A_95, %dma_start3A_96] : memref<2x1x128xi32, #tpu.memory_space<vmem>> -> memref<1x1x128xi32, #tpu.memory_space<vmem>>
      %dma_start3A_98 = tpu.memref_squeeze %dma_start3A_97 : memref<1x1x128xi32, #tpu.memory_space<vmem>> -> memref<1x128xi32, #tpu.memory_space<vmem>>
      %dma_start3A_99 = arith.constant 0 : i32
      %dma_start3A_100 = tpu.memref_slice %arg4[%mul3A_94, %dma_start3A_99] : memref<32x128xi32, #tpu.memory_space<hbm>> -> memref<1x128xi32, #tpu.memory_space<hbm>>
      %dma_start3A_101 = tpu.memref_slice %run_scoped3A_11[%rem3A_92] : memref<2x!tpu.dma_semaphore, #tpu.memory_space<semaphore_mem>> -> memref<1x!tpu.dma_semaphore, #tpu.memory_space<semaphore_mem>>
      %dma_start3A_102 = tpu.memref_squeeze %dma_start3A_101 : memref<1x!tpu.dma_semaphore, #tpu.memory_space<semaphore_mem>> -> memref<!tpu.dma_semaphore, #tpu.memory_space<semaphore_mem>>
      %dma_start3A_103 = arith.constant 0 : i32
      %dma_start3A_104 = arith.constant 0 : i32
      %dma_start3A_105 = tpu.memref_slice %run_scoped3A_10[%rem3A_92, %dma_start3A_103, %dma_start3A_104] : memref<2x1x128xi32, #tpu.memory_space<vmem>> -> memref<1x1x128xi32, #tpu.memory_space<vmem>>
      %dma_start3A_106 = tpu.memref_squeeze %dma_start3A_105 : memref<1x1x128xi32, #tpu.memory_space<vmem>> -> memref<1x128xi32, #tpu.memory_space<vmem>>
      %dma_start3A_107 = arith.constant 0 : i32
      %dma_start3A_108 = tpu.memref_slice %arg4[%mul3A_94, %dma_start3A_107] : memref<32x128xi32, #tpu.memory_space<hbm>> -> memref<1x128xi32, #tpu.memory_space<hbm>>
      tpu.enqueue_dma source(%dma_start3A_108 : memref<1x128xi32, #tpu.memory_space<hbm>>) target(%dma_start3A_106 : memref<1x128xi32, #tpu.memory_space<vmem>>) target_semaphore(%dma_start3A_102 : memref<!tpu.dma_semaphore, #tpu.memory_space<semaphore_mem>>)
      %add3A_109 = arith.constant 0 : i32
      %add3A_110 = arith.constant 1 : i32
      %add3A_111 = arith.addi %add3A_109, %add3A_110 : i32
      %select_n3A_112 = arith.constant true
      %select_n3A_113 = arith.constant 0 : i32
      %select_n3A_114 = arith.select %select_n3A_112, %add3A_111, %select_n3A_113 : i32
      "tpu.trace_stop"() : () -> ()
      %scan3A = arith.constant 0 : i32
      %scan3A_115 = arith.constant 0 : i32
      %scan3A_116 = arith.constant 0 : i32
      %scan3A_117 = arith.constant 0 : i32
      %scan3A_118 = arith.constant 0 : i32
      %eq3A_119 = arith.constant 0 : i32
      %eq3A_120 = arith.cmpi eq, %scan3A_118, %eq3A_119 : i32
      %eq3A_121 = arith.constant 0 : i32
      %eq3A_122 = arith.cmpi eq, %scan3A_118, %eq3A_121 : i32
      %add3A_123 = arith.constant 0 : i32
      %add3A_124 = arith.addi %add3A_123, %mul3A_6 : i32
      %select_n3A_125 = arith.constant true
      %select_n3A_126 = arith.constant 0 : i32
      %select_n3A_127 = arith.constant -1 : i32
      %select_n3A_128 = arith.select %select_n3A_125, %select_n3A_127, %select_n3A_126 : i32
      %eq3A_129 = arith.constant -1 : i32
      %eq3A_130 = arith.cmpi eq, %select_n3A_128, %eq3A_129 : i32
      %select_n3A_131 = arith.constant 0 : i32
      %select_n3A_132 = arith.select %eq3A_130, %select_n3A_131, %select_n3A_128 : i32
      %add3A_133 = arith.constant 0 : i32
      %add3A_134 = arith.addi %add3A_133, %mul3A_6 : i32
      %select_n3A_135 = arith.constant true
      %select_n3A_136 = arith.constant 0 : i32
      %select_n3A_137 = arith.constant 1 : i32
      %select_n3A_138 = arith.select %select_n3A_135, %select_n3A_137, %select_n3A_136 : i32
      %eq3A_139 = arith.constant 1 : i32
      %eq3A_140 = arith.cmpi eq, %select_n3A_138, %eq3A_139 : i32
      %select_n3A_141 = arith.constant 0 : i32
      %select_n3A_142 = arith.select %eq3A_140, %select_n3A_141, %select_n3A_138 : i32
      %add3A_143 = arith.constant 0 : i32
      %add3A_144 = arith.addi %add3A_143, %mul3A_6 : i32
      %select_n3A_145 = arith.constant true
      %select_n3A_146 = arith.constant 0 : i32
      %select_n3A_147 = arith.constant 1 : i32
      %select_n3A_148 = arith.select %select_n3A_145, %select_n3A_147, %select_n3A_146 : i32
      %eq3A_149 = arith.constant 1 : i32
      %eq3A_150 = arith.cmpi eq, %select_n3A_148, %eq3A_149 : i32
      %select_n3A_151 = arith.constant 0 : i32
      %select_n3A_152 = arith.select %eq3A_150, %select_n3A_151, %select_n3A_148 : i32
      %add3A_153 = arith.constant 0 : i32
      %add3A_154 = arith.addi %add3A_153, %mul3A_6 : i32
      %ne3A = arith.cmpi ne, %add3A_124, %add3A_144 : i32
      %or3A = arith.constant false
      %or3A_155 = arith.ori %or3A, %ne3A : i1
      %or3A_156 = arith.constant false
      %or3A_157 = arith.ori %or3A_155, %or3A_156 : i1
      %ge3A = arith.constant 0 : i32
      %ge3A_158 = arith.cmpi sge, %scan3A_118, %ge3A : i32
      %not3A = arith.constant true
      %not3A_159 = arith.xori %ge3A_158, %not3A : i1
      %and3A = arith.andi %or3A_157, %not3A_159 : i1
      %convert_element_type3A = arith.extui %and3A : i1 to i32
      %cond3A = arith.constant 0 : i32
      %cond3A_160 = arith.cmpi ne, %convert_element_type3A, %cond3A : i32
      scf.if %cond3A_160 {
        "tpu.trace_start"() <{level = 10 : i32, message = "ep_copy_in"}> : () -> ()
        %rem3A_385 = arith.constant 2 : i32
        %rem3A_386 = arith.remui %select_n3A_64, %rem3A_385 : i32
        %mul3A_387 = arith.constant 128 : i32
        %mul3A_388 = arith.muli %mul3A_387, %add3A_144 : i32
        %dma_start3A_389 = arith.constant 0 : i32
        %dma_start3A_390 = arith.constant 0 : i32
        %dma_start3A_391 = tpu.memref_slice %run_scoped3A[%rem3A_386, %dma_start3A_389, %dma_start3A_390] : memref<2x128x256xi32, #tpu.memory_space<vmem>> -> memref<1x128x256xi32, #tpu.memory_space<vmem>>
        %dma_start3A_392 = tpu.memref_squeeze %dma_start3A_391 : memref<1x128x256xi32, #tpu.memory_space<vmem>> -> memref<128x256xi32, #tpu.memory_space<vmem>>
        %dma_start3A_393 = arith.constant 0 : i32
        %dma_start3A_394 = tpu.memref_slice %arg2[%mul3A_388, %dma_start3A_393] : memref<4096x256xi32, #tpu.memory_space<hbm>> -> memref<128x256xi32, #tpu.memory_space<hbm>>
        %dma_start3A_395 = tpu.memref_slice %run_scoped3A_7[%rem3A_386] : memref<2x!tpu.dma_semaphore, #tpu.memory_space<semaphore_mem>> -> memref<1x!tpu.dma_semaphore, #tpu.memory_space<semaphore_mem>>
        %dma_start3A_396 = tpu.memref_squeeze %dma_start3A_395 : memref<1x!tpu.dma_semaphore, #tpu.memory_space<semaphore_mem>> -> memref<!tpu.dma_semaphore, #tpu.memory_space<semaphore_mem>>
        %dma_start3A_397 = arith.constant 0 : i32
        %dma_start3A_398 = arith.constant 0 : i32
        %dma_start3A_399 = tpu.memref_slice %run_scoped3A[%rem3A_386, %dma_start3A_397, %dma_start3A_398] : memref<2x128x256xi32, #tpu.memory_space<vmem>> -> memref<1x128x256xi32, #tpu.memory_space<vmem>>
        %dma_start3A_400 = tpu.memref_squeeze %dma_start3A_399 : memref<1x128x256xi32, #tpu.memory_space<vmem>> -> memref<128x256xi32, #tpu.memory_space<vmem>>
        %dma_start3A_401 = arith.constant 0 : i32
        %dma_start3A_402 = tpu.memref_slice %arg2[%mul3A_388, %dma_start3A_401] : memref<4096x256xi32, #tpu.memory_space<hbm>> -> memref<128x256xi32, #tpu.memory_space<hbm>>
        tpu.enqueue_dma source(%dma_start3A_402 : memref<128x256xi32, #tpu.memory_space<hbm>>) target(%dma_start3A_400 : memref<128x256xi32, #tpu.memory_space<vmem>>) target_semaphore(%dma_start3A_396 : memref<!tpu.dma_semaphore, #tpu.memory_space<semaphore_mem>>)
        "tpu.trace_stop"() : () -> ()
      } else {
      }
      %and3A_161 = arith.constant true
      %and3A_162 = arith.andi %and3A, %and3A_161 : i1
      %add3A_163 = arith.constant 1 : i32
      %add3A_164 = arith.addi %select_n3A_64, %add3A_163 : i32
      %select_n3A_165 = arith.select %and3A_162, %add3A_164, %select_n3A_64 : i32
      %ne3A_166 = arith.cmpi ne, %add3A_124, %add3A_144 : i32
      %or3A_167 = arith.constant false
      %or3A_168 = arith.ori %or3A_167, %ne3A_166 : i1
      %or3A_169 = arith.constant false
      %or3A_170 = arith.ori %or3A_168, %or3A_169 : i1
      %ge3A_171 = arith.constant 0 : i32
      %ge3A_172 = arith.cmpi sge, %scan3A_118, %ge3A_171 : i32
      %not3A_173 = arith.constant true
      %not3A_174 = arith.xori %ge3A_172, %not3A_173 : i1
      %and3A_175 = arith.andi %or3A_170, %not3A_174 : i1
      %convert_element_type3A_176 = arith.extui %and3A_175 : i1 to i32
      %cond3A_177 = arith.constant 0 : i32
      %cond3A_178 = arith.cmpi ne, %convert_element_type3A_176, %cond3A_177 : i32
      scf.if %cond3A_178 {
        "tpu.trace_start"() <{level = 10 : i32, message = "ep_copy_in"}> : () -> ()
        %rem3A_385 = arith.constant 2 : i32
        %rem3A_386 = arith.remui %select_n3A_89, %rem3A_385 : i32
        %mul3A_387 = arith.constant 1 : i32
        %mul3A_388 = arith.muli %mul3A_387, %add3A_144 : i32
        %dma_start3A_389 = arith.constant 0 : i32
        %dma_start3A_390 = arith.constant 0 : i32
        %dma_start3A_391 = tpu.memref_slice %run_scoped3A_8[%rem3A_386, %dma_start3A_389, %dma_start3A_390] : memref<2x1x128xi32, #tpu.memory_space<vmem>> -> memref<1x1x128xi32, #tpu.memory_space<vmem>>
        %dma_start3A_392 = tpu.memref_squeeze %dma_start3A_391 : memref<1x1x128xi32, #tpu.memory_space<vmem>> -> memref<1x128xi32, #tpu.memory_space<vmem>>
        %dma_start3A_393 = arith.constant 0 : i32
        %dma_start3A_394 = tpu.memref_slice %arg3[%mul3A_388, %dma_start3A_393] : memref<32x128xi32, #tpu.memory_space<hbm>> -> memref<1x128xi32, #tpu.memory_space<hbm>>
        %dma_start3A_395 = tpu.memref_slice %run_scoped3A_9[%rem3A_386] : memref<2x!tpu.dma_semaphore, #tpu.memory_space<semaphore_mem>> -> memref<1x!tpu.dma_semaphore, #tpu.memory_space<semaphore_mem>>
        %dma_start3A_396 = tpu.memref_squeeze %dma_start3A_395 : memref<1x!tpu.dma_semaphore, #tpu.memory_space<semaphore_mem>> -> memref<!tpu.dma_semaphore, #tpu.memory_space<semaphore_mem>>
        %dma_start3A_397 = arith.constant 0 : i32
        %dma_start3A_398 = arith.constant 0 : i32
        %dma_start3A_399 = tpu.memref_slice %run_scoped3A_8[%rem3A_386, %dma_start3A_397, %dma_start3A_398] : memref<2x1x128xi32, #tpu.memory_space<vmem>> -> memref<1x1x128xi32, #tpu.memory_space<vmem>>
        %dma_start3A_400 = tpu.memref_squeeze %dma_start3A_399 : memref<1x1x128xi32, #tpu.memory_space<vmem>> -> memref<1x128xi32, #tpu.memory_space<vmem>>
        %dma_start3A_401 = arith.constant 0 : i32
        %dma_start3A_402 = tpu.memref_slice %arg3[%mul3A_388, %dma_start3A_401] : memref<32x128xi32, #tpu.memory_space<hbm>> -> memref<1x128xi32, #tpu.memory_space<hbm>>
        tpu.enqueue_dma source(%dma_start3A_402 : memref<1x128xi32, #tpu.memory_space<hbm>>) target(%dma_start3A_400 : memref<1x128xi32, #tpu.memory_space<vmem>>) target_semaphore(%dma_start3A_396 : memref<!tpu.dma_semaphore, #tpu.memory_space<semaphore_mem>>)
        "tpu.trace_stop"() : () -> ()
      } else {
      }
      %and3A_179 = arith.constant true
      %and3A_180 = arith.andi %and3A_175, %and3A_179 : i1
      %add3A_181 = arith.constant 1 : i32
      %add3A_182 = arith.addi %select_n3A_89, %add3A_181 : i32
      %select_n3A_183 = arith.select %and3A_180, %add3A_182, %select_n3A_89 : i32
      %ne3A_184 = arith.cmpi ne, %add3A_124, %add3A_144 : i32
      %or3A_185 = arith.constant false
      %or3A_186 = arith.ori %or3A_185, %ne3A_184 : i1
      %or3A_187 = arith.constant false
      %or3A_188 = arith.ori %or3A_186, %or3A_187 : i1
      %ge3A_189 = arith.constant 0 : i32
      %ge3A_190 = arith.cmpi sge, %scan3A_118, %ge3A_189 : i32
      %not3A_191 = arith.constant true
      %not3A_192 = arith.xori %ge3A_190, %not3A_191 : i1
      %and3A_193 = arith.andi %or3A_188, %not3A_192 : i1
      %convert_element_type3A_194 = arith.extui %and3A_193 : i1 to i32
      %cond3A_195 = arith.constant 0 : i32
      %cond3A_196 = arith.cmpi ne, %convert_element_type3A_194, %cond3A_195 : i32
      scf.if %cond3A_196 {
        "tpu.trace_start"() <{level = 10 : i32, message = "ep_copy_in"}> : () -> ()
        %rem3A_385 = arith.constant 2 : i32
        %rem3A_386 = arith.remui %select_n3A_114, %rem3A_385 : i32
        %mul3A_387 = arith.constant 1 : i32
        %mul3A_388 = arith.muli %mul3A_387, %add3A_144 : i32
        %dma_start3A_389 = arith.constant 0 : i32
        %dma_start3A_390 = arith.constant 0 : i32
        %dma_start3A_391 = tpu.memref_slice %run_scoped3A_10[%rem3A_386, %dma_start3A_389, %dma_start3A_390] : memref<2x1x128xi32, #tpu.memory_space<vmem>> -> memref<1x1x128xi32, #tpu.memory_space<vmem>>
        %dma_start3A_392 = tpu.memref_squeeze %dma_start3A_391 : memref<1x1x128xi32, #tpu.memory_space<vmem>> -> memref<1x128xi32, #tpu.memory_space<vmem>>
        %dma_start3A_393 = arith.constant 0 : i32
        %dma_start3A_394 = tpu.memref_slice %arg4[%mul3A_388, %dma_start3A_393] : memref<32x128xi32, #tpu.memory_space<hbm>> -> memref<1x128xi32, #tpu.memory_space<hbm>>
        %dma_start3A_395 = tpu.memref_slice %run_scoped3A_11[%rem3A_386] : memref<2x!tpu.dma_semaphore, #tpu.memory_space<semaphore_mem>> -> memref<1x!tpu.dma_semaphore, #tpu.memory_space<semaphore_mem>>
        %dma_start3A_396 = tpu.memref_squeeze %dma_start3A_395 : memref<1x!tpu.dma_semaphore, #tpu.memory_space<semaphore_mem>> -> memref<!tpu.dma_semaphore, #tpu.memory_space<semaphore_mem>>
        %dma_start3A_397 = arith.constant 0 : i32
        %dma_start3A_398 = arith.constant 0 : i32
        %dma_start3A_399 = tpu.memref_slice %run_scoped3A_10[%rem3A_386, %dma_start3A_397, %dma_start3A_398] : memref<2x1x128xi32, #tpu.memory_space<vmem>> -> memref<1x1x128xi32, #tpu.memory_space<vmem>>
        %dma_start3A_400 = tpu.memref_squeeze %dma_start3A_399 : memref<1x1x128xi32, #tpu.memory_space<vmem>> -> memref<1x128xi32, #tpu.memory_space<vmem>>
        %dma_start3A_401 = arith.constant 0 : i32
        %dma_start3A_402 = tpu.memref_slice %arg4[%mul3A_388, %dma_start3A_401] : memref<32x128xi32, #tpu.memory_space<hbm>> -> memref<1x128xi32, #tpu.memory_space<hbm>>
        tpu.enqueue_dma source(%dma_start3A_402 : memref<1x128xi32, #tpu.memory_space<hbm>>) target(%dma_start3A_400 : memref<1x128xi32, #tpu.memory_space<vmem>>) target_semaphore(%dma_start3A_396 : memref<!tpu.dma_semaphore, #tpu.memory_space<semaphore_mem>>)
        "tpu.trace_stop"() : () -> ()
      } else {
      }
      %and3A_197 = arith.constant true
      %and3A_198 = arith.andi %and3A_193, %and3A_197 : i1
      %add3A_199 = arith.constant 1 : i32
      %add3A_200 = arith.addi %select_n3A_114, %add3A_199 : i32
      %select_n3A_201 = arith.select %and3A_198, %add3A_200, %select_n3A_114 : i32
      %ne3A_202 = arith.cmpi ne, %add3A_124, %add3A_134 : i32
      %or3A_203 = arith.constant false
      %or3A_204 = arith.ori %or3A_203, %ne3A_202 : i1
      %or3A_205 = arith.constant false
      %or3A_206 = arith.ori %or3A_204, %or3A_205 : i1
      %or3A_207 = arith.ori %or3A_206, %eq3A_120 : i1
      %convert_element_type3A_208 = arith.extui %or3A_207 : i1 to i32
      %cond3A_209 = arith.constant 0 : i32
      %cond3A_210 = arith.cmpi ne, %convert_element_type3A_208, %cond3A_209 : i32
      scf.if %cond3A_210 {
        "tpu.trace_start"() <{level = 10 : i32, message = "ep_wait_in"}> : () -> ()
        %mul3A_385 = arith.constant 128 : i32
        %mul3A_386 = arith.muli %mul3A_385, %add3A_124 : i32
        %rem3A_387 = arith.constant 2 : i32
        %rem3A_388 = arith.remui %scan3A, %rem3A_387 : i32
        %dma_wait3A = arith.constant 0 : i32
        %dma_wait3A_389 = arith.constant 0 : i32
        %dma_wait3A_390 = tpu.memref_slice %run_scoped3A[%rem3A_388, %dma_wait3A, %dma_wait3A_389] : memref<2x128x256xi32, #tpu.memory_space<vmem>> -> memref<1x128x256xi32, #tpu.memory_space<vmem>>
        %dma_wait3A_391 = tpu.memref_squeeze %dma_wait3A_390 : memref<1x128x256xi32, #tpu.memory_space<vmem>> -> memref<128x256xi32, #tpu.memory_space<vmem>>
        %dma_wait3A_392 = arith.constant 0 : i32
        %dma_wait3A_393 = tpu.memref_slice %arg2[%mul3A_386, %dma_wait3A_392] : memref<4096x256xi32, #tpu.memory_space<hbm>> -> memref<128x256xi32, #tpu.memory_space<hbm>>
        %dma_wait3A_394 = tpu.memref_slice %run_scoped3A_7[%rem3A_388] : memref<2x!tpu.dma_semaphore, #tpu.memory_space<semaphore_mem>> -> memref<1x!tpu.dma_semaphore, #tpu.memory_space<semaphore_mem>>
        %dma_wait3A_395 = tpu.memref_squeeze %dma_wait3A_394 : memref<1x!tpu.dma_semaphore, #tpu.memory_space<semaphore_mem>> -> memref<!tpu.dma_semaphore, #tpu.memory_space<semaphore_mem>>
        %dma_wait3A_396 = arith.constant 0 : i32
        %dma_wait3A_397 = arith.constant 0 : i32
        %dma_wait3A_398 = tpu.memref_slice %run_scoped3A[%rem3A_388, %dma_wait3A_396, %dma_wait3A_397] : memref<2x128x256xi32, #tpu.memory_space<vmem>> -> memref<1x128x256xi32, #tpu.memory_space<vmem>>
        %dma_wait3A_399 = tpu.memref_squeeze %dma_wait3A_398 : memref<1x128x256xi32, #tpu.memory_space<vmem>> -> memref<128x256xi32, #tpu.memory_space<vmem>>
        %dma_wait3A_400 = arith.constant 0 : i32
        %dma_wait3A_401 = tpu.memref_slice %arg2[%mul3A_386, %dma_wait3A_400] : memref<4096x256xi32, #tpu.memory_space<hbm>> -> memref<128x256xi32, #tpu.memory_space<hbm>>
        tpu.wait_dma2 semaphore(%dma_wait3A_395 : memref<!tpu.dma_semaphore, #tpu.memory_space<semaphore_mem>>) src(%dma_wait3A_401 : memref<128x256xi32, #tpu.memory_space<hbm>>) dst(%dma_wait3A_399 : memref<128x256xi32, #tpu.memory_space<vmem>>)
        "tpu.trace_stop"() : () -> ()
      } else {
      }
      %ne3A_211 = arith.cmpi ne, %add3A_124, %add3A_134 : i32
      %or3A_212 = arith.constant false
      %or3A_213 = arith.ori %or3A_212, %ne3A_211 : i1
      %or3A_214 = arith.constant false
      %or3A_215 = arith.ori %or3A_213, %or3A_214 : i1
      %or3A_216 = arith.ori %or3A_215, %eq3A_120 : i1
      %convert_element_type3A_217 = arith.extui %or3A_216 : i1 to i32
      %cond3A_218 = arith.constant 0 : i32
      %cond3A_219 = arith.cmpi ne, %convert_element_type3A_217, %cond3A_218 : i32
      scf.if %cond3A_219 {
        "tpu.trace_start"() <{level = 10 : i32, message = "ep_wait_in"}> : () -> ()
        %mul3A_385 = arith.constant 1 : i32
        %mul3A_386 = arith.muli %mul3A_385, %add3A_124 : i32
        %rem3A_387 = arith.constant 2 : i32
        %rem3A_388 = arith.remui %scan3A_115, %rem3A_387 : i32
        %dma_wait3A = arith.constant 0 : i32
        %dma_wait3A_389 = arith.constant 0 : i32
        %dma_wait3A_390 = tpu.memref_slice %run_scoped3A_8[%rem3A_388, %dma_wait3A, %dma_wait3A_389] : memref<2x1x128xi32, #tpu.memory_space<vmem>> -> memref<1x1x128xi32, #tpu.memory_space<vmem>>
        %dma_wait3A_391 = tpu.memref_squeeze %dma_wait3A_390 : memref<1x1x128xi32, #tpu.memory_space<vmem>> -> memref<1x128xi32, #tpu.memory_space<vmem>>
        %dma_wait3A_392 = arith.constant 0 : i32
        %dma_wait3A_393 = tpu.memref_slice %arg3[%mul3A_386, %dma_wait3A_392] : memref<32x128xi32, #tpu.memory_space<hbm>> -> memref<1x128xi32, #tpu.memory_space<hbm>>
        %dma_wait3A_394 = tpu.memref_slice %run_scoped3A_9[%rem3A_388] : memref<2x!tpu.dma_semaphore, #tpu.memory_space<semaphore_mem>> -> memref<1x!tpu.dma_semaphore, #tpu.memory_space<semaphore_mem>>
        %dma_wait3A_395 = tpu.memref_squeeze %dma_wait3A_394 : memref<1x!tpu.dma_semaphore, #tpu.memory_space<semaphore_mem>> -> memref<!tpu.dma_semaphore, #tpu.memory_space<semaphore_mem>>
        %dma_wait3A_396 = arith.constant 0 : i32
        %dma_wait3A_397 = arith.constant 0 : i32
        %dma_wait3A_398 = tpu.memref_slice %run_scoped3A_8[%rem3A_388, %dma_wait3A_396, %dma_wait3A_397] : memref<2x1x128xi32, #tpu.memory_space<vmem>> -> memref<1x1x128xi32, #tpu.memory_space<vmem>>
        %dma_wait3A_399 = tpu.memref_squeeze %dma_wait3A_398 : memref<1x1x128xi32, #tpu.memory_space<vmem>> -> memref<1x128xi32, #tpu.memory_space<vmem>>
        %dma_wait3A_400 = arith.constant 0 : i32
        %dma_wait3A_401 = tpu.memref_slice %arg3[%mul3A_386, %dma_wait3A_400] : memref<32x128xi32, #tpu.memory_space<hbm>> -> memref<1x128xi32, #tpu.memory_space<hbm>>
        tpu.wait_dma2 semaphore(%dma_wait3A_395 : memref<!tpu.dma_semaphore, #tpu.memory_space<semaphore_mem>>) src(%dma_wait3A_401 : memref<1x128xi32, #tpu.memory_space<hbm>>) dst(%dma_wait3A_399 : memref<1x128xi32, #tpu.memory_space<vmem>>)
        "tpu.trace_stop"() : () -> ()
      } else {
      }
      %ne3A_220 = arith.cmpi ne, %add3A_124, %add3A_134 : i32
      %or3A_221 = arith.constant false
      %or3A_222 = arith.ori %or3A_221, %ne3A_220 : i1
      %or3A_223 = arith.constant false
      %or3A_224 = arith.ori %or3A_222, %or3A_223 : i1
      %or3A_225 = arith.ori %or3A_224, %eq3A_120 : i1
      %convert_element_type3A_226 = arith.extui %or3A_225 : i1 to i32
      %cond3A_227 = arith.constant 0 : i32
      %cond3A_228 = arith.cmpi ne, %convert_element_type3A_226, %cond3A_227 : i32
      scf.if %cond3A_228 {
        "tpu.trace_start"() <{level = 10 : i32, message = "ep_wait_in"}> : () -> ()
        %mul3A_385 = arith.constant 1 : i32
        %mul3A_386 = arith.muli %mul3A_385, %add3A_124 : i32
        %rem3A_387 = arith.constant 2 : i32
        %rem3A_388 = arith.remui %scan3A_116, %rem3A_387 : i32
        %dma_wait3A = arith.constant 0 : i32
        %dma_wait3A_389 = arith.constant 0 : i32
        %dma_wait3A_390 = tpu.memref_slice %run_scoped3A_10[%rem3A_388, %dma_wait3A, %dma_wait3A_389] : memref<2x1x128xi32, #tpu.memory_space<vmem>> -> memref<1x1x128xi32, #tpu.memory_space<vmem>>
        %dma_wait3A_391 = tpu.memref_squeeze %dma_wait3A_390 : memref<1x1x128xi32, #tpu.memory_space<vmem>> -> memref<1x128xi32, #tpu.memory_space<vmem>>
        %dma_wait3A_392 = arith.constant 0 : i32
        %dma_wait3A_393 = tpu.memref_slice %arg4[%mul3A_386, %dma_wait3A_392] : memref<32x128xi32, #tpu.memory_space<hbm>> -> memref<1x128xi32, #tpu.memory_space<hbm>>
        %dma_wait3A_394 = tpu.memref_slice %run_scoped3A_11[%rem3A_388] : memref<2x!tpu.dma_semaphore, #tpu.memory_space<semaphore_mem>> -> memref<1x!tpu.dma_semaphore, #tpu.memory_space<semaphore_mem>>
        %dma_wait3A_395 = tpu.memref_squeeze %dma_wait3A_394 : memref<1x!tpu.dma_semaphore, #tpu.memory_space<semaphore_mem>> -> memref<!tpu.dma_semaphore, #tpu.memory_space<semaphore_mem>>
        %dma_wait3A_396 = arith.constant 0 : i32
        %dma_wait3A_397 = arith.constant 0 : i32
        %dma_wait3A_398 = tpu.memref_slice %run_scoped3A_10[%rem3A_388, %dma_wait3A_396, %dma_wait3A_397] : memref<2x1x128xi32, #tpu.memory_space<vmem>> -> memref<1x1x128xi32, #tpu.memory_space<vmem>>
        %dma_wait3A_399 = tpu.memref_squeeze %dma_wait3A_398 : memref<1x1x128xi32, #tpu.memory_space<vmem>> -> memref<1x128xi32, #tpu.memory_space<vmem>>
        %dma_wait3A_400 = arith.constant 0 : i32
        %dma_wait3A_401 = tpu.memref_slice %arg4[%mul3A_386, %dma_wait3A_400] : memref<32x128xi32, #tpu.memory_space<hbm>> -> memref<1x128xi32, #tpu.memory_space<hbm>>
        tpu.wait_dma2 semaphore(%dma_wait3A_395 : memref<!tpu.dma_semaphore, #tpu.memory_space<semaphore_mem>>) src(%dma_wait3A_401 : memref<1x128xi32, #tpu.memory_space<hbm>>) dst(%dma_wait3A_399 : memref<1x128xi32, #tpu.memory_space<vmem>>)
        "tpu.trace_stop"() : () -> ()
      } else {
      }
      %rem3A_229 = arith.constant 2 : i32
      %rem3A_230 = arith.remui %scan3A, %rem3A_229 : i32
      %rem3A_231 = arith.constant 2 : i32
      %rem3A_232 = arith.remui %scan3A_115, %rem3A_231 : i32
      %rem3A_233 = arith.constant 2 : i32
      %rem3A_234 = arith.remui %scan3A_116, %rem3A_233 : i32
      %run_scoped3A_235 = arith.constant 0 : i32
      "tpu.trace_start"() <{level = 10 : i32, message = "ep_run_kernel"}> : () -> ()
      "tpu.region"() ({
        %run_scoped3A_385 = tpu.sem_alloc : memref<!tpu.dma_semaphore, #tpu.memory_space<semaphore_mem>>
        %dma_start3A_386 = arith.constant 0 : i32
        %dma_start3A_387 = arith.constant 0 : i32
        %dma_start3A_388 = tpu.memref_slice %run_scoped3A[%rem3A_230, %dma_start3A_386, %dma_start3A_387] : memref<2x128x256xi32, #tpu.memory_space<vmem>> -> memref<1x128x256xi32, #tpu.memory_space<vmem>>
        %dma_start3A_389 = tpu.memref_squeeze %dma_start3A_388 : memref<1x128x256xi32, #tpu.memory_space<vmem>> -> memref<128x256xi32, #tpu.memory_space<vmem>>
        %dma_start3A_390 = arith.constant 0 : i32
        %dma_start3A_391 = arith.constant 0 : i32
        %dma_start3A_392 = tpu.memref_slice %run_scoped3A_8[%rem3A_232, %dma_start3A_390, %dma_start3A_391] : memref<2x1x128xi32, #tpu.memory_space<vmem>> -> memref<1x1x128xi32, #tpu.memory_space<vmem>>
        %dma_start3A_393 = tpu.memref_squeeze %dma_start3A_392 : memref<1x1x128xi32, #tpu.memory_space<vmem>> -> memref<1x128xi32, #tpu.memory_space<vmem>>
        %dma_start3A_394 = arith.constant 0 : i32
        %dma_start3A_395 = tpu.memref_slice %dma_start3A_393[%run_scoped3A_235, %dma_start3A_394] : memref<1x128xi32, #tpu.memory_space<vmem>> -> memref<1x128xi32, #tpu.memory_space<vmem>>
        %dma_start3A_396 = tpu.memref_squeeze %dma_start3A_395 : memref<1x128xi32, #tpu.memory_space<vmem>> -> memref<128xi32, #tpu.memory_space<vmem>>
        %dma_start3A_397 = arith.constant 0 : i32
        %dma_start3A_398 = arith.constant 0 : i32
        %dma_start3A_399 = tpu.memref_slice %arg5[%dma_start3A_397, %dma_start3A_398] : memref<12288x256xi32, #tpu.memory_space<hbm>> -> memref<12288x256xi32, #tpu.memory_space<hbm>>
        tpu.enqueue_indirect_dma source(%dma_start3A_389 : memref<128x256xi32, #tpu.memory_space<vmem>>) target(%dma_start3A_399 : memref<12288x256xi32, #tpu.memory_space<hbm>>) offsets(%dma_start3A_396 : memref<128xi32, #tpu.memory_space<vmem>>) semaphore(%run_scoped3A_385 : memref<!tpu.dma_semaphore, #tpu.memory_space<semaphore_mem>>)
        %dma_wait3A = arith.constant 0 : i32
        %dma_wait3A_400 = arith.constant 0 : i32
        %dma_wait3A_401 = tpu.memref_slice %run_scoped3A[%rem3A_230, %dma_wait3A, %dma_wait3A_400] : memref<2x128x256xi32, #tpu.memory_space<vmem>> -> memref<1x128x256xi32, #tpu.memory_space<vmem>>
        %dma_wait3A_402 = tpu.memref_squeeze %dma_wait3A_401 : memref<1x128x256xi32, #tpu.memory_space<vmem>> -> memref<128x256xi32, #tpu.memory_space<vmem>>
        %dma_wait3A_403 = arith.constant 0 : i32
        %dma_wait3A_404 = arith.constant 0 : i32
        %dma_wait3A_405 = tpu.memref_slice %run_scoped3A_8[%rem3A_232, %dma_wait3A_403, %dma_wait3A_404] : memref<2x1x128xi32, #tpu.memory_space<vmem>> -> memref<1x1x128xi32, #tpu.memory_space<vmem>>
        %dma_wait3A_406 = tpu.memref_squeeze %dma_wait3A_405 : memref<1x1x128xi32, #tpu.memory_space<vmem>> -> memref<1x128xi32, #tpu.memory_space<vmem>>
        %dma_wait3A_407 = arith.constant 0 : i32
        %dma_wait3A_408 = tpu.memref_slice %dma_wait3A_406[%run_scoped3A_235, %dma_wait3A_407] : memref<1x128xi32, #tpu.memory_space<vmem>> -> memref<1x128xi32, #tpu.memory_space<vmem>>
        %dma_wait3A_409 = tpu.memref_squeeze %dma_wait3A_408 : memref<1x128xi32, #tpu.memory_space<vmem>> -> memref<128xi32, #tpu.memory_space<vmem>>
        %dma_wait3A_410 = arith.constant 0 : i32
        %dma_wait3A_411 = arith.constant 0 : i32
        %dma_wait3A_412 = tpu.memref_slice %arg5[%dma_wait3A_410, %dma_wait3A_411] : memref<12288x256xi32, #tpu.memory_space<hbm>> -> memref<12288x256xi32, #tpu.memory_space<hbm>>
        tpu.wait_indirect_dma semaphore(%run_scoped3A_385 : memref<!tpu.dma_semaphore, #tpu.memory_space<semaphore_mem>>) src(%dma_wait3A_402 : memref<128x256xi32, #tpu.memory_space<vmem>>) dst(%dma_wait3A_412 : memref<12288x256xi32, #tpu.memory_space<hbm>>)
        tpu.yield
      }) : () -> ()
      %run_scoped3A_236 = arith.constant 0 : i32
      "tpu.region"() ({
        %run_scoped3A_385 = tpu.sem_alloc : memref<!tpu.dma_semaphore, #tpu.memory_space<semaphore_mem>>
        %dma_start3A_386 = arith.constant 0 : i32
        %dma_start3A_387 = arith.constant 0 : i32
        %dma_start3A_388 = tpu.memref_slice %run_scoped3A[%rem3A_230, %dma_start3A_386, %dma_start3A_387] : memref<2x128x256xi32, #tpu.memory_space<vmem>> -> memref<1x128x256xi32, #tpu.memory_space<vmem>>
        %dma_start3A_389 = tpu.memref_squeeze %dma_start3A_388 : memref<1x128x256xi32, #tpu.memory_space<vmem>> -> memref<128x256xi32, #tpu.memory_space<vmem>>
        %dma_start3A_390 = arith.constant 0 : i32
        %dma_start3A_391 = arith.constant 0 : i32
        %dma_start3A_392 = tpu.memref_slice %run_scoped3A_10[%rem3A_234, %dma_start3A_390, %dma_start3A_391] : memref<2x1x128xi32, #tpu.memory_space<vmem>> -> memref<1x1x128xi32, #tpu.memory_space<vmem>>
        %dma_start3A_393 = tpu.memref_squeeze %dma_start3A_392 : memref<1x1x128xi32, #tpu.memory_space<vmem>> -> memref<1x128xi32, #tpu.memory_space<vmem>>
        %dma_start3A_394 = arith.constant 0 : i32
        %dma_start3A_395 = tpu.memref_slice %dma_start3A_393[%run_scoped3A_236, %dma_start3A_394] : memref<1x128xi32, #tpu.memory_space<vmem>> -> memref<1x128xi32, #tpu.memory_space<vmem>>
        %dma_start3A_396 = tpu.memref_squeeze %dma_start3A_395 : memref<1x128xi32, #tpu.memory_space<vmem>> -> memref<128xi32, #tpu.memory_space<vmem>>
        %dma_start3A_397 = arith.constant 0 : i32
        %dma_start3A_398 = arith.constant 0 : i32
        %dma_start3A_399 = tpu.memref_slice %arg5[%dma_start3A_397, %dma_start3A_398] : memref<12288x256xi32, #tpu.memory_space<hbm>> -> memref<12288x256xi32, #tpu.memory_space<hbm>>
        tpu.enqueue_indirect_dma source(%dma_start3A_389 : memref<128x256xi32, #tpu.memory_space<vmem>>) target(%dma_start3A_399 : memref<12288x256xi32, #tpu.memory_space<hbm>>) offsets(%dma_start3A_396 : memref<128xi32, #tpu.memory_space<vmem>>) semaphore(%run_scoped3A_385 : memref<!tpu.dma_semaphore, #tpu.memory_space<semaphore_mem>>)
        %dma_wait3A = arith.constant 0 : i32
        %dma_wait3A_400 = arith.constant 0 : i32
        %dma_wait3A_401 = tpu.memref_slice %run_scoped3A[%rem3A_230, %dma_wait3A, %dma_wait3A_400] : memref<2x128x256xi32, #tpu.memory_space<vmem>> -> memref<1x128x256xi32, #tpu.memory_space<vmem>>
        %dma_wait3A_402 = tpu.memref_squeeze %dma_wait3A_401 : memref<1x128x256xi32, #tpu.memory_space<vmem>> -> memref<128x256xi32, #tpu.memory_space<vmem>>
        %dma_wait3A_403 = arith.constant 0 : i32
        %dma_wait3A_404 = arith.constant 0 : i32
        %dma_wait3A_405 = tpu.memref_slice %run_scoped3A_10[%rem3A_234, %dma_wait3A_403, %dma_wait3A_404] : memref<2x1x128xi32, #tpu.memory_space<vmem>> -> memref<1x1x128xi32, #tpu.memory_space<vmem>>
        %dma_wait3A_406 = tpu.memref_squeeze %dma_wait3A_405 : memref<1x1x128xi32, #tpu.memory_space<vmem>> -> memref<1x128xi32, #tpu.memory_space<vmem>>
        %dma_wait3A_407 = arith.constant 0 : i32
        %dma_wait3A_408 = tpu.memref_slice %dma_wait3A_406[%run_scoped3A_236, %dma_wait3A_407] : memref<1x128xi32, #tpu.memory_space<vmem>> -> memref<1x128xi32, #tpu.memory_space<vmem>>
        %dma_wait3A_409 = tpu.memref_squeeze %dma_wait3A_408 : memref<1x128xi32, #tpu.memory_space<vmem>> -> memref<128xi32, #tpu.memory_space<vmem>>
        %dma_wait3A_410 = arith.constant 0 : i32
        %dma_wait3A_411 = arith.constant 0 : i32
        %dma_wait3A_412 = tpu.memref_slice %arg5[%dma_wait3A_410, %dma_wait3A_411] : memref<12288x256xi32, #tpu.memory_space<hbm>> -> memref<12288x256xi32, #tpu.memory_space<hbm>>
        tpu.wait_indirect_dma semaphore(%run_scoped3A_385 : memref<!tpu.dma_semaphore, #tpu.memory_space<semaphore_mem>>) src(%dma_wait3A_402 : memref<128x256xi32, #tpu.memory_space<vmem>>) dst(%dma_wait3A_412 : memref<12288x256xi32, #tpu.memory_space<hbm>>)
        tpu.yield
      }) : () -> ()
      "tpu.trace_stop"() : () -> ()
      %ne3A_237 = arith.cmpi ne, %add3A_124, %add3A_144 : i32
      %or3A_238 = arith.constant false
      %or3A_239 = arith.ori %or3A_238, %ne3A_237 : i1
      %or3A_240 = arith.constant false
      %or3A_241 = arith.ori %or3A_239, %or3A_240 : i1
      %or3A_242 = arith.ori %or3A_241, %eq3A_122 : i1
      %convert_element_type3A_243 = arith.extui %or3A_242 : i1 to i32
      %cond3A_244 = arith.constant 0 : i32
      %cond3A_245 = arith.cmpi ne, %convert_element_type3A_243, %cond3A_244 : i32
      scf.if %cond3A_245 {
      } else {
      }
      %and3A_246 = arith.constant false
      %and3A_247 = arith.andi %or3A_242, %and3A_246 : i1
      %ne3A_248 = arith.cmpi ne, %add3A_124, %add3A_144 : i32
      %or3A_249 = arith.constant false
      %or3A_250 = arith.ori %or3A_249, %ne3A_248 : i1
      %or3A_251 = arith.constant false
      %or3A_252 = arith.ori %or3A_250, %or3A_251 : i1
      %or3A_253 = arith.ori %or3A_252, %eq3A_122 : i1
      %convert_element_type3A_254 = arith.extui %or3A_253 : i1 to i32
      %cond3A_255 = arith.constant 0 : i32
      %cond3A_256 = arith.cmpi ne, %convert_element_type3A_254, %cond3A_255 : i32
      scf.if %cond3A_256 {
      } else {
      }
      %and3A_257 = arith.constant false
      %and3A_258 = arith.andi %or3A_253, %and3A_257 : i1
      %ne3A_259 = arith.cmpi ne, %add3A_124, %add3A_144 : i32
      %or3A_260 = arith.constant false
      %or3A_261 = arith.ori %or3A_260, %ne3A_259 : i1
      %or3A_262 = arith.constant false
      %or3A_263 = arith.ori %or3A_261, %or3A_262 : i1
      %or3A_264 = arith.ori %or3A_263, %eq3A_122 : i1
      %convert_element_type3A_265 = arith.extui %or3A_264 : i1 to i32
      %cond3A_266 = arith.constant 0 : i32
      %cond3A_267 = arith.cmpi ne, %convert_element_type3A_265, %cond3A_266 : i32
      scf.if %cond3A_267 {
      } else {
      }
      %and3A_268 = arith.constant false
      %and3A_269 = arith.andi %or3A_264, %and3A_268 : i1
      %ne3A_270 = arith.cmpi ne, %add3A_124, %add3A_134 : i32
      %or3A_271 = arith.constant false
      %or3A_272 = arith.ori %or3A_271, %ne3A_270 : i1
      %or3A_273 = arith.constant false
      %or3A_274 = arith.ori %or3A_272, %or3A_273 : i1
      %not3A_275 = arith.constant true
      %not3A_276 = arith.xori %eq3A_120, %not3A_275 : i1
      %and3A_277 = arith.andi %or3A_274, %not3A_276 : i1
      %convert_element_type3A_278 = arith.extui %and3A_277 : i1 to i32
      %cond3A_279 = arith.constant 0 : i32
      %cond3A_280 = arith.cmpi ne, %convert_element_type3A_278, %cond3A_279 : i32
      scf.if %cond3A_280 {
      } else {
      }
      %and3A_281 = arith.constant false
      %and3A_282 = arith.andi %and3A_277, %and3A_281 : i1
      %ne3A_283 = arith.cmpi ne, %add3A_124, %add3A_134 : i32
      %or3A_284 = arith.constant false
      %or3A_285 = arith.ori %or3A_284, %ne3A_283 : i1
      %or3A_286 = arith.constant false
      %or3A_287 = arith.ori %or3A_285, %or3A_286 : i1
      %not3A_288 = arith.constant true
      %not3A_289 = arith.xori %eq3A_120, %not3A_288 : i1
      %and3A_290 = arith.andi %or3A_287, %not3A_289 : i1
      %convert_element_type3A_291 = arith.extui %and3A_290 : i1 to i32
      %cond3A_292 = arith.constant 0 : i32
      %cond3A_293 = arith.cmpi ne, %convert_element_type3A_291, %cond3A_292 : i32
      scf.if %cond3A_293 {
      } else {
      }
      %and3A_294 = arith.constant false
      %and3A_295 = arith.andi %and3A_290, %and3A_294 : i1
      %ne3A_296 = arith.cmpi ne, %add3A_124, %add3A_134 : i32
      %or3A_297 = arith.constant false
      %or3A_298 = arith.ori %or3A_297, %ne3A_296 : i1
      %or3A_299 = arith.constant false
      %or3A_300 = arith.ori %or3A_298, %or3A_299 : i1
      %not3A_301 = arith.constant true
      %not3A_302 = arith.xori %eq3A_120, %not3A_301 : i1
      %and3A_303 = arith.andi %or3A_300, %not3A_302 : i1
      %convert_element_type3A_304 = arith.extui %and3A_303 : i1 to i32
      %cond3A_305 = arith.constant 0 : i32
      %cond3A_306 = arith.cmpi ne, %convert_element_type3A_304, %cond3A_305 : i32
      scf.if %cond3A_306 {
      } else {
      }
      %and3A_307 = arith.constant false
      %and3A_308 = arith.andi %and3A_303, %and3A_307 : i1
      %ne3A_309 = arith.cmpi ne, %add3A_124, %add3A_144 : i32
      %or3A_310 = arith.constant false
      %or3A_311 = arith.ori %or3A_310, %ne3A_309 : i1
      %or3A_312 = arith.constant false
      %or3A_313 = arith.ori %or3A_311, %or3A_312 : i1
      %or3A_314 = arith.ori %or3A_313, %eq3A_122 : i1
      %add3A_315 = arith.constant 1 : i32
      %add3A_316 = arith.addi %scan3A, %add3A_315 : i32
      %select_n3A_317 = arith.select %or3A_314, %add3A_316, %scan3A : i32
      %ne3A_318 = arith.cmpi ne, %add3A_124, %add3A_144 : i32
      %or3A_319 = arith.constant false
      %or3A_320 = arith.ori %or3A_319, %ne3A_318 : i1
      %or3A_321 = arith.constant false
      %or3A_322 = arith.ori %or3A_320, %or3A_321 : i1
      %or3A_323 = arith.ori %or3A_322, %eq3A_122 : i1
      %add3A_324 = arith.constant 1 : i32
      %add3A_325 = arith.addi %scan3A_115, %add3A_324 : i32
      %select_n3A_326 = arith.select %or3A_323, %add3A_325, %scan3A_115 : i32
      %ne3A_327 = arith.cmpi ne, %add3A_124, %add3A_144 : i32
      %or3A_328 = arith.constant false
      %or3A_329 = arith.ori %or3A_328, %ne3A_327 : i1
      %or3A_330 = arith.constant false
      %or3A_331 = arith.ori %or3A_329, %or3A_330 : i1
      %or3A_332 = arith.ori %or3A_331, %eq3A_122 : i1
      %add3A_333 = arith.constant 1 : i32
      %add3A_334 = arith.addi %scan3A_116, %add3A_333 : i32
      %select_n3A_335 = arith.select %or3A_332, %add3A_334, %scan3A_116 : i32
      %select_n3A_336 = arith.constant true
      %select_n3A_337 = arith.constant 0 : i32
      %select_n3A_338 = arith.constant 1 : i32
      %select_n3A_339 = arith.select %select_n3A_336, %select_n3A_338, %select_n3A_337 : i32
      %eq3A_340 = arith.constant 1 : i32
      %eq3A_341 = arith.cmpi eq, %select_n3A_339, %eq3A_340 : i32
      %select_n3A_342 = arith.constant 0 : i32
      %select_n3A_343 = arith.select %eq3A_341, %select_n3A_342, %select_n3A_339 : i32
      %scan3A_344 = arith.constant 0 : i32
      %scan3A_345 = arith.constant 1 : i32
      %sub3A = arith.constant 1 : i32
      %sub3A_346 = arith.subi %scan3A_344, %sub3A : i32
      %select_n3A_347 = arith.constant true
      %select_n3A_348 = arith.select %select_n3A_347, %sub3A_346, %scan3A_344 : i32
      %eq3A_349 = arith.constant -1 : i32
      %eq3A_350 = arith.cmpi eq, %select_n3A_348, %eq3A_349 : i32
      %select_n3A_351 = arith.constant 0 : i32
      %select_n3A_352 = arith.select %eq3A_350, %select_n3A_351, %select_n3A_348 : i32
      %add3A_353 = arith.constant 0 : i32
      %add3A_354 = arith.addi %add3A_353, %mul3A_6 : i32
      %select_n3A_355 = arith.constant true
      %select_n3A_356 = arith.constant 0 : i32
      %select_n3A_357 = arith.constant -1 : i32
      %select_n3A_358 = arith.select %select_n3A_355, %select_n3A_357, %select_n3A_356 : i32
      %eq3A_359 = arith.constant -1 : i32
      %eq3A_360 = arith.cmpi eq, %select_n3A_358, %eq3A_359 : i32
      %select_n3A_361 = arith.constant 0 : i32
      %select_n3A_362 = arith.select %eq3A_360, %select_n3A_361, %select_n3A_358 : i32
      %add3A_363 = arith.constant 0 : i32
      %add3A_364 = arith.addi %add3A_363, %mul3A_6 : i32
      %select_n3A_365 = arith.constant true
      %select_n3A_366 = arith.constant 0 : i32
      %select_n3A_367 = arith.constant 1 : i32
      %select_n3A_368 = arith.select %select_n3A_365, %select_n3A_367, %select_n3A_366 : i32
      %eq3A_369 = arith.constant 1 : i32
      %eq3A_370 = arith.cmpi eq, %select_n3A_368, %eq3A_369 : i32
      %select_n3A_371 = arith.constant 0 : i32
      %select_n3A_372 = arith.select %eq3A_370, %select_n3A_371, %select_n3A_368 : i32
      %add3A_373 = arith.constant 0 : i32
      %add3A_374 = arith.addi %add3A_373, %mul3A_6 : i32
      %select_n3A_375 = arith.constant true
      %select_n3A_376 = arith.constant 0 : i32
      %select_n3A_377 = arith.constant 1 : i32
      %select_n3A_378 = arith.select %select_n3A_375, %select_n3A_377, %select_n3A_376 : i32
      %eq3A_379 = arith.constant 1 : i32
      %eq3A_380 = arith.cmpi eq, %select_n3A_378, %eq3A_379 : i32
      %select_n3A_381 = arith.constant 0 : i32
      %select_n3A_382 = arith.select %eq3A_380, %select_n3A_381, %select_n3A_378 : i32
      %add3A_383 = arith.constant 0 : i32
      %add3A_384 = arith.addi %add3A_383, %mul3A_6 : i32
      tpu.yield
    }) : () -> ()
    return
  }
}

#map = affine_map<(d0, d1) -> (0, 0)>
module attributes {stable_mosaic.version = 14 : i64} {
  func.func @kern(%arg0: i32, %arg1: i32, %arg2: memref<12288x256xi32, #tpu.memory_space<hbm>>, %arg3: memref<32x128xi32, #tpu.memory_space<hbm>>, %arg4: memref<4096x256xi32, #tpu.memory_space<hbm>>) attributes {dimension_semantics = [#tpu.dimension_semantics<core_parallel>, #tpu.dimension_semantics<subcore_parallel>], iteration_bounds = array<i64: 2, 16>, scalar_prefetch = 0 : i64, scratch_operands = 0 : i64, tpu.core_type = #tpu.core_type<sc_vector_subcore>, window_params = [{transform_indices = #map}, {transform_indices = #map}, {transform_indices = #map}]} {
    %mul3A = arith.constant 1 : i32
    %mul3A_0 = arith.muli %arg1, %mul3A : i32
    %add3A = arith.constant 0 : i32
    %add3A_1 = arith.addi %add3A, %mul3A_0 : i32
    %mul3A_2 = arith.constant 16 : i32
    %mul3A_3 = arith.muli %arg0, %mul3A_2 : i32
    %add3A_4 = arith.addi %add3A_1, %mul3A_3 : i32
    %mul3A_5 = arith.constant 1 : i32
    %mul3A_6 = arith.muli %add3A_4, %mul3A_5 : i32
    "tpu.region"() ({
      %run_scoped3A = memref.alloca() : memref<2x1x128xi32, #tpu.memory_space<vmem>>
      %run_scoped3A_7 = tpu.sem_alloc : memref<2x!tpu.dma_semaphore, #tpu.memory_space<semaphore_mem>>
      %run_scoped3A_8 = memref.alloca() : memref<2x128x256xi32, #tpu.memory_space<vmem>>
      %run_scoped3A_9 = tpu.sem_alloc : memref<2x!tpu.dma_semaphore, #tpu.memory_space<semaphore_mem>>
      %add3A_10 = arith.constant 0 : i32
      %add3A_11 = arith.addi %add3A_10, %mul3A_6 : i32
      %select_n3A = arith.constant true
      %select_n3A_12 = arith.constant 0 : i32
      %select_n3A_13 = arith.constant -1 : i32
      %select_n3A_14 = arith.select %select_n3A, %select_n3A_13, %select_n3A_12 : i32
      %eq3A = arith.constant -1 : i32
      %eq3A_15 = arith.cmpi eq, %select_n3A_14, %eq3A : i32
      %select_n3A_16 = arith.constant 0 : i32
      %select_n3A_17 = arith.select %eq3A_15, %select_n3A_16, %select_n3A_14 : i32
      %add3A_18 = arith.constant 0 : i32
      %add3A_19 = arith.addi %add3A_18, %mul3A_6 : i32
      %select_n3A_20 = arith.constant true
      %select_n3A_21 = arith.constant 0 : i32
      %select_n3A_22 = arith.constant 1 : i32
      %select_n3A_23 = arith.select %select_n3A_20, %select_n3A_22, %select_n3A_21 : i32
      %eq3A_24 = arith.constant 1 : i32
      %eq3A_25 = arith.cmpi eq, %select_n3A_23, %eq3A_24 : i32
      %select_n3A_26 = arith.constant 0 : i32
      %select_n3A_27 = arith.select %eq3A_25, %select_n3A_26, %select_n3A_23 : i32
      %add3A_28 = arith.constant 0 : i32
      %add3A_29 = arith.addi %add3A_28, %mul3A_6 : i32
      %select_n3A_30 = arith.constant true
      %select_n3A_31 = arith.constant 0 : i32
      %select_n3A_32 = arith.constant 1 : i32
      %select_n3A_33 = arith.select %select_n3A_30, %select_n3A_32, %select_n3A_31 : i32
      %eq3A_34 = arith.constant 1 : i32
      %eq3A_35 = arith.cmpi eq, %select_n3A_33, %eq3A_34 : i32
      %select_n3A_36 = arith.constant 0 : i32
      %select_n3A_37 = arith.select %eq3A_35, %select_n3A_36, %select_n3A_33 : i32
      %add3A_38 = arith.constant 0 : i32
      %add3A_39 = arith.addi %add3A_38, %mul3A_6 : i32
      "tpu.trace_start"() <{level = 10 : i32, message = "ep_initialize_0"}> : () -> ()
      %rem3A = arith.constant 0 : i32
      %rem3A_40 = arith.constant 2 : i32
      %rem3A_41 = arith.remui %rem3A, %rem3A_40 : i32
      %mul3A_42 = arith.constant 1 : i32
      %mul3A_43 = arith.muli %mul3A_42, %add3A_11 : i32
      %dma_start3A = arith.constant 0 : i32
      %dma_start3A_44 = arith.constant 0 : i32
      %dma_start3A_45 = tpu.memref_slice %run_scoped3A[%rem3A_41, %dma_start3A, %dma_start3A_44] : memref<2x1x128xi32, #tpu.memory_space<vmem>> -> memref<1x1x128xi32, #tpu.memory_space<vmem>>
      %dma_start3A_46 = tpu.memref_squeeze %dma_start3A_45 : memref<1x1x128xi32, #tpu.memory_space<vmem>> -> memref<1x128xi32, #tpu.memory_space<vmem>>
      %dma_start3A_47 = arith.constant 0 : i32
      %dma_start3A_48 = tpu.memref_slice %arg3[%mul3A_43, %dma_start3A_47] : memref<32x128xi32, #tpu.memory_space<hbm>> -> memref<1x128xi32, #tpu.memory_space<hbm>>
      %dma_start3A_49 = tpu.memref_slice %run_scoped3A_7[%rem3A_41] : memref<2x!tpu.dma_semaphore, #tpu.memory_space<semaphore_mem>> -> memref<1x!tpu.dma_semaphore, #tpu.memory_space<semaphore_mem>>
      %dma_start3A_50 = tpu.memref_squeeze %dma_start3A_49 : memref<1x!tpu.dma_semaphore, #tpu.memory_space<semaphore_mem>> -> memref<!tpu.dma_semaphore, #tpu.memory_space<semaphore_mem>>
      %dma_start3A_51 = arith.constant 0 : i32
      %dma_start3A_52 = arith.constant 0 : i32
      %dma_start3A_53 = tpu.memref_slice %run_scoped3A[%rem3A_41, %dma_start3A_51, %dma_start3A_52] : memref<2x1x128xi32, #tpu.memory_space<vmem>> -> memref<1x1x128xi32, #tpu.memory_space<vmem>>
      %dma_start3A_54 = tpu.memref_squeeze %dma_start3A_53 : memref<1x1x128xi32, #tpu.memory_space<vmem>> -> memref<1x128xi32, #tpu.memory_space<vmem>>
      %dma_start3A_55 = arith.constant 0 : i32
      %dma_start3A_56 = tpu.memref_slice %arg3[%mul3A_43, %dma_start3A_55] : memref<32x128xi32, #tpu.memory_space<hbm>> -> memref<1x128xi32, #tpu.memory_space<hbm>>
      tpu.enqueue_dma source(%dma_start3A_56 : memref<1x128xi32, #tpu.memory_space<hbm>>) target(%dma_start3A_54 : memref<1x128xi32, #tpu.memory_space<vmem>>) target_semaphore(%dma_start3A_50 : memref<!tpu.dma_semaphore, #tpu.memory_space<semaphore_mem>>)
      %add3A_57 = arith.constant 0 : i32
      %add3A_58 = arith.constant 1 : i32
      %add3A_59 = arith.addi %add3A_57, %add3A_58 : i32
      %select_n3A_60 = arith.constant true
      %select_n3A_61 = arith.constant 0 : i32
      %select_n3A_62 = arith.select %select_n3A_60, %add3A_59, %select_n3A_61 : i32
      "tpu.trace_stop"() : () -> ()
      %scan3A = arith.constant 0 : i32
      %scan3A_63 = arith.constant 0 : i32
      %scan3A_64 = arith.constant 0 : i32
      %scan3A_65 = arith.constant 0 : i32
      %scan3A_66 = arith.constant 0 : i32
      %eq3A_67 = arith.constant 0 : i32
      %eq3A_68 = arith.cmpi eq, %scan3A_66, %eq3A_67 : i32
      %eq3A_69 = arith.constant 0 : i32
      %eq3A_70 = arith.cmpi eq, %scan3A_66, %eq3A_69 : i32
      %add3A_71 = arith.constant 0 : i32
      %add3A_72 = arith.addi %add3A_71, %mul3A_6 : i32
      %select_n3A_73 = arith.constant true
      %select_n3A_74 = arith.constant 0 : i32
      %select_n3A_75 = arith.constant -1 : i32
      %select_n3A_76 = arith.select %select_n3A_73, %select_n3A_75, %select_n3A_74 : i32
      %eq3A_77 = arith.constant -1 : i32
      %eq3A_78 = arith.cmpi eq, %select_n3A_76, %eq3A_77 : i32
      %select_n3A_79 = arith.constant 0 : i32
      %select_n3A_80 = arith.select %eq3A_78, %select_n3A_79, %select_n3A_76 : i32
      %add3A_81 = arith.constant 0 : i32
      %add3A_82 = arith.addi %add3A_81, %mul3A_6 : i32
      %select_n3A_83 = arith.constant true
      %select_n3A_84 = arith.constant 0 : i32
      %select_n3A_85 = arith.constant 1 : i32
      %select_n3A_86 = arith.select %select_n3A_83, %select_n3A_85, %select_n3A_84 : i32
      %eq3A_87 = arith.constant 1 : i32
      %eq3A_88 = arith.cmpi eq, %select_n3A_86, %eq3A_87 : i32
      %select_n3A_89 = arith.constant 0 : i32
      %select_n3A_90 = arith.select %eq3A_88, %select_n3A_89, %select_n3A_86 : i32
      %add3A_91 = arith.constant 0 : i32
      %add3A_92 = arith.addi %add3A_91, %mul3A_6 : i32
      %select_n3A_93 = arith.constant true
      %select_n3A_94 = arith.constant 0 : i32
      %select_n3A_95 = arith.constant 1 : i32
      %select_n3A_96 = arith.select %select_n3A_93, %select_n3A_95, %select_n3A_94 : i32
      %eq3A_97 = arith.constant 1 : i32
      %eq3A_98 = arith.cmpi eq, %select_n3A_96, %eq3A_97 : i32
      %select_n3A_99 = arith.constant 0 : i32
      %select_n3A_100 = arith.select %eq3A_98, %select_n3A_99, %select_n3A_96 : i32
      %add3A_101 = arith.constant 0 : i32
      %add3A_102 = arith.addi %add3A_101, %mul3A_6 : i32
      %ne3A = arith.cmpi ne, %add3A_72, %add3A_92 : i32
      %or3A = arith.constant false
      %or3A_103 = arith.ori %or3A, %ne3A : i1
      %or3A_104 = arith.constant false
      %or3A_105 = arith.ori %or3A_103, %or3A_104 : i1
      %ge3A = arith.constant 0 : i32
      %ge3A_106 = arith.cmpi sge, %scan3A_66, %ge3A : i32
      %not3A = arith.constant true
      %not3A_107 = arith.xori %ge3A_106, %not3A : i1
      %and3A = arith.andi %or3A_105, %not3A_107 : i1
      %convert_element_type3A = arith.extui %and3A : i1 to i32
      %cond3A = arith.constant 0 : i32
      %cond3A_108 = arith.cmpi ne, %convert_element_type3A, %cond3A : i32
      scf.if %cond3A_108 {
        "tpu.trace_start"() <{level = 10 : i32, message = "ep_copy_in"}> : () -> ()
        %rem3A_276 = arith.constant 2 : i32
        %rem3A_277 = arith.remui %select_n3A_62, %rem3A_276 : i32
        %mul3A_278 = arith.constant 1 : i32
        %mul3A_279 = arith.muli %mul3A_278, %add3A_92 : i32
        %dma_start3A_280 = arith.constant 0 : i32
        %dma_start3A_281 = arith.constant 0 : i32
        %dma_start3A_282 = tpu.memref_slice %run_scoped3A[%rem3A_277, %dma_start3A_280, %dma_start3A_281] : memref<2x1x128xi32, #tpu.memory_space<vmem>> -> memref<1x1x128xi32, #tpu.memory_space<vmem>>
        %dma_start3A_283 = tpu.memref_squeeze %dma_start3A_282 : memref<1x1x128xi32, #tpu.memory_space<vmem>> -> memref<1x128xi32, #tpu.memory_space<vmem>>
        %dma_start3A_284 = arith.constant 0 : i32
        %dma_start3A_285 = tpu.memref_slice %arg3[%mul3A_279, %dma_start3A_284] : memref<32x128xi32, #tpu.memory_space<hbm>> -> memref<1x128xi32, #tpu.memory_space<hbm>>
        %dma_start3A_286 = tpu.memref_slice %run_scoped3A_7[%rem3A_277] : memref<2x!tpu.dma_semaphore, #tpu.memory_space<semaphore_mem>> -> memref<1x!tpu.dma_semaphore, #tpu.memory_space<semaphore_mem>>
        %dma_start3A_287 = tpu.memref_squeeze %dma_start3A_286 : memref<1x!tpu.dma_semaphore, #tpu.memory_space<semaphore_mem>> -> memref<!tpu.dma_semaphore, #tpu.memory_space<semaphore_mem>>
        %dma_start3A_288 = arith.constant 0 : i32
        %dma_start3A_289 = arith.constant 0 : i32
        %dma_start3A_290 = tpu.memref_slice %run_scoped3A[%rem3A_277, %dma_start3A_288, %dma_start3A_289] : memref<2x1x128xi32, #tpu.memory_space<vmem>> -> memref<1x1x128xi32, #tpu.memory_space<vmem>>
        %dma_start3A_291 = tpu.memref_squeeze %dma_start3A_290 : memref<1x1x128xi32, #tpu.memory_space<vmem>> -> memref<1x128xi32, #tpu.memory_space<vmem>>
        %dma_start3A_292 = arith.constant 0 : i32
        %dma_start3A_293 = tpu.memref_slice %arg3[%mul3A_279, %dma_start3A_292] : memref<32x128xi32, #tpu.memory_space<hbm>> -> memref<1x128xi32, #tpu.memory_space<hbm>>
        tpu.enqueue_dma source(%dma_start3A_293 : memref<1x128xi32, #tpu.memory_space<hbm>>) target(%dma_start3A_291 : memref<1x128xi32, #tpu.memory_space<vmem>>) target_semaphore(%dma_start3A_287 : memref<!tpu.dma_semaphore, #tpu.memory_space<semaphore_mem>>)
        "tpu.trace_stop"() : () -> ()
      } else {
      }
      %and3A_109 = arith.constant true
      %and3A_110 = arith.andi %and3A, %and3A_109 : i1
      %add3A_111 = arith.constant 1 : i32
      %add3A_112 = arith.addi %select_n3A_62, %add3A_111 : i32
      %select_n3A_113 = arith.select %and3A_110, %add3A_112, %select_n3A_62 : i32
      %ne3A_114 = arith.cmpi ne, %add3A_72, %add3A_92 : i32
      %or3A_115 = arith.constant false
      %or3A_116 = arith.ori %or3A_115, %ne3A_114 : i1
      %or3A_117 = arith.constant false
      %or3A_118 = arith.ori %or3A_116, %or3A_117 : i1
      %ge3A_119 = arith.constant 0 : i32
      %ge3A_120 = arith.cmpi sge, %scan3A_66, %ge3A_119 : i32
      %not3A_121 = arith.constant true
      %not3A_122 = arith.xori %ge3A_120, %not3A_121 : i1
      %and3A_123 = arith.andi %or3A_118, %not3A_122 : i1
      %ne3A_124 = arith.cmpi ne, %add3A_72, %add3A_82 : i32
      %or3A_125 = arith.constant false
      %or3A_126 = arith.ori %or3A_125, %ne3A_124 : i1
      %or3A_127 = arith.constant false
      %or3A_128 = arith.ori %or3A_126, %or3A_127 : i1
      %or3A_129 = arith.ori %or3A_128, %eq3A_68 : i1
      %convert_element_type3A_130 = arith.extui %or3A_129 : i1 to i32
      %cond3A_131 = arith.constant 0 : i32
      %cond3A_132 = arith.cmpi ne, %convert_element_type3A_130, %cond3A_131 : i32
      scf.if %cond3A_132 {
        "tpu.trace_start"() <{level = 10 : i32, message = "ep_wait_in"}> : () -> ()
        %mul3A_276 = arith.constant 1 : i32
        %mul3A_277 = arith.muli %mul3A_276, %add3A_72 : i32
        %rem3A_278 = arith.constant 2 : i32
        %rem3A_279 = arith.remui %scan3A, %rem3A_278 : i32
        %dma_wait3A_280 = arith.constant 0 : i32
        %dma_wait3A_281 = arith.constant 0 : i32
        %dma_wait3A_282 = tpu.memref_slice %run_scoped3A[%rem3A_279, %dma_wait3A_280, %dma_wait3A_281] : memref<2x1x128xi32, #tpu.memory_space<vmem>> -> memref<1x1x128xi32, #tpu.memory_space<vmem>>
        %dma_wait3A_283 = tpu.memref_squeeze %dma_wait3A_282 : memref<1x1x128xi32, #tpu.memory_space<vmem>> -> memref<1x128xi32, #tpu.memory_space<vmem>>
        %dma_wait3A_284 = arith.constant 0 : i32
        %dma_wait3A_285 = tpu.memref_slice %arg3[%mul3A_277, %dma_wait3A_284] : memref<32x128xi32, #tpu.memory_space<hbm>> -> memref<1x128xi32, #tpu.memory_space<hbm>>
        %dma_wait3A_286 = tpu.memref_slice %run_scoped3A_7[%rem3A_279] : memref<2x!tpu.dma_semaphore, #tpu.memory_space<semaphore_mem>> -> memref<1x!tpu.dma_semaphore, #tpu.memory_space<semaphore_mem>>
        %dma_wait3A_287 = tpu.memref_squeeze %dma_wait3A_286 : memref<1x!tpu.dma_semaphore, #tpu.memory_space<semaphore_mem>> -> memref<!tpu.dma_semaphore, #tpu.memory_space<semaphore_mem>>
        %dma_wait3A_288 = arith.constant 0 : i32
        %dma_wait3A_289 = arith.constant 0 : i32
        %dma_wait3A_290 = tpu.memref_slice %run_scoped3A[%rem3A_279, %dma_wait3A_288, %dma_wait3A_289] : memref<2x1x128xi32, #tpu.memory_space<vmem>> -> memref<1x1x128xi32, #tpu.memory_space<vmem>>
        %dma_wait3A_291 = tpu.memref_squeeze %dma_wait3A_290 : memref<1x1x128xi32, #tpu.memory_space<vmem>> -> memref<1x128xi32, #tpu.memory_space<vmem>>
        %dma_wait3A_292 = arith.constant 0 : i32
        %dma_wait3A_293 = tpu.memref_slice %arg3[%mul3A_277, %dma_wait3A_292] : memref<32x128xi32, #tpu.memory_space<hbm>> -> memref<1x128xi32, #tpu.memory_space<hbm>>
        tpu.wait_dma2 semaphore(%dma_wait3A_287 : memref<!tpu.dma_semaphore, #tpu.memory_space<semaphore_mem>>) src(%dma_wait3A_293 : memref<1x128xi32, #tpu.memory_space<hbm>>) dst(%dma_wait3A_291 : memref<1x128xi32, #tpu.memory_space<vmem>>)
        "tpu.trace_stop"() : () -> ()
      } else {
      }
      %ne3A_133 = arith.cmpi ne, %add3A_72, %add3A_82 : i32
      %or3A_134 = arith.constant false
      %or3A_135 = arith.ori %or3A_134, %ne3A_133 : i1
      %or3A_136 = arith.constant false
      %or3A_137 = arith.ori %or3A_135, %or3A_136 : i1
      %or3A_138 = arith.ori %or3A_137, %eq3A_68 : i1
      %convert_element_type3A_139 = arith.extui %or3A_138 : i1 to i32
      %cond3A_140 = arith.constant 0 : i32
      %cond3A_141 = arith.cmpi ne, %convert_element_type3A_139, %cond3A_140 : i32
      scf.if %cond3A_141 {
      } else {
      }
      %rem3A_142 = arith.constant 2 : i32
      %rem3A_143 = arith.remui %scan3A, %rem3A_142 : i32
      %rem3A_144 = arith.constant 2 : i32
      %rem3A_145 = arith.remui %scan3A_63, %rem3A_144 : i32
      %run_scoped3A_146 = arith.constant 0 : i32
      "tpu.trace_start"() <{level = 10 : i32, message = "ep_run_kernel"}> : () -> ()
      "tpu.region"() ({
        %run_scoped3A_276 = tpu.sem_alloc : memref<!tpu.dma_semaphore, #tpu.memory_space<semaphore_mem>>
        %dma_start3A_277 = arith.constant 0 : i32
        %dma_start3A_278 = arith.constant 0 : i32
        %dma_start3A_279 = tpu.memref_slice %run_scoped3A_8[%rem3A_145, %dma_start3A_277, %dma_start3A_278] : memref<2x128x256xi32, #tpu.memory_space<vmem>> -> memref<1x128x256xi32, #tpu.memory_space<vmem>>
        %dma_start3A_280 = tpu.memref_squeeze %dma_start3A_279 : memref<1x128x256xi32, #tpu.memory_space<vmem>> -> memref<128x256xi32, #tpu.memory_space<vmem>>
        %dma_start3A_281 = arith.constant 0 : i32
        %dma_start3A_282 = arith.constant 0 : i32
        %dma_start3A_283 = tpu.memref_slice %run_scoped3A[%rem3A_143, %dma_start3A_281, %dma_start3A_282] : memref<2x1x128xi32, #tpu.memory_space<vmem>> -> memref<1x1x128xi32, #tpu.memory_space<vmem>>
        %dma_start3A_284 = tpu.memref_squeeze %dma_start3A_283 : memref<1x1x128xi32, #tpu.memory_space<vmem>> -> memref<1x128xi32, #tpu.memory_space<vmem>>
        %dma_start3A_285 = arith.constant 0 : i32
        %dma_start3A_286 = tpu.memref_slice %dma_start3A_284[%run_scoped3A_146, %dma_start3A_285] : memref<1x128xi32, #tpu.memory_space<vmem>> -> memref<1x128xi32, #tpu.memory_space<vmem>>
        %dma_start3A_287 = tpu.memref_squeeze %dma_start3A_286 : memref<1x128xi32, #tpu.memory_space<vmem>> -> memref<128xi32, #tpu.memory_space<vmem>>
        %dma_start3A_288 = arith.constant 0 : i32
        %dma_start3A_289 = arith.constant 0 : i32
        %dma_start3A_290 = tpu.memref_slice %arg2[%dma_start3A_288, %dma_start3A_289] : memref<12288x256xi32, #tpu.memory_space<hbm>> -> memref<12288x256xi32, #tpu.memory_space<hbm>>
        tpu.enqueue_indirect_dma source(%dma_start3A_290 : memref<12288x256xi32, #tpu.memory_space<hbm>>) target(%dma_start3A_280 : memref<128x256xi32, #tpu.memory_space<vmem>>) offsets(%dma_start3A_287 : memref<128xi32, #tpu.memory_space<vmem>>) semaphore(%run_scoped3A_276 : memref<!tpu.dma_semaphore, #tpu.memory_space<semaphore_mem>>)
        %dma_wait3A_291 = arith.constant 0 : i32
        %dma_wait3A_292 = arith.constant 0 : i32
        %dma_wait3A_293 = tpu.memref_slice %run_scoped3A_8[%rem3A_145, %dma_wait3A_291, %dma_wait3A_292] : memref<2x128x256xi32, #tpu.memory_space<vmem>> -> memref<1x128x256xi32, #tpu.memory_space<vmem>>
        %dma_wait3A_294 = tpu.memref_squeeze %dma_wait3A_293 : memref<1x128x256xi32, #tpu.memory_space<vmem>> -> memref<128x256xi32, #tpu.memory_space<vmem>>
        %dma_wait3A_295 = arith.constant 0 : i32
        %dma_wait3A_296 = arith.constant 0 : i32
        %dma_wait3A_297 = tpu.memref_slice %run_scoped3A[%rem3A_143, %dma_wait3A_295, %dma_wait3A_296] : memref<2x1x128xi32, #tpu.memory_space<vmem>> -> memref<1x1x128xi32, #tpu.memory_space<vmem>>
        %dma_wait3A_298 = tpu.memref_squeeze %dma_wait3A_297 : memref<1x1x128xi32, #tpu.memory_space<vmem>> -> memref<1x128xi32, #tpu.memory_space<vmem>>
        %dma_wait3A_299 = arith.constant 0 : i32
        %dma_wait3A_300 = tpu.memref_slice %dma_wait3A_298[%run_scoped3A_146, %dma_wait3A_299] : memref<1x128xi32, #tpu.memory_space<vmem>> -> memref<1x128xi32, #tpu.memory_space<vmem>>
        %dma_wait3A_301 = tpu.memref_squeeze %dma_wait3A_300 : memref<1x128xi32, #tpu.memory_space<vmem>> -> memref<128xi32, #tpu.memory_space<vmem>>
        %dma_wait3A_302 = arith.constant 0 : i32
        %dma_wait3A_303 = arith.constant 0 : i32
        %dma_wait3A_304 = tpu.memref_slice %arg2[%dma_wait3A_302, %dma_wait3A_303] : memref<12288x256xi32, #tpu.memory_space<hbm>> -> memref<12288x256xi32, #tpu.memory_space<hbm>>
        tpu.wait_indirect_dma semaphore(%run_scoped3A_276 : memref<!tpu.dma_semaphore, #tpu.memory_space<semaphore_mem>>) src(%dma_wait3A_304 : memref<12288x256xi32, #tpu.memory_space<hbm>>) dst(%dma_wait3A_294 : memref<128x256xi32, #tpu.memory_space<vmem>>)
        tpu.yield
      }) : () -> ()
      "tpu.trace_stop"() : () -> ()
      %ne3A_147 = arith.cmpi ne, %add3A_72, %add3A_92 : i32
      %or3A_148 = arith.constant false
      %or3A_149 = arith.ori %or3A_148, %ne3A_147 : i1
      %or3A_150 = arith.constant false
      %or3A_151 = arith.ori %or3A_149, %or3A_150 : i1
      %or3A_152 = arith.ori %or3A_151, %eq3A_70 : i1
      %convert_element_type3A_153 = arith.extui %or3A_152 : i1 to i32
      %cond3A_154 = arith.constant 0 : i32
      %cond3A_155 = arith.cmpi ne, %convert_element_type3A_153, %cond3A_154 : i32
      scf.if %cond3A_155 {
      } else {
      }
      %and3A_156 = arith.constant false
      %and3A_157 = arith.andi %or3A_152, %and3A_156 : i1
      %ne3A_158 = arith.cmpi ne, %add3A_72, %add3A_92 : i32
      %or3A_159 = arith.constant false
      %or3A_160 = arith.ori %or3A_159, %ne3A_158 : i1
      %or3A_161 = arith.constant false
      %or3A_162 = arith.ori %or3A_160, %or3A_161 : i1
      %or3A_163 = arith.ori %or3A_162, %eq3A_70 : i1
      %convert_element_type3A_164 = arith.extui %or3A_163 : i1 to i32
      %cond3A_165 = arith.constant 0 : i32
      %cond3A_166 = arith.cmpi ne, %convert_element_type3A_164, %cond3A_165 : i32
      scf.if %cond3A_166 {
        "tpu.trace_start"() <{level = 10 : i32, message = "ep_copy_out"}> : () -> ()
        %rem3A_276 = arith.constant 2 : i32
        %rem3A_277 = arith.remui %scan3A_63, %rem3A_276 : i32
        %mul3A_278 = arith.constant 128 : i32
        %mul3A_279 = arith.muli %mul3A_278, %add3A_72 : i32
        %dma_start3A_280 = arith.constant 0 : i32
        %dma_start3A_281 = arith.constant 0 : i32
        %dma_start3A_282 = tpu.memref_slice %run_scoped3A_8[%rem3A_277, %dma_start3A_280, %dma_start3A_281] : memref<2x128x256xi32, #tpu.memory_space<vmem>> -> memref<1x128x256xi32, #tpu.memory_space<vmem>>
        %dma_start3A_283 = tpu.memref_squeeze %dma_start3A_282 : memref<1x128x256xi32, #tpu.memory_space<vmem>> -> memref<128x256xi32, #tpu.memory_space<vmem>>
        %dma_start3A_284 = arith.constant 0 : i32
        %dma_start3A_285 = tpu.memref_slice %arg4[%mul3A_279, %dma_start3A_284] : memref<4096x256xi32, #tpu.memory_space<hbm>> -> memref<128x256xi32, #tpu.memory_space<hbm>>
        %dma_start3A_286 = tpu.memref_slice %run_scoped3A_9[%rem3A_277] : memref<2x!tpu.dma_semaphore, #tpu.memory_space<semaphore_mem>> -> memref<1x!tpu.dma_semaphore, #tpu.memory_space<semaphore_mem>>
        %dma_start3A_287 = tpu.memref_squeeze %dma_start3A_286 : memref<1x!tpu.dma_semaphore, #tpu.memory_space<semaphore_mem>> -> memref<!tpu.dma_semaphore, #tpu.memory_space<semaphore_mem>>
        %dma_start3A_288 = arith.constant 0 : i32
        %dma_start3A_289 = tpu.memref_slice %arg4[%mul3A_279, %dma_start3A_288] : memref<4096x256xi32, #tpu.memory_space<hbm>> -> memref<128x256xi32, #tpu.memory_space<hbm>>
        %dma_start3A_290 = arith.constant 0 : i32
        %dma_start3A_291 = arith.constant 0 : i32
        %dma_start3A_292 = tpu.memref_slice %run_scoped3A_8[%rem3A_277, %dma_start3A_290, %dma_start3A_291] : memref<2x128x256xi32, #tpu.memory_space<vmem>> -> memref<1x128x256xi32, #tpu.memory_space<vmem>>
        %dma_start3A_293 = tpu.memref_squeeze %dma_start3A_292 : memref<1x128x256xi32, #tpu.memory_space<vmem>> -> memref<128x256xi32, #tpu.memory_space<vmem>>
        tpu.enqueue_dma source(%dma_start3A_293 : memref<128x256xi32, #tpu.memory_space<vmem>>) target(%dma_start3A_289 : memref<128x256xi32, #tpu.memory_space<hbm>>) target_semaphore(%dma_start3A_287 : memref<!tpu.dma_semaphore, #tpu.memory_space<semaphore_mem>>)
        "tpu.trace_stop"() : () -> ()
      } else {
      }
      %and3A_167 = arith.constant true
      %and3A_168 = arith.andi %or3A_163, %and3A_167 : i1
      %add3A_169 = arith.constant 1 : i32
      %add3A_170 = arith.addi %scan3A_63, %add3A_169 : i32
      %select_n3A_171 = arith.select %and3A_168, %add3A_170, %scan3A_63 : i32
      %ne3A_172 = arith.cmpi ne, %add3A_72, %add3A_82 : i32
      %or3A_173 = arith.constant false
      %or3A_174 = arith.ori %or3A_173, %ne3A_172 : i1
      %or3A_175 = arith.constant false
      %or3A_176 = arith.ori %or3A_174, %or3A_175 : i1
      %not3A_177 = arith.constant true
      %not3A_178 = arith.xori %eq3A_68, %not3A_177 : i1
      %and3A_179 = arith.andi %or3A_176, %not3A_178 : i1
      %convert_element_type3A_180 = arith.extui %and3A_179 : i1 to i32
      %cond3A_181 = arith.constant 0 : i32
      %cond3A_182 = arith.cmpi ne, %convert_element_type3A_180, %cond3A_181 : i32
      scf.if %cond3A_182 {
      } else {
      }
      %and3A_183 = arith.constant false
      %and3A_184 = arith.andi %and3A_179, %and3A_183 : i1
      %ne3A_185 = arith.cmpi ne, %add3A_72, %add3A_82 : i32
      %or3A_186 = arith.constant false
      %or3A_187 = arith.ori %or3A_186, %ne3A_185 : i1
      %or3A_188 = arith.constant false
      %or3A_189 = arith.ori %or3A_187, %or3A_188 : i1
      %not3A_190 = arith.constant true
      %not3A_191 = arith.xori %eq3A_68, %not3A_190 : i1
      %and3A_192 = arith.andi %or3A_189, %not3A_191 : i1
      %convert_element_type3A_193 = arith.extui %and3A_192 : i1 to i32
      %cond3A_194 = arith.constant 0 : i32
      %cond3A_195 = arith.cmpi ne, %convert_element_type3A_193, %cond3A_194 : i32
      scf.if %cond3A_195 {
        "tpu.trace_start"() <{level = 10 : i32, message = "ep_wait_out"}> : () -> ()
        %rem3A_276 = arith.constant 2 : i32
        %rem3A_277 = arith.remui %scan3A_64, %rem3A_276 : i32
        %mul3A_278 = arith.constant 128 : i32
        %mul3A_279 = arith.muli %mul3A_278, %add3A_82 : i32
        %dma_wait3A_280 = arith.constant 0 : i32
        %dma_wait3A_281 = arith.constant 0 : i32
        %dma_wait3A_282 = tpu.memref_slice %run_scoped3A_8[%rem3A_277, %dma_wait3A_280, %dma_wait3A_281] : memref<2x128x256xi32, #tpu.memory_space<vmem>> -> memref<1x128x256xi32, #tpu.memory_space<vmem>>
        %dma_wait3A_283 = tpu.memref_squeeze %dma_wait3A_282 : memref<1x128x256xi32, #tpu.memory_space<vmem>> -> memref<128x256xi32, #tpu.memory_space<vmem>>
        %dma_wait3A_284 = arith.constant 0 : i32
        %dma_wait3A_285 = tpu.memref_slice %arg4[%mul3A_279, %dma_wait3A_284] : memref<4096x256xi32, #tpu.memory_space<hbm>> -> memref<128x256xi32, #tpu.memory_space<hbm>>
        %dma_wait3A_286 = tpu.memref_slice %run_scoped3A_9[%rem3A_277] : memref<2x!tpu.dma_semaphore, #tpu.memory_space<semaphore_mem>> -> memref<1x!tpu.dma_semaphore, #tpu.memory_space<semaphore_mem>>
        %dma_wait3A_287 = tpu.memref_squeeze %dma_wait3A_286 : memref<1x!tpu.dma_semaphore, #tpu.memory_space<semaphore_mem>> -> memref<!tpu.dma_semaphore, #tpu.memory_space<semaphore_mem>>
        %dma_wait3A_288 = arith.constant 0 : i32
        %dma_wait3A_289 = tpu.memref_slice %arg4[%mul3A_279, %dma_wait3A_288] : memref<4096x256xi32, #tpu.memory_space<hbm>> -> memref<128x256xi32, #tpu.memory_space<hbm>>
        %dma_wait3A_290 = arith.constant 0 : i32
        %dma_wait3A_291 = arith.constant 0 : i32
        %dma_wait3A_292 = tpu.memref_slice %run_scoped3A_8[%rem3A_277, %dma_wait3A_290, %dma_wait3A_291] : memref<2x128x256xi32, #tpu.memory_space<vmem>> -> memref<1x128x256xi32, #tpu.memory_space<vmem>>
        %dma_wait3A_293 = tpu.memref_squeeze %dma_wait3A_292 : memref<1x128x256xi32, #tpu.memory_space<vmem>> -> memref<128x256xi32, #tpu.memory_space<vmem>>
        tpu.wait_dma2 semaphore(%dma_wait3A_287 : memref<!tpu.dma_semaphore, #tpu.memory_space<semaphore_mem>>) src(%dma_wait3A_293 : memref<128x256xi32, #tpu.memory_space<vmem>>) dst(%dma_wait3A_289 : memref<128x256xi32, #tpu.memory_space<hbm>>)
        "tpu.trace_stop"() : () -> ()
      } else {
      }
      %and3A_196 = arith.constant true
      %and3A_197 = arith.andi %and3A_192, %and3A_196 : i1
      %add3A_198 = arith.constant 1 : i32
      %add3A_199 = arith.addi %scan3A_64, %add3A_198 : i32
      %select_n3A_200 = arith.select %and3A_197, %add3A_199, %scan3A_64 : i32
      %ne3A_201 = arith.cmpi ne, %add3A_72, %add3A_92 : i32
      %or3A_202 = arith.constant false
      %or3A_203 = arith.ori %or3A_202, %ne3A_201 : i1
      %or3A_204 = arith.constant false
      %or3A_205 = arith.ori %or3A_203, %or3A_204 : i1
      %or3A_206 = arith.ori %or3A_205, %eq3A_70 : i1
      %add3A_207 = arith.constant 1 : i32
      %add3A_208 = arith.addi %scan3A, %add3A_207 : i32
      %select_n3A_209 = arith.select %or3A_206, %add3A_208, %scan3A : i32
      %select_n3A_210 = arith.constant true
      %select_n3A_211 = arith.constant 0 : i32
      %select_n3A_212 = arith.constant 1 : i32
      %select_n3A_213 = arith.select %select_n3A_210, %select_n3A_212, %select_n3A_211 : i32
      %eq3A_214 = arith.constant 1 : i32
      %eq3A_215 = arith.cmpi eq, %select_n3A_213, %eq3A_214 : i32
      %select_n3A_216 = arith.constant 0 : i32
      %select_n3A_217 = arith.select %eq3A_215, %select_n3A_216, %select_n3A_213 : i32
      %scan3A_218 = arith.constant 0 : i32
      %scan3A_219 = arith.constant 1 : i32
      %sub3A = arith.constant 1 : i32
      %sub3A_220 = arith.subi %scan3A_218, %sub3A : i32
      %select_n3A_221 = arith.constant true
      %select_n3A_222 = arith.select %select_n3A_221, %sub3A_220, %scan3A_218 : i32
      %eq3A_223 = arith.constant -1 : i32
      %eq3A_224 = arith.cmpi eq, %select_n3A_222, %eq3A_223 : i32
      %select_n3A_225 = arith.constant 0 : i32
      %select_n3A_226 = arith.select %eq3A_224, %select_n3A_225, %select_n3A_222 : i32
      %add3A_227 = arith.constant 0 : i32
      %add3A_228 = arith.addi %add3A_227, %mul3A_6 : i32
      %select_n3A_229 = arith.constant true
      %select_n3A_230 = arith.constant 0 : i32
      %select_n3A_231 = arith.constant -1 : i32
      %select_n3A_232 = arith.select %select_n3A_229, %select_n3A_231, %select_n3A_230 : i32
      %eq3A_233 = arith.constant -1 : i32
      %eq3A_234 = arith.cmpi eq, %select_n3A_232, %eq3A_233 : i32
      %select_n3A_235 = arith.constant 0 : i32
      %select_n3A_236 = arith.select %eq3A_234, %select_n3A_235, %select_n3A_232 : i32
      %add3A_237 = arith.constant 0 : i32
      %add3A_238 = arith.addi %add3A_237, %mul3A_6 : i32
      %select_n3A_239 = arith.constant true
      %select_n3A_240 = arith.constant 0 : i32
      %select_n3A_241 = arith.constant 1 : i32
      %select_n3A_242 = arith.select %select_n3A_239, %select_n3A_241, %select_n3A_240 : i32
      %eq3A_243 = arith.constant 1 : i32
      %eq3A_244 = arith.cmpi eq, %select_n3A_242, %eq3A_243 : i32
      %select_n3A_245 = arith.constant 0 : i32
      %select_n3A_246 = arith.select %eq3A_244, %select_n3A_245, %select_n3A_242 : i32
      %add3A_247 = arith.constant 0 : i32
      %add3A_248 = arith.addi %add3A_247, %mul3A_6 : i32
      %select_n3A_249 = arith.constant true
      %select_n3A_250 = arith.constant 0 : i32
      %select_n3A_251 = arith.constant 1 : i32
      %select_n3A_252 = arith.select %select_n3A_249, %select_n3A_251, %select_n3A_250 : i32
      %eq3A_253 = arith.constant 1 : i32
      %eq3A_254 = arith.cmpi eq, %select_n3A_252, %eq3A_253 : i32
      %select_n3A_255 = arith.constant 0 : i32
      %select_n3A_256 = arith.select %eq3A_254, %select_n3A_255, %select_n3A_252 : i32
      %add3A_257 = arith.constant 0 : i32
      %add3A_258 = arith.addi %add3A_257, %mul3A_6 : i32
      "tpu.trace_start"() <{level = 10 : i32, message = "ep_finalize"}> : () -> ()
      %rem3A_259 = arith.constant 2 : i32
      %rem3A_260 = arith.remui %select_n3A_200, %rem3A_259 : i32
      %mul3A_261 = arith.constant 128 : i32
      %mul3A_262 = arith.muli %mul3A_261, %add3A_228 : i32
      %dma_wait3A = arith.constant 0 : i32
      %dma_wait3A_263 = arith.constant 0 : i32
      %dma_wait3A_264 = tpu.memref_slice %run_scoped3A_8[%rem3A_260, %dma_wait3A, %dma_wait3A_263] : memref<2x128x256xi32, #tpu.memory_space<vmem>> -> memref<1x128x256xi32, #tpu.memory_space<vmem>>
      %dma_wait3A_265 = tpu.memref_squeeze %dma_wait3A_264 : memref<1x128x256xi32, #tpu.memory_space<vmem>> -> memref<128x256xi32, #tpu.memory_space<vmem>>
      %dma_wait3A_266 = arith.constant 0 : i32
      %dma_wait3A_267 = tpu.memref_slice %arg4[%mul3A_262, %dma_wait3A_266] : memref<4096x256xi32, #tpu.memory_space<hbm>> -> memref<128x256xi32, #tpu.memory_space<hbm>>
      %dma_wait3A_268 = tpu.memref_slice %run_scoped3A_9[%rem3A_260] : memref<2x!tpu.dma_semaphore, #tpu.memory_space<semaphore_mem>> -> memref<1x!tpu.dma_semaphore, #tpu.memory_space<semaphore_mem>>
      %dma_wait3A_269 = tpu.memref_squeeze %dma_wait3A_268 : memref<1x!tpu.dma_semaphore, #tpu.memory_space<semaphore_mem>> -> memref<!tpu.dma_semaphore, #tpu.memory_space<semaphore_mem>>
      %dma_wait3A_270 = arith.constant 0 : i32
      %dma_wait3A_271 = tpu.memref_slice %arg4[%mul3A_262, %dma_wait3A_270] : memref<4096x256xi32, #tpu.memory_space<hbm>> -> memref<128x256xi32, #tpu.memory_space<hbm>>
      %dma_wait3A_272 = arith.constant 0 : i32
      %dma_wait3A_273 = arith.constant 0 : i32
      %dma_wait3A_274 = tpu.memref_slice %run_scoped3A_8[%rem3A_260, %dma_wait3A_272, %dma_wait3A_273] : memref<2x128x256xi32, #tpu.memory_space<vmem>> -> memref<1x128x256xi32, #tpu.memory_space<vmem>>
      %dma_wait3A_275 = tpu.memref_squeeze %dma_wait3A_274 : memref<1x128x256xi32, #tpu.memory_space<vmem>> -> memref<128x256xi32, #tpu.memory_space<vmem>>
      tpu.wait_dma2 semaphore(%dma_wait3A_269 : memref<!tpu.dma_semaphore, #tpu.memory_space<semaphore_mem>>) src(%dma_wait3A_275 : memref<128x256xi32, #tpu.memory_space<vmem>>) dst(%dma_wait3A_271 : memref<128x256xi32, #tpu.memory_space<hbm>>)
      "tpu.trace_stop"() : () -> ()
      tpu.yield
    }) : () -> ()
    return
  }
}

#map = affine_map<(d0, d1) -> (0, 0)>
module attributes {stable_mosaic.version = 14 : i64} {
  func.func @kern(%arg0: i32, %arg1: i32, %arg2: memref<12288x256xi32, #tpu.memory_space<hbm>>, %arg3: memref<32x128xi32, #tpu.memory_space<hbm>>, %arg4: memref<4096x256xi32, #tpu.memory_space<hbm>>) attributes {dimension_semantics = [#tpu.dimension_semantics<core_parallel>, #tpu.dimension_semantics<subcore_parallel>], iteration_bounds = array<i64: 2, 16>, scalar_prefetch = 0 : i64, scratch_operands = 0 : i64, tpu.core_type = #tpu.core_type<sc_vector_subcore>, window_params = [{transform_indices = #map}, {transform_indices = #map}, {transform_indices = #map}]} {
    %mul3A = arith.constant 1 : i32
    %mul3A_0 = arith.muli %arg1, %mul3A : i32
    %add3A = arith.constant 0 : i32
    %add3A_1 = arith.addi %add3A, %mul3A_0 : i32
    %mul3A_2 = arith.constant 16 : i32
    %mul3A_3 = arith.muli %arg0, %mul3A_2 : i32
    %add3A_4 = arith.addi %add3A_1, %mul3A_3 : i32
    %mul3A_5 = arith.constant 1 : i32
    %mul3A_6 = arith.muli %add3A_4, %mul3A_5 : i32
    "tpu.region"() ({
      %run_scoped3A = memref.alloca() : memref<2x1x128xi32, #tpu.memory_space<vmem>>
      %run_scoped3A_7 = tpu.sem_alloc : memref<2x!tpu.dma_semaphore, #tpu.memory_space<semaphore_mem>>
      %run_scoped3A_8 = memref.alloca() : memref<2x128x256xi32, #tpu.memory_space<vmem>>
      %run_scoped3A_9 = tpu.sem_alloc : memref<2x!tpu.dma_semaphore, #tpu.memory_space<semaphore_mem>>
      %add3A_10 = arith.constant 0 : i32
      %add3A_11 = arith.addi %add3A_10, %mul3A_6 : i32
      %select_n3A = arith.constant true
      %select_n3A_12 = arith.constant 0 : i32
      %select_n3A_13 = arith.constant -1 : i32
      %select_n3A_14 = arith.select %select_n3A, %select_n3A_13, %select_n3A_12 : i32
      %eq3A = arith.constant -1 : i32
      %eq3A_15 = arith.cmpi eq, %select_n3A_14, %eq3A : i32
      %select_n3A_16 = arith.constant 0 : i32
      %select_n3A_17 = arith.select %eq3A_15, %select_n3A_16, %select_n3A_14 : i32
      %add3A_18 = arith.constant 0 : i32
      %add3A_19 = arith.addi %add3A_18, %mul3A_6 : i32
      %select_n3A_20 = arith.constant true
      %select_n3A_21 = arith.constant 0 : i32
      %select_n3A_22 = arith.constant 1 : i32
      %select_n3A_23 = arith.select %select_n3A_20, %select_n3A_22, %select_n3A_21 : i32
      %eq3A_24 = arith.constant 1 : i32
      %eq3A_25 = arith.cmpi eq, %select_n3A_23, %eq3A_24 : i32
      %select_n3A_26 = arith.constant 0 : i32
      %select_n3A_27 = arith.select %eq3A_25, %select_n3A_26, %select_n3A_23 : i32
      %add3A_28 = arith.constant 0 : i32
      %add3A_29 = arith.addi %add3A_28, %mul3A_6 : i32
      %select_n3A_30 = arith.constant true
      %select_n3A_31 = arith.constant 0 : i32
      %select_n3A_32 = arith.constant 1 : i32
      %select_n3A_33 = arith.select %select_n3A_30, %select_n3A_32, %select_n3A_31 : i32
      %eq3A_34 = arith.constant 1 : i32
      %eq3A_35 = arith.cmpi eq, %select_n3A_33, %eq3A_34 : i32
      %select_n3A_36 = arith.constant 0 : i32
      %select_n3A_37 = arith.select %eq3A_35, %select_n3A_36, %select_n3A_33 : i32
      %add3A_38 = arith.constant 0 : i32
      %add3A_39 = arith.addi %add3A_38, %mul3A_6 : i32
      "tpu.trace_start"() <{level = 10 : i32, message = "ep_initialize_0"}> : () -> ()
      %rem3A = arith.constant 0 : i32
      %rem3A_40 = arith.constant 2 : i32
      %rem3A_41 = arith.remui %rem3A, %rem3A_40 : i32
      %mul3A_42 = arith.constant 1 : i32
      %mul3A_43 = arith.muli %mul3A_42, %add3A_11 : i32
      %dma_start3A = arith.constant 0 : i32
      %dma_start3A_44 = arith.constant 0 : i32
      %dma_start3A_45 = tpu.memref_slice %run_scoped3A[%rem3A_41, %dma_start3A, %dma_start3A_44] : memref<2x1x128xi32, #tpu.memory_space<vmem>> -> memref<1x1x128xi32, #tpu.memory_space<vmem>>
      %dma_start3A_46 = tpu.memref_squeeze %dma_start3A_45 : memref<1x1x128xi32, #tpu.memory_space<vmem>> -> memref<1x128xi32, #tpu.memory_space<vmem>>
      %dma_start3A_47 = arith.constant 0 : i32
      %dma_start3A_48 = tpu.memref_slice %arg3[%mul3A_43, %dma_start3A_47] : memref<32x128xi32, #tpu.memory_space<hbm>> -> memref<1x128xi32, #tpu.memory_space<hbm>>
      %dma_start3A_49 = tpu.memref_slice %run_scoped3A_7[%rem3A_41] : memref<2x!tpu.dma_semaphore, #tpu.memory_space<semaphore_mem>> -> memref<1x!tpu.dma_semaphore, #tpu.memory_space<semaphore_mem>>
      %dma_start3A_50 = tpu.memref_squeeze %dma_start3A_49 : memref<1x!tpu.dma_semaphore, #tpu.memory_space<semaphore_mem>> -> memref<!tpu.dma_semaphore, #tpu.memory_space<semaphore_mem>>
      %dma_start3A_51 = arith.constant 0 : i32
      %dma_start3A_52 = arith.constant 0 : i32
      %dma_start3A_53 = tpu.memref_slice %run_scoped3A[%rem3A_41, %dma_start3A_51, %dma_start3A_52] : memref<2x1x128xi32, #tpu.memory_space<vmem>> -> memref<1x1x128xi32, #tpu.memory_space<vmem>>
      %dma_start3A_54 = tpu.memref_squeeze %dma_start3A_53 : memref<1x1x128xi32, #tpu.memory_space<vmem>> -> memref<1x128xi32, #tpu.memory_space<vmem>>
      %dma_start3A_55 = arith.constant 0 : i32
      %dma_start3A_56 = tpu.memref_slice %arg3[%mul3A_43, %dma_start3A_55] : memref<32x128xi32, #tpu.memory_space<hbm>> -> memref<1x128xi32, #tpu.memory_space<hbm>>
      tpu.enqueue_dma source(%dma_start3A_56 : memref<1x128xi32, #tpu.memory_space<hbm>>) target(%dma_start3A_54 : memref<1x128xi32, #tpu.memory_space<vmem>>) target_semaphore(%dma_start3A_50 : memref<!tpu.dma_semaphore, #tpu.memory_space<semaphore_mem>>)
      %add3A_57 = arith.constant 0 : i32
      %add3A_58 = arith.constant 1 : i32
      %add3A_59 = arith.addi %add3A_57, %add3A_58 : i32
      %select_n3A_60 = arith.constant true
      %select_n3A_61 = arith.constant 0 : i32
      %select_n3A_62 = arith.select %select_n3A_60, %add3A_59, %select_n3A_61 : i32
      "tpu.trace_stop"() : () -> ()
      %scan3A = arith.constant 0 : i32
      %scan3A_63 = arith.constant 0 : i32
      %scan3A_64 = arith.constant 0 : i32
      %scan3A_65 = arith.constant 0 : i32
      %scan3A_66 = arith.constant 0 : i32
      %eq3A_67 = arith.constant 0 : i32
      %eq3A_68 = arith.cmpi eq, %scan3A_66, %eq3A_67 : i32
      %eq3A_69 = arith.constant 0 : i32
      %eq3A_70 = arith.cmpi eq, %scan3A_66, %eq3A_69 : i32
      %add3A_71 = arith.constant 0 : i32
      %add3A_72 = arith.addi %add3A_71, %mul3A_6 : i32
      %select_n3A_73 = arith.constant true
      %select_n3A_74 = arith.constant 0 : i32
      %select_n3A_75 = arith.constant -1 : i32
      %select_n3A_76 = arith.select %select_n3A_73, %select_n3A_75, %select_n3A_74 : i32
      %eq3A_77 = arith.constant -1 : i32
      %eq3A_78 = arith.cmpi eq, %select_n3A_76, %eq3A_77 : i32
      %select_n3A_79 = arith.constant 0 : i32
      %select_n3A_80 = arith.select %eq3A_78, %select_n3A_79, %select_n3A_76 : i32
      %add3A_81 = arith.constant 0 : i32
      %add3A_82 = arith.addi %add3A_81, %mul3A_6 : i32
      %select_n3A_83 = arith.constant true
      %select_n3A_84 = arith.constant 0 : i32
      %select_n3A_85 = arith.constant 1 : i32
      %select_n3A_86 = arith.select %select_n3A_83, %select_n3A_85, %select_n3A_84 : i32
      %eq3A_87 = arith.constant 1 : i32
      %eq3A_88 = arith.cmpi eq, %select_n3A_86, %eq3A_87 : i32
      %select_n3A_89 = arith.constant 0 : i32
      %select_n3A_90 = arith.select %eq3A_88, %select_n3A_89, %select_n3A_86 : i32
      %add3A_91 = arith.constant 0 : i32
      %add3A_92 = arith.addi %add3A_91, %mul3A_6 : i32
      %select_n3A_93 = arith.constant true
      %select_n3A_94 = arith.constant 0 : i32
      %select_n3A_95 = arith.constant 1 : i32
      %select_n3A_96 = arith.select %select_n3A_93, %select_n3A_95, %select_n3A_94 : i32
      %eq3A_97 = arith.constant 1 : i32
      %eq3A_98 = arith.cmpi eq, %select_n3A_96, %eq3A_97 : i32
      %select_n3A_99 = arith.constant 0 : i32
      %select_n3A_100 = arith.select %eq3A_98, %select_n3A_99, %select_n3A_96 : i32
      %add3A_101 = arith.constant 0 : i32
      %add3A_102 = arith.addi %add3A_101, %mul3A_6 : i32
      %ne3A = arith.cmpi ne, %add3A_72, %add3A_92 : i32
      %or3A = arith.constant false
      %or3A_103 = arith.ori %or3A, %ne3A : i1
      %or3A_104 = arith.constant false
      %or3A_105 = arith.ori %or3A_103, %or3A_104 : i1
      %ge3A = arith.constant 0 : i32
      %ge3A_106 = arith.cmpi sge, %scan3A_66, %ge3A : i32
      %not3A = arith.constant true
      %not3A_107 = arith.xori %ge3A_106, %not3A : i1
      %and3A = arith.andi %or3A_105, %not3A_107 : i1
      %convert_element_type3A = arith.extui %and3A : i1 to i32
      %cond3A = arith.constant 0 : i32
      %cond3A_108 = arith.cmpi ne, %convert_element_type3A, %cond3A : i32
      scf.if %cond3A_108 {
        "tpu.trace_start"() <{level = 10 : i32, message = "ep_copy_in"}> : () -> ()
        %rem3A_276 = arith.constant 2 : i32
        %rem3A_277 = arith.remui %select_n3A_62, %rem3A_276 : i32
        %mul3A_278 = arith.constant 1 : i32
        %mul3A_279 = arith.muli %mul3A_278, %add3A_92 : i32
        %dma_start3A_280 = arith.constant 0 : i32
        %dma_start3A_281 = arith.constant 0 : i32
        %dma_start3A_282 = tpu.memref_slice %run_scoped3A[%rem3A_277, %dma_start3A_280, %dma_start3A_281] : memref<2x1x128xi32, #tpu.memory_space<vmem>> -> memref<1x1x128xi32, #tpu.memory_space<vmem>>
        %dma_start3A_283 = tpu.memref_squeeze %dma_start3A_282 : memref<1x1x128xi32, #tpu.memory_space<vmem>> -> memref<1x128xi32, #tpu.memory_space<vmem>>
        %dma_start3A_284 = arith.constant 0 : i32
        %dma_start3A_285 = tpu.memref_slice %arg3[%mul3A_279, %dma_start3A_284] : memref<32x128xi32, #tpu.memory_space<hbm>> -> memref<1x128xi32, #tpu.memory_space<hbm>>
        %dma_start3A_286 = tpu.memref_slice %run_scoped3A_7[%rem3A_277] : memref<2x!tpu.dma_semaphore, #tpu.memory_space<semaphore_mem>> -> memref<1x!tpu.dma_semaphore, #tpu.memory_space<semaphore_mem>>
        %dma_start3A_287 = tpu.memref_squeeze %dma_start3A_286 : memref<1x!tpu.dma_semaphore, #tpu.memory_space<semaphore_mem>> -> memref<!tpu.dma_semaphore, #tpu.memory_space<semaphore_mem>>
        %dma_start3A_288 = arith.constant 0 : i32
        %dma_start3A_289 = arith.constant 0 : i32
        %dma_start3A_290 = tpu.memref_slice %run_scoped3A[%rem3A_277, %dma_start3A_288, %dma_start3A_289] : memref<2x1x128xi32, #tpu.memory_space<vmem>> -> memref<1x1x128xi32, #tpu.memory_space<vmem>>
        %dma_start3A_291 = tpu.memref_squeeze %dma_start3A_290 : memref<1x1x128xi32, #tpu.memory_space<vmem>> -> memref<1x128xi32, #tpu.memory_space<vmem>>
        %dma_start3A_292 = arith.constant 0 : i32
        %dma_start3A_293 = tpu.memref_slice %arg3[%mul3A_279, %dma_start3A_292] : memref<32x128xi32, #tpu.memory_space<hbm>> -> memref<1x128xi32, #tpu.memory_space<hbm>>
        tpu.enqueue_dma source(%dma_start3A_293 : memref<1x128xi32, #tpu.memory_space<hbm>>) target(%dma_start3A_291 : memref<1x128xi32, #tpu.memory_space<vmem>>) target_semaphore(%dma_start3A_287 : memref<!tpu.dma_semaphore, #tpu.memory_space<semaphore_mem>>)
        "tpu.trace_stop"() : () -> ()
      } else {
      }
      %and3A_109 = arith.constant true
      %and3A_110 = arith.andi %and3A, %and3A_109 : i1
      %add3A_111 = arith.constant 1 : i32
      %add3A_112 = arith.addi %select_n3A_62, %add3A_111 : i32
      %select_n3A_113 = arith.select %and3A_110, %add3A_112, %select_n3A_62 : i32
      %ne3A_114 = arith.cmpi ne, %add3A_72, %add3A_92 : i32
      %or3A_115 = arith.constant false
      %or3A_116 = arith.ori %or3A_115, %ne3A_114 : i1
      %or3A_117 = arith.constant false
      %or3A_118 = arith.ori %or3A_116, %or3A_117 : i1
      %ge3A_119 = arith.constant 0 : i32
      %ge3A_120 = arith.cmpi sge, %scan3A_66, %ge3A_119 : i32
      %not3A_121 = arith.constant true
      %not3A_122 = arith.xori %ge3A_120, %not3A_121 : i1
      %and3A_123 = arith.andi %or3A_118, %not3A_122 : i1
      %ne3A_124 = arith.cmpi ne, %add3A_72, %add3A_82 : i32
      %or3A_125 = arith.constant false
      %or3A_126 = arith.ori %or3A_125, %ne3A_124 : i1
      %or3A_127 = arith.constant false
      %or3A_128 = arith.ori %or3A_126, %or3A_127 : i1
      %or3A_129 = arith.ori %or3A_128, %eq3A_68 : i1
      %convert_element_type3A_130 = arith.extui %or3A_129 : i1 to i32
      %cond3A_131 = arith.constant 0 : i32
      %cond3A_132 = arith.cmpi ne, %convert_element_type3A_130, %cond3A_131 : i32
      scf.if %cond3A_132 {
        "tpu.trace_start"() <{level = 10 : i32, message = "ep_wait_in"}> : () -> ()
        %mul3A_276 = arith.constant 1 : i32
        %mul3A_277 = arith.muli %mul3A_276, %add3A_72 : i32
        %rem3A_278 = arith.constant 2 : i32
        %rem3A_279 = arith.remui %scan3A, %rem3A_278 : i32
        %dma_wait3A_280 = arith.constant 0 : i32
        %dma_wait3A_281 = arith.constant 0 : i32
        %dma_wait3A_282 = tpu.memref_slice %run_scoped3A[%rem3A_279, %dma_wait3A_280, %dma_wait3A_281] : memref<2x1x128xi32, #tpu.memory_space<vmem>> -> memref<1x1x128xi32, #tpu.memory_space<vmem>>
        %dma_wait3A_283 = tpu.memref_squeeze %dma_wait3A_282 : memref<1x1x128xi32, #tpu.memory_space<vmem>> -> memref<1x128xi32, #tpu.memory_space<vmem>>
        %dma_wait3A_284 = arith.constant 0 : i32
        %dma_wait3A_285 = tpu.memref_slice %arg3[%mul3A_277, %dma_wait3A_284] : memref<32x128xi32, #tpu.memory_space<hbm>> -> memref<1x128xi32, #tpu.memory_space<hbm>>
        %dma_wait3A_286 = tpu.memref_slice %run_scoped3A_7[%rem3A_279] : memref<2x!tpu.dma_semaphore, #tpu.memory_space<semaphore_mem>> -> memref<1x!tpu.dma_semaphore, #tpu.memory_space<semaphore_mem>>
        %dma_wait3A_287 = tpu.memref_squeeze %dma_wait3A_286 : memref<1x!tpu.dma_semaphore, #tpu.memory_space<semaphore_mem>> -> memref<!tpu.dma_semaphore, #tpu.memory_space<semaphore_mem>>
        %dma_wait3A_288 = arith.constant 0 : i32
        %dma_wait3A_289 = arith.constant 0 : i32
        %dma_wait3A_290 = tpu.memref_slice %run_scoped3A[%rem3A_279, %dma_wait3A_288, %dma_wait3A_289] : memref<2x1x128xi32, #tpu.memory_space<vmem>> -> memref<1x1x128xi32, #tpu.memory_space<vmem>>
        %dma_wait3A_291 = tpu.memref_squeeze %dma_wait3A_290 : memref<1x1x128xi32, #tpu.memory_space<vmem>> -> memref<1x128xi32, #tpu.memory_space<vmem>>
        %dma_wait3A_292 = arith.constant 0 : i32
        %dma_wait3A_293 = tpu.memref_slice %arg3[%mul3A_277, %dma_wait3A_292] : memref<32x128xi32, #tpu.memory_space<hbm>> -> memref<1x128xi32, #tpu.memory_space<hbm>>
        tpu.wait_dma2 semaphore(%dma_wait3A_287 : memref<!tpu.dma_semaphore, #tpu.memory_space<semaphore_mem>>) src(%dma_wait3A_293 : memref<1x128xi32, #tpu.memory_space<hbm>>) dst(%dma_wait3A_291 : memref<1x128xi32, #tpu.memory_space<vmem>>)
        "tpu.trace_stop"() : () -> ()
      } else {
      }
      %ne3A_133 = arith.cmpi ne, %add3A_72, %add3A_82 : i32
      %or3A_134 = arith.constant false
      %or3A_135 = arith.ori %or3A_134, %ne3A_133 : i1
      %or3A_136 = arith.constant false
      %or3A_137 = arith.ori %or3A_135, %or3A_136 : i1
      %or3A_138 = arith.ori %or3A_137, %eq3A_68 : i1
      %convert_element_type3A_139 = arith.extui %or3A_138 : i1 to i32
      %cond3A_140 = arith.constant 0 : i32
      %cond3A_141 = arith.cmpi ne, %convert_element_type3A_139, %cond3A_140 : i32
      scf.if %cond3A_141 {
      } else {
      }
      %rem3A_142 = arith.constant 2 : i32
      %rem3A_143 = arith.remui %scan3A, %rem3A_142 : i32
      %rem3A_144 = arith.constant 2 : i32
      %rem3A_145 = arith.remui %scan3A_63, %rem3A_144 : i32
      %run_scoped3A_146 = arith.constant 0 : i32
      "tpu.trace_start"() <{level = 10 : i32, message = "ep_run_kernel"}> : () -> ()
      "tpu.region"() ({
        %run_scoped3A_276 = tpu.sem_alloc : memref<!tpu.dma_semaphore, #tpu.memory_space<semaphore_mem>>
        %dma_start3A_277 = arith.constant 0 : i32
        %dma_start3A_278 = arith.constant 0 : i32
        %dma_start3A_279 = tpu.memref_slice %run_scoped3A_8[%rem3A_145, %dma_start3A_277, %dma_start3A_278] : memref<2x128x256xi32, #tpu.memory_space<vmem>> -> memref<1x128x256xi32, #tpu.memory_space<vmem>>
        %dma_start3A_280 = tpu.memref_squeeze %dma_start3A_279 : memref<1x128x256xi32, #tpu.memory_space<vmem>> -> memref<128x256xi32, #tpu.memory_space<vmem>>
        %dma_start3A_281 = arith.constant 0 : i32
        %dma_start3A_282 = arith.constant 0 : i32
        %dma_start3A_283 = tpu.memref_slice %run_scoped3A[%rem3A_143, %dma_start3A_281, %dma_start3A_282] : memref<2x1x128xi32, #tpu.memory_space<vmem>> -> memref<1x1x128xi32, #tpu.memory_space<vmem>>
        %dma_start3A_284 = tpu.memref_squeeze %dma_start3A_283 : memref<1x1x128xi32, #tpu.memory_space<vmem>> -> memref<1x128xi32, #tpu.memory_space<vmem>>
        %dma_start3A_285 = arith.constant 0 : i32
        %dma_start3A_286 = tpu.memref_slice %dma_start3A_284[%run_scoped3A_146, %dma_start3A_285] : memref<1x128xi32, #tpu.memory_space<vmem>> -> memref<1x128xi32, #tpu.memory_space<vmem>>
        %dma_start3A_287 = tpu.memref_squeeze %dma_start3A_286 : memref<1x128xi32, #tpu.memory_space<vmem>> -> memref<128xi32, #tpu.memory_space<vmem>>
        %dma_start3A_288 = arith.constant 0 : i32
        %dma_start3A_289 = arith.constant 0 : i32
        %dma_start3A_290 = tpu.memref_slice %arg2[%dma_start3A_288, %dma_start3A_289] : memref<12288x256xi32, #tpu.memory_space<hbm>> -> memref<12288x256xi32, #tpu.memory_space<hbm>>
        tpu.enqueue_indirect_dma source(%dma_start3A_290 : memref<12288x256xi32, #tpu.memory_space<hbm>>) target(%dma_start3A_280 : memref<128x256xi32, #tpu.memory_space<vmem>>) offsets(%dma_start3A_287 : memref<128xi32, #tpu.memory_space<vmem>>) semaphore(%run_scoped3A_276 : memref<!tpu.dma_semaphore, #tpu.memory_space<semaphore_mem>>)
        %dma_wait3A_291 = arith.constant 0 : i32
        %dma_wait3A_292 = arith.constant 0 : i32
        %dma_wait3A_293 = tpu.memref_slice %run_scoped3A_8[%rem3A_145, %dma_wait3A_291, %dma_wait3A_292] : memref<2x128x256xi32, #tpu.memory_space<vmem>> -> memref<1x128x256xi32, #tpu.memory_space<vmem>>
        %dma_wait3A_294 = tpu.memref_squeeze %dma_wait3A_293 : memref<1x128x256xi32, #tpu.memory_space<vmem>> -> memref<128x256xi32, #tpu.memory_space<vmem>>
        %dma_wait3A_295 = arith.constant 0 : i32
        %dma_wait3A_296 = arith.constant 0 : i32
        %dma_wait3A_297 = tpu.memref_slice %run_scoped3A[%rem3A_143, %dma_wait3A_295, %dma_wait3A_296] : memref<2x1x128xi32, #tpu.memory_space<vmem>> -> memref<1x1x128xi32, #tpu.memory_space<vmem>>
        %dma_wait3A_298 = tpu.memref_squeeze %dma_wait3A_297 : memref<1x1x128xi32, #tpu.memory_space<vmem>> -> memref<1x128xi32, #tpu.memory_space<vmem>>
        %dma_wait3A_299 = arith.constant 0 : i32
        %dma_wait3A_300 = tpu.memref_slice %dma_wait3A_298[%run_scoped3A_146, %dma_wait3A_299] : memref<1x128xi32, #tpu.memory_space<vmem>> -> memref<1x128xi32, #tpu.memory_space<vmem>>
        %dma_wait3A_301 = tpu.memref_squeeze %dma_wait3A_300 : memref<1x128xi32, #tpu.memory_space<vmem>> -> memref<128xi32, #tpu.memory_space<vmem>>
        %dma_wait3A_302 = arith.constant 0 : i32
        %dma_wait3A_303 = arith.constant 0 : i32
        %dma_wait3A_304 = tpu.memref_slice %arg2[%dma_wait3A_302, %dma_wait3A_303] : memref<12288x256xi32, #tpu.memory_space<hbm>> -> memref<12288x256xi32, #tpu.memory_space<hbm>>
        tpu.wait_indirect_dma semaphore(%run_scoped3A_276 : memref<!tpu.dma_semaphore, #tpu.memory_space<semaphore_mem>>) src(%dma_wait3A_304 : memref<12288x256xi32, #tpu.memory_space<hbm>>) dst(%dma_wait3A_294 : memref<128x256xi32, #tpu.memory_space<vmem>>)
        tpu.yield
      }) : () -> ()
      "tpu.trace_stop"() : () -> ()
      %ne3A_147 = arith.cmpi ne, %add3A_72, %add3A_92 : i32
      %or3A_148 = arith.constant false
      %or3A_149 = arith.ori %or3A_148, %ne3A_147 : i1
      %or3A_150 = arith.constant false
      %or3A_151 = arith.ori %or3A_149, %or3A_150 : i1
      %or3A_152 = arith.ori %or3A_151, %eq3A_70 : i1
      %convert_element_type3A_153 = arith.extui %or3A_152 : i1 to i32
      %cond3A_154 = arith.constant 0 : i32
      %cond3A_155 = arith.cmpi ne, %convert_element_type3A_153, %cond3A_154 : i32
      scf.if %cond3A_155 {
      } else {
      }
      %and3A_156 = arith.constant false
      %and3A_157 = arith.andi %or3A_152, %and3A_156 : i1
      %ne3A_158 = arith.cmpi ne, %add3A_72, %add3A_92 : i32
      %or3A_159 = arith.constant false
      %or3A_160 = arith.ori %or3A_159, %ne3A_158 : i1
      %or3A_161 = arith.constant false
      %or3A_162 = arith.ori %or3A_160, %or3A_161 : i1
      %or3A_163 = arith.ori %or3A_162, %eq3A_70 : i1
      %convert_element_type3A_164 = arith.extui %or3A_163 : i1 to i32
      %cond3A_165 = arith.constant 0 : i32
      %cond3A_166 = arith.cmpi ne, %convert_element_type3A_164, %cond3A_165 : i32
      scf.if %cond3A_166 {
        "tpu.trace_start"() <{level = 10 : i32, message = "ep_copy_out"}> : () -> ()
        %rem3A_276 = arith.constant 2 : i32
        %rem3A_277 = arith.remui %scan3A_63, %rem3A_276 : i32
        %mul3A_278 = arith.constant 128 : i32
        %mul3A_279 = arith.muli %mul3A_278, %add3A_72 : i32
        %dma_start3A_280 = arith.constant 0 : i32
        %dma_start3A_281 = arith.constant 0 : i32
        %dma_start3A_282 = tpu.memref_slice %run_scoped3A_8[%rem3A_277, %dma_start3A_280, %dma_start3A_281] : memref<2x128x256xi32, #tpu.memory_space<vmem>> -> memref<1x128x256xi32, #tpu.memory_space<vmem>>
        %dma_start3A_283 = tpu.memref_squeeze %dma_start3A_282 : memref<1x128x256xi32, #tpu.memory_space<vmem>> -> memref<128x256xi32, #tpu.memory_space<vmem>>
        %dma_start3A_284 = arith.constant 0 : i32
        %dma_start3A_285 = tpu.memref_slice %arg4[%mul3A_279, %dma_start3A_284] : memref<4096x256xi32, #tpu.memory_space<hbm>> -> memref<128x256xi32, #tpu.memory_space<hbm>>
        %dma_start3A_286 = tpu.memref_slice %run_scoped3A_9[%rem3A_277] : memref<2x!tpu.dma_semaphore, #tpu.memory_space<semaphore_mem>> -> memref<1x!tpu.dma_semaphore, #tpu.memory_space<semaphore_mem>>
        %dma_start3A_287 = tpu.memref_squeeze %dma_start3A_286 : memref<1x!tpu.dma_semaphore, #tpu.memory_space<semaphore_mem>> -> memref<!tpu.dma_semaphore, #tpu.memory_space<semaphore_mem>>
        %dma_start3A_288 = arith.constant 0 : i32
        %dma_start3A_289 = tpu.memref_slice %arg4[%mul3A_279, %dma_start3A_288] : memref<4096x256xi32, #tpu.memory_space<hbm>> -> memref<128x256xi32, #tpu.memory_space<hbm>>
        %dma_start3A_290 = arith.constant 0 : i32
        %dma_start3A_291 = arith.constant 0 : i32
        %dma_start3A_292 = tpu.memref_slice %run_scoped3A_8[%rem3A_277, %dma_start3A_290, %dma_start3A_291] : memref<2x128x256xi32, #tpu.memory_space<vmem>> -> memref<1x128x256xi32, #tpu.memory_space<vmem>>
        %dma_start3A_293 = tpu.memref_squeeze %dma_start3A_292 : memref<1x128x256xi32, #tpu.memory_space<vmem>> -> memref<128x256xi32, #tpu.memory_space<vmem>>
        tpu.enqueue_dma source(%dma_start3A_293 : memref<128x256xi32, #tpu.memory_space<vmem>>) target(%dma_start3A_289 : memref<128x256xi32, #tpu.memory_space<hbm>>) target_semaphore(%dma_start3A_287 : memref<!tpu.dma_semaphore, #tpu.memory_space<semaphore_mem>>)
        "tpu.trace_stop"() : () -> ()
      } else {
      }
      %and3A_167 = arith.constant true
      %and3A_168 = arith.andi %or3A_163, %and3A_167 : i1
      %add3A_169 = arith.constant 1 : i32
      %add3A_170 = arith.addi %scan3A_63, %add3A_169 : i32
      %select_n3A_171 = arith.select %and3A_168, %add3A_170, %scan3A_63 : i32
      %ne3A_172 = arith.cmpi ne, %add3A_72, %add3A_82 : i32
      %or3A_173 = arith.constant false
      %or3A_174 = arith.ori %or3A_173, %ne3A_172 : i1
      %or3A_175 = arith.constant false
      %or3A_176 = arith.ori %or3A_174, %or3A_175 : i1
      %not3A_177 = arith.constant true
      %not3A_178 = arith.xori %eq3A_68, %not3A_177 : i1
      %and3A_179 = arith.andi %or3A_176, %not3A_178 : i1
      %convert_element_type3A_180 = arith.extui %and3A_179 : i1 to i32
      %cond3A_181 = arith.constant 0 : i32
      %cond3A_182 = arith.cmpi ne, %convert_element_type3A_180, %cond3A_181 : i32
      scf.if %cond3A_182 {
      } else {
      }
      %and3A_183 = arith.constant false
      %and3A_184 = arith.andi %and3A_179, %and3A_183 : i1
      %ne3A_185 = arith.cmpi ne, %add3A_72, %add3A_82 : i32
      %or3A_186 = arith.constant false
      %or3A_187 = arith.ori %or3A_186, %ne3A_185 : i1
      %or3A_188 = arith.constant false
      %or3A_189 = arith.ori %or3A_187, %or3A_188 : i1
      %not3A_190 = arith.constant true
      %not3A_191 = arith.xori %eq3A_68, %not3A_190 : i1
      %and3A_192 = arith.andi %or3A_189, %not3A_191 : i1
      %convert_element_type3A_193 = arith.extui %and3A_192 : i1 to i32
      %cond3A_194 = arith.constant 0 : i32
      %cond3A_195 = arith.cmpi ne, %convert_element_type3A_193, %cond3A_194 : i32
      scf.if %cond3A_195 {
        "tpu.trace_start"() <{level = 10 : i32, message = "ep_wait_out"}> : () -> ()
        %rem3A_276 = arith.constant 2 : i32
        %rem3A_277 = arith.remui %scan3A_64, %rem3A_276 : i32
        %mul3A_278 = arith.constant 128 : i32
        %mul3A_279 = arith.muli %mul3A_278, %add3A_82 : i32
        %dma_wait3A_280 = arith.constant 0 : i32
        %dma_wait3A_281 = arith.constant 0 : i32
        %dma_wait3A_282 = tpu.memref_slice %run_scoped3A_8[%rem3A_277, %dma_wait3A_280, %dma_wait3A_281] : memref<2x128x256xi32, #tpu.memory_space<vmem>> -> memref<1x128x256xi32, #tpu.memory_space<vmem>>
        %dma_wait3A_283 = tpu.memref_squeeze %dma_wait3A_282 : memref<1x128x256xi32, #tpu.memory_space<vmem>> -> memref<128x256xi32, #tpu.memory_space<vmem>>
        %dma_wait3A_284 = arith.constant 0 : i32
        %dma_wait3A_285 = tpu.memref_slice %arg4[%mul3A_279, %dma_wait3A_284] : memref<4096x256xi32, #tpu.memory_space<hbm>> -> memref<128x256xi32, #tpu.memory_space<hbm>>
        %dma_wait3A_286 = tpu.memref_slice %run_scoped3A_9[%rem3A_277] : memref<2x!tpu.dma_semaphore, #tpu.memory_space<semaphore_mem>> -> memref<1x!tpu.dma_semaphore, #tpu.memory_space<semaphore_mem>>
        %dma_wait3A_287 = tpu.memref_squeeze %dma_wait3A_286 : memref<1x!tpu.dma_semaphore, #tpu.memory_space<semaphore_mem>> -> memref<!tpu.dma_semaphore, #tpu.memory_space<semaphore_mem>>
        %dma_wait3A_288 = arith.constant 0 : i32
        %dma_wait3A_289 = tpu.memref_slice %arg4[%mul3A_279, %dma_wait3A_288] : memref<4096x256xi32, #tpu.memory_space<hbm>> -> memref<128x256xi32, #tpu.memory_space<hbm>>
        %dma_wait3A_290 = arith.constant 0 : i32
        %dma_wait3A_291 = arith.constant 0 : i32
        %dma_wait3A_292 = tpu.memref_slice %run_scoped3A_8[%rem3A_277, %dma_wait3A_290, %dma_wait3A_291] : memref<2x128x256xi32, #tpu.memory_space<vmem>> -> memref<1x128x256xi32, #tpu.memory_space<vmem>>
        %dma_wait3A_293 = tpu.memref_squeeze %dma_wait3A_292 : memref<1x128x256xi32, #tpu.memory_space<vmem>> -> memref<128x256xi32, #tpu.memory_space<vmem>>
        tpu.wait_dma2 semaphore(%dma_wait3A_287 : memref<!tpu.dma_semaphore, #tpu.memory_space<semaphore_mem>>) src(%dma_wait3A_293 : memref<128x256xi32, #tpu.memory_space<vmem>>) dst(%dma_wait3A_289 : memref<128x256xi32, #tpu.memory_space<hbm>>)
        "tpu.trace_stop"() : () -> ()
      } else {
      }
      %and3A_196 = arith.constant true
      %and3A_197 = arith.andi %and3A_192, %and3A_196 : i1
      %add3A_198 = arith.constant 1 : i32
      %add3A_199 = arith.addi %scan3A_64, %add3A_198 : i32
      %select_n3A_200 = arith.select %and3A_197, %add3A_199, %scan3A_64 : i32
      %ne3A_201 = arith.cmpi ne, %add3A_72, %add3A_92 : i32
      %or3A_202 = arith.constant false
      %or3A_203 = arith.ori %or3A_202, %ne3A_201 : i1
      %or3A_204 = arith.constant false
      %or3A_205 = arith.ori %or3A_203, %or3A_204 : i1
      %or3A_206 = arith.ori %or3A_205, %eq3A_70 : i1
      %add3A_207 = arith.constant 1 : i32
      %add3A_208 = arith.addi %scan3A, %add3A_207 : i32
      %select_n3A_209 = arith.select %or3A_206, %add3A_208, %scan3A : i32
      %select_n3A_210 = arith.constant true
      %select_n3A_211 = arith.constant 0 : i32
      %select_n3A_212 = arith.constant 1 : i32
      %select_n3A_213 = arith.select %select_n3A_210, %select_n3A_212, %select_n3A_211 : i32
      %eq3A_214 = arith.constant 1 : i32
      %eq3A_215 = arith.cmpi eq, %select_n3A_213, %eq3A_214 : i32
      %select_n3A_216 = arith.constant 0 : i32
      %select_n3A_217 = arith.select %eq3A_215, %select_n3A_216, %select_n3A_213 : i32
      %scan3A_218 = arith.constant 0 : i32
      %scan3A_219 = arith.constant 1 : i32
      %sub3A = arith.constant 1 : i32
      %sub3A_220 = arith.subi %scan3A_218, %sub3A : i32
      %select_n3A_221 = arith.constant true
      %select_n3A_222 = arith.select %select_n3A_221, %sub3A_220, %scan3A_218 : i32
      %eq3A_223 = arith.constant -1 : i32
      %eq3A_224 = arith.cmpi eq, %select_n3A_222, %eq3A_223 : i32
      %select_n3A_225 = arith.constant 0 : i32
      %select_n3A_226 = arith.select %eq3A_224, %select_n3A_225, %select_n3A_222 : i32
      %add3A_227 = arith.constant 0 : i32
      %add3A_228 = arith.addi %add3A_227, %mul3A_6 : i32
      %select_n3A_229 = arith.constant true
      %select_n3A_230 = arith.constant 0 : i32
      %select_n3A_231 = arith.constant -1 : i32
      %select_n3A_232 = arith.select %select_n3A_229, %select_n3A_231, %select_n3A_230 : i32
      %eq3A_233 = arith.constant -1 : i32
      %eq3A_234 = arith.cmpi eq, %select_n3A_232, %eq3A_233 : i32
      %select_n3A_235 = arith.constant 0 : i32
      %select_n3A_236 = arith.select %eq3A_234, %select_n3A_235, %select_n3A_232 : i32
      %add3A_237 = arith.constant 0 : i32
      %add3A_238 = arith.addi %add3A_237, %mul3A_6 : i32
      %select_n3A_239 = arith.constant true
      %select_n3A_240 = arith.constant 0 : i32
      %select_n3A_241 = arith.constant 1 : i32
      %select_n3A_242 = arith.select %select_n3A_239, %select_n3A_241, %select_n3A_240 : i32
      %eq3A_243 = arith.constant 1 : i32
      %eq3A_244 = arith.cmpi eq, %select_n3A_242, %eq3A_243 : i32
      %select_n3A_245 = arith.constant 0 : i32
      %select_n3A_246 = arith.select %eq3A_244, %select_n3A_245, %select_n3A_242 : i32
      %add3A_247 = arith.constant 0 : i32
      %add3A_248 = arith.addi %add3A_247, %mul3A_6 : i32
      %select_n3A_249 = arith.constant true
      %select_n3A_250 = arith.constant 0 : i32
      %select_n3A_251 = arith.constant 1 : i32
      %select_n3A_252 = arith.select %select_n3A_249, %select_n3A_251, %select_n3A_250 : i32
      %eq3A_253 = arith.constant 1 : i32
      %eq3A_254 = arith.cmpi eq, %select_n3A_252, %eq3A_253 : i32
      %select_n3A_255 = arith.constant 0 : i32
      %select_n3A_256 = arith.select %eq3A_254, %select_n3A_255, %select_n3A_252 : i32
      %add3A_257 = arith.constant 0 : i32
      %add3A_258 = arith.addi %add3A_257, %mul3A_6 : i32
      "tpu.trace_start"() <{level = 10 : i32, message = "ep_finalize"}> : () -> ()
      %rem3A_259 = arith.constant 2 : i32
      %rem3A_260 = arith.remui %select_n3A_200, %rem3A_259 : i32
      %mul3A_261 = arith.constant 128 : i32
      %mul3A_262 = arith.muli %mul3A_261, %add3A_228 : i32
      %dma_wait3A = arith.constant 0 : i32
      %dma_wait3A_263 = arith.constant 0 : i32
      %dma_wait3A_264 = tpu.memref_slice %run_scoped3A_8[%rem3A_260, %dma_wait3A, %dma_wait3A_263] : memref<2x128x256xi32, #tpu.memory_space<vmem>> -> memref<1x128x256xi32, #tpu.memory_space<vmem>>
      %dma_wait3A_265 = tpu.memref_squeeze %dma_wait3A_264 : memref<1x128x256xi32, #tpu.memory_space<vmem>> -> memref<128x256xi32, #tpu.memory_space<vmem>>
      %dma_wait3A_266 = arith.constant 0 : i32
      %dma_wait3A_267 = tpu.memref_slice %arg4[%mul3A_262, %dma_wait3A_266] : memref<4096x256xi32, #tpu.memory_space<hbm>> -> memref<128x256xi32, #tpu.memory_space<hbm>>
      %dma_wait3A_268 = tpu.memref_slice %run_scoped3A_9[%rem3A_260] : memref<2x!tpu.dma_semaphore, #tpu.memory_space<semaphore_mem>> -> memref<1x!tpu.dma_semaphore, #tpu.memory_space<semaphore_mem>>
      %dma_wait3A_269 = tpu.memref_squeeze %dma_wait3A_268 : memref<1x!tpu.dma_semaphore, #tpu.memory_space<semaphore_mem>> -> memref<!tpu.dma_semaphore, #tpu.memory_space<semaphore_mem>>
      %dma_wait3A_270 = arith.constant 0 : i32
      %dma_wait3A_271 = tpu.memref_slice %arg4[%mul3A_262, %dma_wait3A_270] : memref<4096x256xi32, #tpu.memory_space<hbm>> -> memref<128x256xi32, #tpu.memory_space<hbm>>
      %dma_wait3A_272 = arith.constant 0 : i32
      %dma_wait3A_273 = arith.constant 0 : i32
      %dma_wait3A_274 = tpu.memref_slice %run_scoped3A_8[%rem3A_260, %dma_wait3A_272, %dma_wait3A_273] : memref<2x128x256xi32, #tpu.memory_space<vmem>> -> memref<1x128x256xi32, #tpu.memory_space<vmem>>
      %dma_wait3A_275 = tpu.memref_squeeze %dma_wait3A_274 : memref<1x128x256xi32, #tpu.memory_space<vmem>> -> memref<128x256xi32, #tpu.memory_space<vmem>>
      tpu.wait_dma2 semaphore(%dma_wait3A_269 : memref<!tpu.dma_semaphore, #tpu.memory_space<semaphore_mem>>) src(%dma_wait3A_275 : memref<128x256xi32, #tpu.memory_space<vmem>>) dst(%dma_wait3A_271 : memref<128x256xi32, #tpu.memory_space<hbm>>)
      "tpu.trace_stop"() : () -> ()
      tpu.yield
    }) : () -> ()
    return
  }
}

module attributes {stable_mosaic.version = 14 : i64} {
  func.func @_attn_kernel(%arg0: i32, %arg1: i32, %arg2: memref<1x512x128xbf16, #tpu.memory_space<vmem>>, %arg3: memref<1x2048x128xbf16, #tpu.memory_space<vmem>>, %arg4: memref<1x2048x128xbf16, #tpu.memory_space<vmem>>, %arg5: memref<1x512x128xbf16, #tpu.memory_space<vmem>>) attributes {dimension_semantics = [#tpu.dimension_semantics<arbitrary>, #tpu.dimension_semantics<arbitrary>], iteration_bounds = array<i64: 8, 4>, scalar_prefetch = 0 : i64, scratch_operands = 0 : i64, tpu.core_type = #tpu.core_type<tc>, window_params = [{transform_indices = @transform_0, window_bounds = array<i64: 1, 512, 128>}, {transform_indices = @transform_1, window_bounds = array<i64: 1, 2048, 128>}, {transform_indices = @transform_2, window_bounds = array<i64: 1, 2048, 128>}, {transform_indices = @transform_3, window_bounds = array<i64: 1, 512, 128>}]} {
    %get3A = arith.constant 0 : index
    %get3A_0 = arith.constant 0 : index
    %get3A_1 = arith.constant 0 : index
    %get3A_2 = vector.load %arg2[%get3A, %get3A_0, %get3A_1] : memref<1x512x128xbf16, #tpu.memory_space<vmem>>, vector<1x512x128xbf16>
    %get3A_3 = vector.shape_cast %get3A_2 : vector<1x512x128xbf16> to vector<512x128xbf16>
    %iota3A = tpu.iota {dimensions = array<i32: 1>} : vector<512x128xi32>
    %lt3A = arith.constant 64 : i32
    %lt3A_4 = vector.broadcast %lt3A : i32 to vector<512x128xi32>
    %lt3A_5 = arith.cmpi slt, %iota3A, %lt3A_4 : vector<512x128xi32>
    %jit3A = arith.constant 0.000000e+00 : bf16
    %broadcast_in_dim3A = vector.broadcast %jit3A : bf16 to vector<512x128xbf16>
    %select_n3A = arith.select %lt3A_5, %get3A_3, %broadcast_in_dim3A : vector<512x128xi1>, vector<512x128xbf16>
    %jit3A_6 = arith.constant 0.000000e+00 : bf16
    %broadcast_in_dim3A_7 = vector.broadcast %jit3A_6 : bf16 to vector<512x128xbf16>
    %select_n3A_8 = arith.select %lt3A_5, %broadcast_in_dim3A_7, %get3A_3 : vector<512x128xi1>, vector<512x128xbf16>
    %iota3A_9 = tpu.iota {dimensions = array<i32: 0>} : vector<512x512xi32>
    %mul3A = arith.constant 512 : i32
    %mul3A_10 = arith.muli %arg1, %mul3A : i32
    %add3A = vector.broadcast %mul3A_10 : i32 to vector<512x512xi32>
    %add3A_11 = arith.addi %iota3A_9, %add3A : vector<512x512xi32>
    %broadcast_in_dim3A_12 = arith.constant -1.000000e+30 : f32
    %broadcast_in_dim3A_13 = vector.broadcast %broadcast_in_dim3A_12 : f32 to vector<512x1xf32>
    %broadcast_in_dim3A_14 = arith.constant 0.000000e+00 : f32
    %broadcast_in_dim3A_15 = vector.broadcast %broadcast_in_dim3A_14 : f32 to vector<512x1xf32>
    %broadcast_in_dim3A_16 = arith.constant 0.000000e+00 : f32
    %broadcast_in_dim3A_17 = vector.broadcast %broadcast_in_dim3A_16 : f32 to vector<512x128xf32>
    %add3A_18 = arith.constant 1 : i32
    %add3A_19 = arith.addi %arg1, %add3A_18 : i32
    %while3A = arith.constant 0 : i32
    %while3A_20 = arith.subi %add3A_19, %while3A : i32
    %while3A_21 = arith.addi %while3A, %while3A_20 : i32
    %while3A_22 = arith.constant 1 : i32
    %while3A_23 = arith.divsi %while3A_20, %while3A_22 : i32
    %while3A_24 = arith.muli %while3A_23, %while3A_22 : i32
    %while3A_25 = arith.addi %while3A, %while3A_24 : i32
    %while3A_26 = arith.constant 1 : i32
    %while3A_27:6 = scf.for %while3A_45 = %while3A to %while3A_25 step %while3A_26 iter_args(%while3A_46 = %broadcast_in_dim3A_13, %while3A_47 = %broadcast_in_dim3A_15, %while3A_48 = %broadcast_in_dim3A_17, %while3A_49 = %broadcast_in_dim3A_13, %while3A_50 = %broadcast_in_dim3A_15, %while3A_51 = %broadcast_in_dim3A_17) -> (vector<512x1xf32>, vector<512x1xf32>, vector<512x128xf32>, vector<512x1xf32>, vector<512x1xf32>, vector<512x128xf32>)  : i32 {
      %mul3A_52 = arith.constant 512 : i32
      %mul3A_53 = arith.muli %while3A_45, %mul3A_52 : i32
      %multiple_of3A = tpu.assume_multiple %mul3A_53, 512 : i32
      %get3A_54 = arith.constant 0 : index
      %get3A_55 = arith.index_cast %multiple_of3A : i32 to index
      %get3A_56 = arith.constant 0 : index
      %get3A_57 = vector.load %arg3[%get3A_54, %get3A_55, %get3A_56] : memref<1x2048x128xbf16, #tpu.memory_space<vmem>>, vector<1x512x128xbf16>
      %get3A_58 = vector.shape_cast %get3A_57 : vector<1x512x128xbf16> to vector<512x128xbf16>
      %get3A_59 = arith.constant 0 : index
      %get3A_60 = arith.index_cast %multiple_of3A : i32 to index
      %get3A_61 = arith.constant 0 : index
      %get3A_62 = vector.load %arg4[%get3A_59, %get3A_60, %get3A_61] : memref<1x2048x128xbf16, #tpu.memory_space<vmem>>, vector<1x512x128xbf16>
      %get3A_63 = vector.shape_cast %get3A_62 : vector<1x512x128xbf16> to vector<512x128xbf16>
      %iota3A_64 = tpu.iota {dimensions = array<i32: 1>} : vector<512x512xi32>
      %mul3A_65 = arith.constant 512 : i32
      %mul3A_66 = arith.muli %while3A_45, %mul3A_65 : i32
      %add3A_67 = vector.broadcast %mul3A_66 : i32 to vector<512x512xi32>
      %add3A_68 = arith.addi %iota3A_64, %add3A_67 : vector<512x512xi32>
      %le3A = arith.cmpi sle, %add3A_68, %add3A_11 : vector<512x512xi32>
      %dot_general3A = arith.constant dense<0.000000e+00> : vector<512x512xf32>
      %dot_general3A_69 = tpu.matmul %select_n3A, %get3A_58, %dot_general3A {dimension_numbers = #tpu.dot_dimension_numbers<[1], [1], [0], [0], [0, 0, 1, 0], [], []>, transpose_lhs_hint = false} : vector<512x128xbf16>, vector<512x128xbf16>, vector<512x512xf32> -> vector<512x512xf32>
      %mul3A_70 = arith.constant 1.250000e-01 : f32
      %mul3A_71 = vector.broadcast %mul3A_70 : f32 to vector<512x512xf32>
      %mul3A_72 = arith.mulf %dot_general3A_69, %mul3A_71 : vector<512x512xf32>
      %jit3A_73 = arith.constant -1.000000e+30 : f32
      %broadcast_in_dim3A_74 = vector.broadcast %jit3A_73 : f32 to vector<512x512xf32>
      %select_n3A_75 = arith.select %le3A, %mul3A_72, %broadcast_in_dim3A_74 : vector<512x512xi1>, vector<512x512xf32>
      %reduce_max3A = arith.constant dense<0xFF800000> : vector<512xf32>
      %reduce_max3A_76 = vector.multi_reduction <maximumf>, %select_n3A_75, %reduce_max3A [1] : vector<512x512xf32> to vector<512xf32>
      %broadcast_in_dim3A_77 = vector.shape_cast %reduce_max3A_76 : vector<512xf32> to vector<512x1xf32>
      %max3A = arith.maximumf %while3A_46, %broadcast_in_dim3A_77 : vector<512x1xf32>
      %sub3A = arith.subf %while3A_46, %max3A : vector<512x1xf32>
      %exp3A = math.exp %sub3A : vector<512x1xf32>
      %sub3A_78 = vector.broadcast %max3A : vector<512x1xf32> to vector<512x512xf32>
      %sub3A_79 = arith.subf %select_n3A_75, %sub3A_78 : vector<512x512xf32>
      %exp3A_80 = math.exp %sub3A_79 : vector<512x512xf32>
      %mul3A_81 = arith.mulf %while3A_47, %exp3A : vector<512x1xf32>
      %reduce_sum3A = arith.constant dense<0.000000e+00> : vector<512xf32>
      %reduce_sum3A_82 = vector.multi_reduction <add>, %exp3A_80, %reduce_sum3A [1] : vector<512x512xf32> to vector<512xf32>
      %broadcast_in_dim3A_83 = vector.shape_cast %reduce_sum3A_82 : vector<512xf32> to vector<512x1xf32>
      %add3A_84 = arith.addf %mul3A_81, %broadcast_in_dim3A_83 : vector<512x1xf32>
      %mul3A_85 = vector.broadcast %exp3A : vector<512x1xf32> to vector<512x128xf32>
      %mul3A_86 = arith.mulf %while3A_48, %mul3A_85 : vector<512x128xf32>
      %convert_element_type3A_87 = arith.truncf %exp3A_80 : vector<512x512xf32> to vector<512x512xbf16>
      %dot_general3A_88 = arith.constant dense<0.000000e+00> : vector<512x128xf32>
      %dot_general3A_89 = tpu.matmul %convert_element_type3A_87, %get3A_63, %dot_general3A_88 {dimension_numbers = #tpu.dot_dimension_numbers<[1], [0], [0], [1], [0, 0, 1, 1], [], []>, transpose_lhs_hint = false} : vector<512x512xbf16>, vector<512x128xbf16>, vector<512x128xf32> -> vector<512x128xf32>
      %add3A_90 = arith.addf %mul3A_86, %dot_general3A_89 : vector<512x128xf32>
      %dot_general3A_91 = arith.constant dense<0.000000e+00> : vector<512x512xf32>
      %dot_general3A_92 = tpu.matmul %select_n3A_8, %get3A_58, %dot_general3A_91 {dimension_numbers = #tpu.dot_dimension_numbers<[1], [1], [0], [0], [0, 0, 1, 0], [], []>, transpose_lhs_hint = false} : vector<512x128xbf16>, vector<512x128xbf16>, vector<512x512xf32> -> vector<512x512xf32>
      %mul3A_93 = arith.constant 1.250000e-01 : f32
      %mul3A_94 = vector.broadcast %mul3A_93 : f32 to vector<512x512xf32>
      %mul3A_95 = arith.mulf %dot_general3A_92, %mul3A_94 : vector<512x512xf32>
      %jit3A_96 = arith.constant -1.000000e+30 : f32
      %broadcast_in_dim3A_97 = vector.broadcast %jit3A_96 : f32 to vector<512x512xf32>
      %select_n3A_98 = arith.select %le3A, %mul3A_95, %broadcast_in_dim3A_97 : vector<512x512xi1>, vector<512x512xf32>
      %reduce_max3A_99 = arith.constant dense<0xFF800000> : vector<512xf32>
      %reduce_max3A_100 = vector.multi_reduction <maximumf>, %select_n3A_98, %reduce_max3A_99 [1] : vector<512x512xf32> to vector<512xf32>
      %broadcast_in_dim3A_101 = vector.shape_cast %reduce_max3A_100 : vector<512xf32> to vector<512x1xf32>
      %max3A_102 = arith.maximumf %while3A_49, %broadcast_in_dim3A_101 : vector<512x1xf32>
      %sub3A_103 = arith.subf %while3A_49, %max3A_102 : vector<512x1xf32>
      %exp3A_104 = math.exp %sub3A_103 : vector<512x1xf32>
      %sub3A_105 = vector.broadcast %max3A_102 : vector<512x1xf32> to vector<512x512xf32>
      %sub3A_106 = arith.subf %select_n3A_98, %sub3A_105 : vector<512x512xf32>
      %exp3A_107 = math.exp %sub3A_106 : vector<512x512xf32>
      %mul3A_108 = arith.mulf %while3A_50, %exp3A_104 : vector<512x1xf32>
      %reduce_sum3A_109 = arith.constant dense<0.000000e+00> : vector<512xf32>
      %reduce_sum3A_110 = vector.multi_reduction <add>, %exp3A_107, %reduce_sum3A_109 [1] : vector<512x512xf32> to vector<512xf32>
      %broadcast_in_dim3A_111 = vector.shape_cast %reduce_sum3A_110 : vector<512xf32> to vector<512x1xf32>
      %add3A_112 = arith.addf %mul3A_108, %broadcast_in_dim3A_111 : vector<512x1xf32>
      %mul3A_113 = vector.broadcast %exp3A_104 : vector<512x1xf32> to vector<512x128xf32>
      %mul3A_114 = arith.mulf %while3A_51, %mul3A_113 : vector<512x128xf32>
      %convert_element_type3A_115 = arith.truncf %exp3A_107 : vector<512x512xf32> to vector<512x512xbf16>
      %dot_general3A_116 = arith.constant dense<0.000000e+00> : vector<512x128xf32>
      %dot_general3A_117 = tpu.matmul %convert_element_type3A_115, %get3A_63, %dot_general3A_116 {dimension_numbers = #tpu.dot_dimension_numbers<[1], [0], [0], [1], [0, 0, 1, 1], [], []>, transpose_lhs_hint = false} : vector<512x512xbf16>, vector<512x128xbf16>, vector<512x128xf32> -> vector<512x128xf32>
      %add3A_118 = arith.addf %mul3A_114, %dot_general3A_117 : vector<512x128xf32>
      scf.yield %max3A, %add3A_84, %add3A_90, %max3A_102, %add3A_112, %add3A_118 : vector<512x1xf32>, vector<512x1xf32>, vector<512x128xf32>, vector<512x1xf32>, vector<512x1xf32>, vector<512x128xf32>
    }
    %while3A_28 = arith.constant 1 : i32
    %while3A_29:6 = scf.for %while3A_45 = %while3A_25 to %while3A_21 step %while3A_28 iter_args(%while3A_46 = %while3A_27#0, %while3A_47 = %while3A_27#1, %while3A_48 = %while3A_27#2, %while3A_49 = %while3A_27#3, %while3A_50 = %while3A_27#4, %while3A_51 = %while3A_27#5) -> (vector<512x1xf32>, vector<512x1xf32>, vector<512x128xf32>, vector<512x1xf32>, vector<512x1xf32>, vector<512x128xf32>)  : i32 {
      %mul3A_52 = arith.constant 512 : i32
      %mul3A_53 = arith.muli %while3A_45, %mul3A_52 : i32
      %multiple_of3A = tpu.assume_multiple %mul3A_53, 512 : i32
      %get3A_54 = arith.constant 0 : index
      %get3A_55 = arith.index_cast %multiple_of3A : i32 to index
      %get3A_56 = arith.constant 0 : index
      %get3A_57 = vector.load %arg3[%get3A_54, %get3A_55, %get3A_56] : memref<1x2048x128xbf16, #tpu.memory_space<vmem>>, vector<1x512x128xbf16>
      %get3A_58 = vector.shape_cast %get3A_57 : vector<1x512x128xbf16> to vector<512x128xbf16>
      %get3A_59 = arith.constant 0 : index
      %get3A_60 = arith.index_cast %multiple_of3A : i32 to index
      %get3A_61 = arith.constant 0 : index
      %get3A_62 = vector.load %arg4[%get3A_59, %get3A_60, %get3A_61] : memref<1x2048x128xbf16, #tpu.memory_space<vmem>>, vector<1x512x128xbf16>
      %get3A_63 = vector.shape_cast %get3A_62 : vector<1x512x128xbf16> to vector<512x128xbf16>
      %iota3A_64 = tpu.iota {dimensions = array<i32: 1>} : vector<512x512xi32>
      %mul3A_65 = arith.constant 512 : i32
      %mul3A_66 = arith.muli %while3A_45, %mul3A_65 : i32
      %add3A_67 = vector.broadcast %mul3A_66 : i32 to vector<512x512xi32>
      %add3A_68 = arith.addi %iota3A_64, %add3A_67 : vector<512x512xi32>
      %le3A = arith.cmpi sle, %add3A_68, %add3A_11 : vector<512x512xi32>
      %dot_general3A = arith.constant dense<0.000000e+00> : vector<512x512xf32>
      %dot_general3A_69 = tpu.matmul %select_n3A, %get3A_58, %dot_general3A {dimension_numbers = #tpu.dot_dimension_numbers<[1], [1], [0], [0], [0, 0, 1, 0], [], []>, transpose_lhs_hint = false} : vector<512x128xbf16>, vector<512x128xbf16>, vector<512x512xf32> -> vector<512x512xf32>
      %mul3A_70 = arith.constant 1.250000e-01 : f32
      %mul3A_71 = vector.broadcast %mul3A_70 : f32 to vector<512x512xf32>
      %mul3A_72 = arith.mulf %dot_general3A_69, %mul3A_71 : vector<512x512xf32>
      %jit3A_73 = arith.constant -1.000000e+30 : f32
      %broadcast_in_dim3A_74 = vector.broadcast %jit3A_73 : f32 to vector<512x512xf32>
      %select_n3A_75 = arith.select %le3A, %mul3A_72, %broadcast_in_dim3A_74 : vector<512x512xi1>, vector<512x512xf32>
      %reduce_max3A = arith.constant dense<0xFF800000> : vector<512xf32>
      %reduce_max3A_76 = vector.multi_reduction <maximumf>, %select_n3A_75, %reduce_max3A [1] : vector<512x512xf32> to vector<512xf32>
      %broadcast_in_dim3A_77 = vector.shape_cast %reduce_max3A_76 : vector<512xf32> to vector<512x1xf32>
      %max3A = arith.maximumf %while3A_46, %broadcast_in_dim3A_77 : vector<512x1xf32>
      %sub3A = arith.subf %while3A_46, %max3A : vector<512x1xf32>
      %exp3A = math.exp %sub3A : vector<512x1xf32>
      %sub3A_78 = vector.broadcast %max3A : vector<512x1xf32> to vector<512x512xf32>
      %sub3A_79 = arith.subf %select_n3A_75, %sub3A_78 : vector<512x512xf32>
      %exp3A_80 = math.exp %sub3A_79 : vector<512x512xf32>
      %mul3A_81 = arith.mulf %while3A_47, %exp3A : vector<512x1xf32>
      %reduce_sum3A = arith.constant dense<0.000000e+00> : vector<512xf32>
      %reduce_sum3A_82 = vector.multi_reduction <add>, %exp3A_80, %reduce_sum3A [1] : vector<512x512xf32> to vector<512xf32>
      %broadcast_in_dim3A_83 = vector.shape_cast %reduce_sum3A_82 : vector<512xf32> to vector<512x1xf32>
      %add3A_84 = arith.addf %mul3A_81, %broadcast_in_dim3A_83 : vector<512x1xf32>
      %mul3A_85 = vector.broadcast %exp3A : vector<512x1xf32> to vector<512x128xf32>
      %mul3A_86 = arith.mulf %while3A_48, %mul3A_85 : vector<512x128xf32>
      %convert_element_type3A_87 = arith.truncf %exp3A_80 : vector<512x512xf32> to vector<512x512xbf16>
      %dot_general3A_88 = arith.constant dense<0.000000e+00> : vector<512x128xf32>
      %dot_general3A_89 = tpu.matmul %convert_element_type3A_87, %get3A_63, %dot_general3A_88 {dimension_numbers = #tpu.dot_dimension_numbers<[1], [0], [0], [1], [0, 0, 1, 1], [], []>, transpose_lhs_hint = false} : vector<512x512xbf16>, vector<512x128xbf16>, vector<512x128xf32> -> vector<512x128xf32>
      %add3A_90 = arith.addf %mul3A_86, %dot_general3A_89 : vector<512x128xf32>
      %dot_general3A_91 = arith.constant dense<0.000000e+00> : vector<512x512xf32>
      %dot_general3A_92 = tpu.matmul %select_n3A_8, %get3A_58, %dot_general3A_91 {dimension_numbers = #tpu.dot_dimension_numbers<[1], [1], [0], [0], [0, 0, 1, 0], [], []>, transpose_lhs_hint = false} : vector<512x128xbf16>, vector<512x128xbf16>, vector<512x512xf32> -> vector<512x512xf32>
      %mul3A_93 = arith.constant 1.250000e-01 : f32
      %mul3A_94 = vector.broadcast %mul3A_93 : f32 to vector<512x512xf32>
      %mul3A_95 = arith.mulf %dot_general3A_92, %mul3A_94 : vector<512x512xf32>
      %jit3A_96 = arith.constant -1.000000e+30 : f32
      %broadcast_in_dim3A_97 = vector.broadcast %jit3A_96 : f32 to vector<512x512xf32>
      %select_n3A_98 = arith.select %le3A, %mul3A_95, %broadcast_in_dim3A_97 : vector<512x512xi1>, vector<512x512xf32>
      %reduce_max3A_99 = arith.constant dense<0xFF800000> : vector<512xf32>
      %reduce_max3A_100 = vector.multi_reduction <maximumf>, %select_n3A_98, %reduce_max3A_99 [1] : vector<512x512xf32> to vector<512xf32>
      %broadcast_in_dim3A_101 = vector.shape_cast %reduce_max3A_100 : vector<512xf32> to vector<512x1xf32>
      %max3A_102 = arith.maximumf %while3A_49, %broadcast_in_dim3A_101 : vector<512x1xf32>
      %sub3A_103 = arith.subf %while3A_49, %max3A_102 : vector<512x1xf32>
      %exp3A_104 = math.exp %sub3A_103 : vector<512x1xf32>
      %sub3A_105 = vector.broadcast %max3A_102 : vector<512x1xf32> to vector<512x512xf32>
      %sub3A_106 = arith.subf %select_n3A_98, %sub3A_105 : vector<512x512xf32>
      %exp3A_107 = math.exp %sub3A_106 : vector<512x512xf32>
      %mul3A_108 = arith.mulf %while3A_50, %exp3A_104 : vector<512x1xf32>
      %reduce_sum3A_109 = arith.constant dense<0.000000e+00> : vector<512xf32>
      %reduce_sum3A_110 = vector.multi_reduction <add>, %exp3A_107, %reduce_sum3A_109 [1] : vector<512x512xf32> to vector<512xf32>
      %broadcast_in_dim3A_111 = vector.shape_cast %reduce_sum3A_110 : vector<512xf32> to vector<512x1xf32>
      %add3A_112 = arith.addf %mul3A_108, %broadcast_in_dim3A_111 : vector<512x1xf32>
      %mul3A_113 = vector.broadcast %exp3A_104 : vector<512x1xf32> to vector<512x128xf32>
      %mul3A_114 = arith.mulf %while3A_51, %mul3A_113 : vector<512x128xf32>
      %convert_element_type3A_115 = arith.truncf %exp3A_107 : vector<512x512xf32> to vector<512x512xbf16>
      %dot_general3A_116 = arith.constant dense<0.000000e+00> : vector<512x128xf32>
      %dot_general3A_117 = tpu.matmul %convert_element_type3A_115, %get3A_63, %dot_general3A_116 {dimension_numbers = #tpu.dot_dimension_numbers<[1], [0], [0], [1], [0, 0, 1, 1], [], []>, transpose_lhs_hint = false} : vector<512x512xbf16>, vector<512x128xbf16>, vector<512x128xf32> -> vector<512x128xf32>
      %add3A_118 = arith.addf %mul3A_114, %dot_general3A_117 : vector<512x128xf32>
      scf.yield %max3A, %add3A_84, %add3A_90, %max3A_102, %add3A_112, %add3A_118 : vector<512x1xf32>, vector<512x1xf32>, vector<512x128xf32>, vector<512x1xf32>, vector<512x1xf32>, vector<512x128xf32>
    }
    %div3A = arith.constant 1.000000e+00 : f32
    %div3A_30 = vector.broadcast %div3A : f32 to vector<512x1xf32>
    %div3A_31 = arith.divf %div3A_30, %while3A_29#1 : vector<512x1xf32>
    %mul3A_32 = vector.broadcast %div3A_31 : vector<512x1xf32> to vector<512x128xf32>
    %mul3A_33 = arith.mulf %while3A_29#2, %mul3A_32 : vector<512x128xf32>
    %div3A_34 = arith.constant 1.000000e+00 : f32
    %div3A_35 = vector.broadcast %div3A_34 : f32 to vector<512x1xf32>
    %div3A_36 = arith.divf %div3A_35, %while3A_29#4 : vector<512x1xf32>
    %mul3A_37 = vector.broadcast %div3A_36 : vector<512x1xf32> to vector<512x128xf32>
    %mul3A_38 = arith.mulf %while3A_29#5, %mul3A_37 : vector<512x128xf32>
    %select_n3A_39 = arith.select %lt3A_5, %mul3A_33, %mul3A_38 : vector<512x128xi1>, vector<512x128xf32>
    %convert_element_type3A = arith.truncf %select_n3A_39 : vector<512x128xf32> to vector<512x128xbf16>
    %swap3A = arith.constant 0 : index
    %swap3A_40 = arith.constant 0 : index
    %swap3A_41 = arith.constant 0 : index
    %swap3A_42 = vector.load %arg5[%swap3A, %swap3A_40, %swap3A_41] : memref<1x512x128xbf16, #tpu.memory_space<vmem>>, vector<1x512x128xbf16>
    %swap3A_43 = vector.shape_cast %swap3A_42 : vector<1x512x128xbf16> to vector<512x128xbf16>
    %swap3A_44 = vector.shape_cast %convert_element_type3A : vector<512x128xbf16> to vector<1x512x128xbf16>
    tpu.vector_store %arg5[%swap3A, %swap3A_40, %swap3A_41], %swap3A_44 {strides = array<i32>} : memref<1x512x128xbf16, #tpu.memory_space<vmem>>, vector<1x512x128xbf16>,
    return
  }
  func.func @transform_0(%arg0: i32, %arg1: i32) -> (i32, i32, i32) {
    %c0_i32 = arith.constant 0 : i32
    %c0_i32_0 = arith.constant 0 : i32
    return %arg0, %arg1, %c0_i32 : i32, i32, i32
  }
  func.func @transform_1(%arg0: i32, %arg1: i32) -> (i32, i32, i32) {
    %c0_i32 = arith.constant 0 : i32
    %c0_i32_0 = arith.constant 0 : i32
    %c0_i32_1 = arith.constant 0 : i32
    return %arg0, %c0_i32, %c0_i32_0 : i32, i32, i32
  }
  func.func @transform_2(%arg0: i32, %arg1: i32) -> (i32, i32, i32) {
    %c0_i32 = arith.constant 0 : i32
    %c0_i32_0 = arith.constant 0 : i32
    %c0_i32_1 = arith.constant 0 : i32
    return %arg0, %c0_i32, %c0_i32_0 : i32, i32, i32
  }
  func.func @transform_3(%arg0: i32, %arg1: i32) -> (i32, i32, i32) {
    %c0_i32 = arith.constant 0 : i32
    %c0_i32_0 = arith.constant 0 : i32
    return %arg0, %arg1, %c0_i32 : i32, i32, i32
  }
}

module attributes {stable_mosaic.version = 14 : i64} {
  func.func @_qkv_kernel(%arg0: i32, %arg1: memref<256x1024xf32, #tpu.memory_space<vmem>>, %arg2: memref<1x1024xf32, #tpu.memory_space<vmem>>, %arg3: memref<1024x1024xf32, #tpu.memory_space<vmem>>, %arg4: memref<1024x1024xf32, #tpu.memory_space<vmem>>, %arg5: memref<1024x1024xf32, #tpu.memory_space<vmem>>, %arg6: memref<8x256x128xbf16, #tpu.memory_space<vmem>>, %arg7: memref<8x256x128xbf16, #tpu.memory_space<vmem>>, %arg8: memref<8x256x128xbf16, #tpu.memory_space<vmem>>) attributes {dimension_semantics = [#tpu.dimension_semantics<arbitrary>], iteration_bounds = array<i64: 8>, scalar_prefetch = 0 : i64, scratch_operands = 0 : i64, tpu.core_type = #tpu.core_type<tc>, window_params = [{transform_indices = @transform_0, window_bounds = array<i64: 256, 1024>}, {pipeline_mode = #tpu.pipeline_mode<synchronous>, transform_indices = @transform_1, window_bounds = array<i64: 1, 1024>}, {pipeline_mode = #tpu.pipeline_mode<synchronous>, transform_indices = @transform_2, window_bounds = array<i64: 1024, 1024>}, {pipeline_mode = #tpu.pipeline_mode<synchronous>, transform_indices = @transform_3, window_bounds = array<i64: 1024, 1024>}, {pipeline_mode = #tpu.pipeline_mode<synchronous>, transform_indices = @transform_4, window_bounds = array<i64: 1024, 1024>}, {transform_indices = @transform_5, window_bounds = array<i64: 8, 256, 128>}, {transform_indices = @transform_6, window_bounds = array<i64: 8, 256, 128>}, {transform_indices = @transform_7, window_bounds = array<i64: 8, 256, 128>}]} {
    %get3A = arith.constant 0 : index
    %get3A_0 = arith.constant 0 : index
    %get3A_1 = vector.load %arg1[%get3A, %get3A_0] : memref<256x1024xf32, #tpu.memory_space<vmem>>, vector<256x1024xf32>
    %get3A_2 = arith.constant 0 : index
    %get3A_3 = arith.constant 0 : index
    %get3A_4 = vector.load %arg2[%get3A_2, %get3A_3] : memref<1x1024xf32, #tpu.memory_space<vmem>>, vector<1x1024xf32>
    %mul3A = arith.mulf %get3A_1, %get3A_1 : vector<256x1024xf32>
    %reduce_sum3A = arith.constant dense<0.000000e+00> : vector<256xf32>
    %reduce_sum3A_5 = vector.multi_reduction <add>, %mul3A, %reduce_sum3A [1] : vector<256x1024xf32> to vector<256xf32>
    %broadcast_in_dim3A = vector.shape_cast %reduce_sum3A_5 : vector<256xf32> to vector<256x1xf32>
    %div3A = arith.constant 1.024000e+03 : f32
    %div3A_6 = vector.broadcast %div3A : f32 to vector<256x1xf32>
    %div3A_7 = arith.divf %broadcast_in_dim3A, %div3A_6 : vector<256x1xf32>
    %add3A = arith.constant 9.99999997E-7 : f32
    %add3A_8 = vector.broadcast %add3A : f32 to vector<256x1xf32>
    %add3A_9 = arith.addf %div3A_7, %add3A_8 : vector<256x1xf32>
    %rsqrt3A = math.rsqrt %add3A_9 : vector<256x1xf32>
    %mul3A_10 = vector.broadcast %rsqrt3A : vector<256x1xf32> to vector<256x1024xf32>
    %mul3A_11 = arith.mulf %get3A_1, %mul3A_10 : vector<256x1024xf32>
    %mul3A_12 = vector.broadcast %get3A_4 : vector<1x1024xf32> to vector<256x1024xf32>
    %mul3A_13 = arith.mulf %mul3A_11, %mul3A_12 : vector<256x1024xf32>
    %convert_element_type3A = arith.truncf %mul3A_13 : vector<256x1024xf32> to vector<256x1024xbf16>
    %get3A_14 = arith.constant 0 : index
    %get3A_15 = arith.constant 0 : index
    %get3A_16 = vector.load %arg3[%get3A_14, %get3A_15] : memref<1024x1024xf32, #tpu.memory_space<vmem>>, vector<1024x1024xf32>
    %convert_element_type3A_17 = arith.truncf %get3A_16 : vector<1024x1024xf32> to vector<1024x1024xbf16>
    %dot_general3A = arith.constant dense<0.000000e+00> : vector<256x1024xf32>
    %dot_general3A_18 = tpu.matmul %convert_element_type3A, %convert_element_type3A_17, %dot_general3A {dimension_numbers = #tpu.dot_dimension_numbers<[1], [0], [0], [1], [0, 0, 1, 1], [], []>, transpose_lhs_hint = false} : vector<256x1024xbf16>, vector<1024x1024xbf16>, vector<256x1024xf32> -> vector<256x1024xf32>
    %convert_element_type3A_19 = arith.truncf %dot_general3A_18 : vector<256x1024xf32> to vector<256x1024xbf16>
    %get3A_20 = arith.constant 0 : index
    %get3A_21 = arith.constant 0 : index
    %get3A_22 = vector.load %arg4[%get3A_20, %get3A_21] : memref<1024x1024xf32, #tpu.memory_space<vmem>>, vector<1024x1024xf32>
    %convert_element_type3A_23 = arith.truncf %get3A_22 : vector<1024x1024xf32> to vector<1024x1024xbf16>
    %dot_general3A_24 = arith.constant dense<0.000000e+00> : vector<256x1024xf32>
    %dot_general3A_25 = tpu.matmul %convert_element_type3A, %convert_element_type3A_23, %dot_general3A_24 {dimension_numbers = #tpu.dot_dimension_numbers<[1], [0], [0], [1], [0, 0, 1, 1], [], []>, transpose_lhs_hint = false} : vector<256x1024xbf16>, vector<1024x1024xbf16>, vector<256x1024xf32> -> vector<256x1024xf32>
    %convert_element_type3A_26 = arith.truncf %dot_general3A_25 : vector<256x1024xf32> to vector<256x1024xbf16>
    %get3A_27 = arith.constant 0 : index
    %get3A_28 = arith.constant 0 : index
    %get3A_29 = vector.load %arg5[%get3A_27, %get3A_28] : memref<1024x1024xf32, #tpu.memory_space<vmem>>, vector<1024x1024xf32>
    %convert_element_type3A_30 = arith.truncf %get3A_29 : vector<1024x1024xf32> to vector<1024x1024xbf16>
    %dot_general3A_31 = arith.constant dense<0.000000e+00> : vector<256x1024xf32>
    %dot_general3A_32 = tpu.matmul %convert_element_type3A, %convert_element_type3A_30, %dot_general3A_31 {dimension_numbers = #tpu.dot_dimension_numbers<[1], [0], [0], [1], [0, 0, 1, 1], [], []>, transpose_lhs_hint = false} : vector<256x1024xbf16>, vector<1024x1024xbf16>, vector<256x1024xf32> -> vector<256x1024xf32>
    %convert_element_type3A_33 = arith.truncf %dot_general3A_32 : vector<256x1024xf32> to vector<256x1024xbf16>
    %reshape3A = vector.shape_cast %convert_element_type3A_19 : vector<256x1024xbf16> to vector<256x8x128xbf16>
    %transpose3A = tpu.transpose %reshape3A, [1, 0, 2] : vector<256x8x128xbf16> -> vector<8x256x128xbf16>
    %swap3A = arith.constant 0 : index
    %swap3A_34 = arith.constant 0 : index
    %swap3A_35 = arith.constant 0 : index
    %swap3A_36 = vector.load %arg6[%swap3A, %swap3A_34, %swap3A_35] : memref<8x256x128xbf16, #tpu.memory_space<vmem>>, vector<8x256x128xbf16>
    tpu.vector_store %arg6[%swap3A, %swap3A_34, %swap3A_35], %transpose3A {strides = array<i32>} : memref<8x256x128xbf16, #tpu.memory_space<vmem>>, vector<8x256x128xbf16>,
    %reshape3A_37 = vector.shape_cast %convert_element_type3A_26 : vector<256x1024xbf16> to vector<256x8x128xbf16>
    %transpose3A_38 = tpu.transpose %reshape3A_37, [1, 0, 2] : vector<256x8x128xbf16> -> vector<8x256x128xbf16>
    %swap3A_39 = arith.constant 0 : index
    %swap3A_40 = arith.constant 0 : index
    %swap3A_41 = arith.constant 0 : index
    %swap3A_42 = vector.load %arg7[%swap3A_39, %swap3A_40, %swap3A_41] : memref<8x256x128xbf16, #tpu.memory_space<vmem>>, vector<8x256x128xbf16>
    tpu.vector_store %arg7[%swap3A_39, %swap3A_40, %swap3A_41], %transpose3A_38 {strides = array<i32>} : memref<8x256x128xbf16, #tpu.memory_space<vmem>>, vector<8x256x128xbf16>,
    %reshape3A_43 = vector.shape_cast %convert_element_type3A_33 : vector<256x1024xbf16> to vector<256x8x128xbf16>
    %transpose3A_44 = tpu.transpose %reshape3A_43, [1, 0, 2] : vector<256x8x128xbf16> -> vector<8x256x128xbf16>
    %swap3A_45 = arith.constant 0 : index
    %swap3A_46 = arith.constant 0 : index
    %swap3A_47 = arith.constant 0 : index
    %swap3A_48 = vector.load %arg8[%swap3A_45, %swap3A_46, %swap3A_47] : memref<8x256x128xbf16, #tpu.memory_space<vmem>>, vector<8x256x128xbf16>
    tpu.vector_store %arg8[%swap3A_45, %swap3A_46, %swap3A_47], %transpose3A_44 {strides = array<i32>} : memref<8x256x128xbf16, #tpu.memory_space<vmem>>, vector<8x256x128xbf16>,
    return
  }
  func.func @transform_0(%arg0: i32) -> (i32, i32) {
    %c0_i32 = arith.constant 0 : i32
    %c0_i32_0 = arith.constant 0 : i32
    return %arg0, %c0_i32 : i32, i32
  }
  func.func @transform_1(%arg0: i32) -> (i32, i32) {
    %c0_i32 = arith.constant 0 : i32
    %c0_i32_0 = arith.constant 0 : i32
    %c0_i32_1 = arith.constant 0 : i32
    return %c0_i32, %c0_i32_0 : i32, i32
  }
  func.func @transform_2(%arg0: i32) -> (i32, i32) {
    %c0_i32 = arith.constant 0 : i32
    %c0_i32_0 = arith.constant 0 : i32
    %c0_i32_1 = arith.constant 0 : i32
    return %c0_i32, %c0_i32_0 : i32, i32
  }
  func.func @transform_3(%arg0: i32) -> (i32, i32) {
    %c0_i32 = arith.constant 0 : i32
    %c0_i32_0 = arith.constant 0 : i32
    %c0_i32_1 = arith.constant 0 : i32
    return %c0_i32, %c0_i32_0 : i32, i32
  }
  func.func @transform_4(%arg0: i32) -> (i32, i32) {
    %c0_i32 = arith.constant 0 : i32
    %c0_i32_0 = arith.constant 0 : i32
    %c0_i32_1 = arith.constant 0 : i32
    return %c0_i32, %c0_i32_0 : i32, i32
  }
  func.func @transform_5(%arg0: i32) -> (i32, i32, i32) {
    %c0_i32 = arith.constant 0 : i32
    %c0_i32_0 = arith.constant 0 : i32
    %c0_i32_1 = arith.constant 0 : i32
    return %c0_i32, %arg0, %c0_i32_0 : i32, i32, i32
  }
  func.func @transform_6(%arg0: i32) -> (i32, i32, i32) {
    %c0_i32 = arith.constant 0 : i32
    %c0_i32_0 = arith.constant 0 : i32
    %c0_i32_1 = arith.constant 0 : i32
    return %c0_i32, %arg0, %c0_i32_0 : i32, i32, i32
  }
  func.func @transform_7(%arg0: i32) -> (i32, i32, i32) {
    %c0_i32 = arith.constant 0 : i32
    %c0_i32_0 = arith.constant 0 : i32
    %c0_i32_1 = arith.constant 0 : i32
    return %c0_i32, %arg0, %c0_i32_0 : i32, i32, i32
  }
}

module attributes {stable_mosaic.version = 14 : i64} {
  func.func @_proj_router_kernel(%arg0: i32, %arg1: memref<8x256x128xbf16, #tpu.memory_space<vmem>>, %arg2: memref<8x128x1024xf32, #tpu.memory_space<vmem>>, %arg3: memref<256x1024xf32, #tpu.memory_space<vmem>>, %arg4: memref<1x1024xf32, #tpu.memory_space<vmem>>, %arg5: memref<1024x8xf32, #tpu.memory_space<vmem>>, %arg6: memref<256x1024xf32, #tpu.memory_space<vmem>>, %arg7: memref<256x1024xbf16, #tpu.memory_space<vmem>>, %arg8: memref<256x2xi32, #tpu.memory_space<vmem>>, %arg9: memref<256x2xi32, #tpu.memory_space<vmem>>, %arg10: memref<256x2xf32, #tpu.memory_space<vmem>>, %arg11: memref<1x8xf32, #tpu.memory_space<vmem>>, %arg12: memref<1x8xf32, #tpu.memory_space<vmem>>) attributes {dimension_semantics = [#tpu.dimension_semantics<arbitrary>], iteration_bounds = array<i64: 8>, scalar_prefetch = 0 : i64, scratch_operands = 1 : i64, tpu.core_type = #tpu.core_type<tc>, window_params = [{transform_indices = @transform_0, window_bounds = array<i64: 8, 256, 128>}, {pipeline_mode = #tpu.pipeline_mode<synchronous>, transform_indices = @transform_1, window_bounds = array<i64: 8, 128, 1024>}, {transform_indices = @transform_2, window_bounds = array<i64: 256, 1024>}, {pipeline_mode = #tpu.pipeline_mode<synchronous>, transform_indices = @transform_3, window_bounds = array<i64: 1, 1024>}, {pipeline_mode = #tpu.pipeline_mode<synchronous>, transform_indices = @transform_4, window_bounds = array<i64: 1024, 8>}, {transform_indices = @transform_5, window_bounds = array<i64: 256, 1024>}, {transform_indices = @transform_6, window_bounds = array<i64: 256, 1024>}, {transform_indices = @transform_7, window_bounds = array<i64: 256, 2>}, {transform_indices = @transform_8, window_bounds = array<i64: 256, 2>}, {transform_indices = @transform_9, window_bounds = array<i64: 256, 2>}, {pipeline_mode = #tpu.pipeline_mode<synchronous>, transform_indices = @transform_10, window_bounds = array<i64: 1, 8>}]} {
    %eq3A = arith.constant 0 : i32
    %eq3A_0 = arith.cmpi eq, %arg0, %eq3A : i32
    %convert_element_type3A = arith.extui %eq3A_0 : i1 to i32
    %cond3A = arith.constant 0 : i32
    %cond3A_1 = arith.cmpi ne, %convert_element_type3A, %cond3A : i32
    scf.if %cond3A_1 {
      %broadcast_in_dim3A_237 = arith.constant 0.000000e+00 : f32
      %broadcast_in_dim3A_238 = vector.broadcast %broadcast_in_dim3A_237 : f32 to vector<1x8xf32>
      %swap3A_239 = arith.constant 0 : index
      %swap3A_240 = arith.constant 0 : index
      %swap3A_241 = vector.load %arg12[%swap3A_239, %swap3A_240] : memref<1x8xf32, #tpu.memory_space<vmem>>, vector<1x8xf32>
      tpu.vector_store %arg12[%swap3A_239, %swap3A_240], %broadcast_in_dim3A_238 {strides = array<i32>} : memref<1x8xf32, #tpu.memory_space<vmem>>, vector<1x8xf32>,
    } else {
    }
    %get3A = arith.constant 0 : index
    %get3A_2 = arith.constant 0 : index
    %get3A_3 = arith.constant 0 : index
    %get3A_4 = vector.load %arg1[%get3A, %get3A_2, %get3A_3] : memref<8x256x128xbf16, #tpu.memory_space<vmem>>, vector<1x256x128xbf16>
    %get3A_5 = vector.shape_cast %get3A_4 : vector<1x256x128xbf16> to vector<256x128xbf16>
    %get3A_6 = arith.constant 0 : index
    %get3A_7 = arith.constant 0 : index
    %get3A_8 = arith.constant 0 : index
    %get3A_9 = vector.load %arg2[%get3A_6, %get3A_7, %get3A_8] : memref<8x128x1024xf32, #tpu.memory_space<vmem>>, vector<1x128x1024xf32>
    %get3A_10 = vector.shape_cast %get3A_9 : vector<1x128x1024xf32> to vector<128x1024xf32>
    %convert_element_type3A_11 = arith.truncf %get3A_10 : vector<128x1024xf32> to vector<128x1024xbf16>
    %dot_general3A = arith.constant dense<0.000000e+00> : vector<256x1024xf32>
    %dot_general3A_12 = tpu.matmul %get3A_5, %convert_element_type3A_11, %dot_general3A {dimension_numbers = #tpu.dot_dimension_numbers<[1], [0], [0], [1], [0, 0, 1, 1], [], []>, transpose_lhs_hint = false} : vector<256x128xbf16>, vector<128x1024xbf16>, vector<256x1024xf32> -> vector<256x1024xf32>
    %get3A_13 = arith.constant 1 : index
    %get3A_14 = arith.constant 0 : index
    %get3A_15 = arith.constant 0 : index
    %get3A_16 = vector.load %arg1[%get3A_13, %get3A_14, %get3A_15] : memref<8x256x128xbf16, #tpu.memory_space<vmem>>, vector<1x256x128xbf16>
    %get3A_17 = vector.shape_cast %get3A_16 : vector<1x256x128xbf16> to vector<256x128xbf16>
    %get3A_18 = arith.constant 1 : index
    %get3A_19 = arith.constant 0 : index
    %get3A_20 = arith.constant 0 : index
    %get3A_21 = vector.load %arg2[%get3A_18, %get3A_19, %get3A_20] : memref<8x128x1024xf32, #tpu.memory_space<vmem>>, vector<1x128x1024xf32>
    %get3A_22 = vector.shape_cast %get3A_21 : vector<1x128x1024xf32> to vector<128x1024xf32>
    %convert_element_type3A_23 = arith.truncf %get3A_22 : vector<128x1024xf32> to vector<128x1024xbf16>
    %dot_general3A_24 = arith.constant dense<0.000000e+00> : vector<256x1024xf32>
    %dot_general3A_25 = tpu.matmul %get3A_17, %convert_element_type3A_23, %dot_general3A_24 {dimension_numbers = #tpu.dot_dimension_numbers<[1], [0], [0], [1], [0, 0, 1, 1], [], []>, transpose_lhs_hint = false} : vector<256x128xbf16>, vector<128x1024xbf16>, vector<256x1024xf32> -> vector<256x1024xf32>
    %add3A = arith.addf %dot_general3A_12, %dot_general3A_25 : vector<256x1024xf32>
    %get3A_26 = arith.constant 2 : index
    %get3A_27 = arith.constant 0 : index
    %get3A_28 = arith.constant 0 : index
    %get3A_29 = vector.load %arg1[%get3A_26, %get3A_27, %get3A_28] : memref<8x256x128xbf16, #tpu.memory_space<vmem>>, vector<1x256x128xbf16>
    %get3A_30 = vector.shape_cast %get3A_29 : vector<1x256x128xbf16> to vector<256x128xbf16>
    %get3A_31 = arith.constant 2 : index
    %get3A_32 = arith.constant 0 : index
    %get3A_33 = arith.constant 0 : index
    %get3A_34 = vector.load %arg2[%get3A_31, %get3A_32, %get3A_33] : memref<8x128x1024xf32, #tpu.memory_space<vmem>>, vector<1x128x1024xf32>
    %get3A_35 = vector.shape_cast %get3A_34 : vector<1x128x1024xf32> to vector<128x1024xf32>
    %convert_element_type3A_36 = arith.truncf %get3A_35 : vector<128x1024xf32> to vector<128x1024xbf16>
    %dot_general3A_37 = arith.constant dense<0.000000e+00> : vector<256x1024xf32>
    %dot_general3A_38 = tpu.matmul %get3A_30, %convert_element_type3A_36, %dot_general3A_37 {dimension_numbers = #tpu.dot_dimension_numbers<[1], [0], [0], [1], [0, 0, 1, 1], [], []>, transpose_lhs_hint = false} : vector<256x128xbf16>, vector<128x1024xbf16>, vector<256x1024xf32> -> vector<256x1024xf32>
    %add3A_39 = arith.addf %add3A, %dot_general3A_38 : vector<256x1024xf32>
    %get3A_40 = arith.constant 3 : index
    %get3A_41 = arith.constant 0 : index
    %get3A_42 = arith.constant 0 : index
    %get3A_43 = vector.load %arg1[%get3A_40, %get3A_41, %get3A_42] : memref<8x256x128xbf16, #tpu.memory_space<vmem>>, vector<1x256x128xbf16>
    %get3A_44 = vector.shape_cast %get3A_43 : vector<1x256x128xbf16> to vector<256x128xbf16>
    %get3A_45 = arith.constant 3 : index
    %get3A_46 = arith.constant 0 : index
    %get3A_47 = arith.constant 0 : index
    %get3A_48 = vector.load %arg2[%get3A_45, %get3A_46, %get3A_47] : memref<8x128x1024xf32, #tpu.memory_space<vmem>>, vector<1x128x1024xf32>
    %get3A_49 = vector.shape_cast %get3A_48 : vector<1x128x1024xf32> to vector<128x1024xf32>
    %convert_element_type3A_50 = arith.truncf %get3A_49 : vector<128x1024xf32> to vector<128x1024xbf16>
    %dot_general3A_51 = arith.constant dense<0.000000e+00> : vector<256x1024xf32>
    %dot_general3A_52 = tpu.matmul %get3A_44, %convert_element_type3A_50, %dot_general3A_51 {dimension_numbers = #tpu.dot_dimension_numbers<[1], [0], [0], [1], [0, 0, 1, 1], [], []>, transpose_lhs_hint = false} : vector<256x128xbf16>, vector<128x1024xbf16>, vector<256x1024xf32> -> vector<256x1024xf32>
    %add3A_53 = arith.addf %add3A_39, %dot_general3A_52 : vector<256x1024xf32>
    %get3A_54 = arith.constant 4 : index
    %get3A_55 = arith.constant 0 : index
    %get3A_56 = arith.constant 0 : index
    %get3A_57 = vector.load %arg1[%get3A_54, %get3A_55, %get3A_56] : memref<8x256x128xbf16, #tpu.memory_space<vmem>>, vector<1x256x128xbf16>
    %get3A_58 = vector.shape_cast %get3A_57 : vector<1x256x128xbf16> to vector<256x128xbf16>
    %get3A_59 = arith.constant 4 : index
    %get3A_60 = arith.constant 0 : index
    %get3A_61 = arith.constant 0 : index
    %get3A_62 = vector.load %arg2[%get3A_59, %get3A_60, %get3A_61] : memref<8x128x1024xf32, #tpu.memory_space<vmem>>, vector<1x128x1024xf32>
    %get3A_63 = vector.shape_cast %get3A_62 : vector<1x128x1024xf32> to vector<128x1024xf32>
    %convert_element_type3A_64 = arith.truncf %get3A_63 : vector<128x1024xf32> to vector<128x1024xbf16>
    %dot_general3A_65 = arith.constant dense<0.000000e+00> : vector<256x1024xf32>
    %dot_general3A_66 = tpu.matmul %get3A_58, %convert_element_type3A_64, %dot_general3A_65 {dimension_numbers = #tpu.dot_dimension_numbers<[1], [0], [0], [1], [0, 0, 1, 1], [], []>, transpose_lhs_hint = false} : vector<256x128xbf16>, vector<128x1024xbf16>, vector<256x1024xf32> -> vector<256x1024xf32>
    %add3A_67 = arith.addf %add3A_53, %dot_general3A_66 : vector<256x1024xf32>
    %get3A_68 = arith.constant 5 : index
    %get3A_69 = arith.constant 0 : index
    %get3A_70 = arith.constant 0 : index
    %get3A_71 = vector.load %arg1[%get3A_68, %get3A_69, %get3A_70] : memref<8x256x128xbf16, #tpu.memory_space<vmem>>, vector<1x256x128xbf16>
    %get3A_72 = vector.shape_cast %get3A_71 : vector<1x256x128xbf16> to vector<256x128xbf16>
    %get3A_73 = arith.constant 5 : index
    %get3A_74 = arith.constant 0 : index
    %get3A_75 = arith.constant 0 : index
    %get3A_76 = vector.load %arg2[%get3A_73, %get3A_74, %get3A_75] : memref<8x128x1024xf32, #tpu.memory_space<vmem>>, vector<1x128x1024xf32>
    %get3A_77 = vector.shape_cast %get3A_76 : vector<1x128x1024xf32> to vector<128x1024xf32>
    %convert_element_type3A_78 = arith.truncf %get3A_77 : vector<128x1024xf32> to vector<128x1024xbf16>
    %dot_general3A_79 = arith.constant dense<0.000000e+00> : vector<256x1024xf32>
    %dot_general3A_80 = tpu.matmul %get3A_72, %convert_element_type3A_78, %dot_general3A_79 {dimension_numbers = #tpu.dot_dimension_numbers<[1], [0], [0], [1], [0, 0, 1, 1], [], []>, transpose_lhs_hint = false} : vector<256x128xbf16>, vector<128x1024xbf16>, vector<256x1024xf32> -> vector<256x1024xf32>
    %add3A_81 = arith.addf %add3A_67, %dot_general3A_80 : vector<256x1024xf32>
    %get3A_82 = arith.constant 6 : index
    %get3A_83 = arith.constant 0 : index
    %get3A_84 = arith.constant 0 : index
    %get3A_85 = vector.load %arg1[%get3A_82, %get3A_83, %get3A_84] : memref<8x256x128xbf16, #tpu.memory_space<vmem>>, vector<1x256x128xbf16>
    %get3A_86 = vector.shape_cast %get3A_85 : vector<1x256x128xbf16> to vector<256x128xbf16>
    %get3A_87 = arith.constant 6 : index
    %get3A_88 = arith.constant 0 : index
    %get3A_89 = arith.constant 0 : index
    %get3A_90 = vector.load %arg2[%get3A_87, %get3A_88, %get3A_89] : memref<8x128x1024xf32, #tpu.memory_space<vmem>>, vector<1x128x1024xf32>
    %get3A_91 = vector.shape_cast %get3A_90 : vector<1x128x1024xf32> to vector<128x1024xf32>
    %convert_element_type3A_92 = arith.truncf %get3A_91 : vector<128x1024xf32> to vector<128x1024xbf16>
    %dot_general3A_93 = arith.constant dense<0.000000e+00> : vector<256x1024xf32>
    %dot_general3A_94 = tpu.matmul %get3A_86, %convert_element_type3A_92, %dot_general3A_93 {dimension_numbers = #tpu.dot_dimension_numbers<[1], [0], [0], [1], [0, 0, 1, 1], [], []>, transpose_lhs_hint = false} : vector<256x128xbf16>, vector<128x1024xbf16>, vector<256x1024xf32> -> vector<256x1024xf32>
    %add3A_95 = arith.addf %add3A_81, %dot_general3A_94 : vector<256x1024xf32>
    %get3A_96 = arith.constant 7 : index
    %get3A_97 = arith.constant 0 : index
    %get3A_98 = arith.constant 0 : index
    %get3A_99 = vector.load %arg1[%get3A_96, %get3A_97, %get3A_98] : memref<8x256x128xbf16, #tpu.memory_space<vmem>>, vector<1x256x128xbf16>
    %get3A_100 = vector.shape_cast %get3A_99 : vector<1x256x128xbf16> to vector<256x128xbf16>
    %get3A_101 = arith.constant 7 : index
    %get3A_102 = arith.constant 0 : index
    %get3A_103 = arith.constant 0 : index
    %get3A_104 = vector.load %arg2[%get3A_101, %get3A_102, %get3A_103] : memref<8x128x1024xf32, #tpu.memory_space<vmem>>, vector<1x128x1024xf32>
    %get3A_105 = vector.shape_cast %get3A_104 : vector<1x128x1024xf32> to vector<128x1024xf32>
    %convert_element_type3A_106 = arith.truncf %get3A_105 : vector<128x1024xf32> to vector<128x1024xbf16>
    %dot_general3A_107 = arith.constant dense<0.000000e+00> : vector<256x1024xf32>
    %dot_general3A_108 = tpu.matmul %get3A_100, %convert_element_type3A_106, %dot_general3A_107 {dimension_numbers = #tpu.dot_dimension_numbers<[1], [0], [0], [1], [0, 0, 1, 1], [], []>, transpose_lhs_hint = false} : vector<256x128xbf16>, vector<128x1024xbf16>, vector<256x1024xf32> -> vector<256x1024xf32>
    %add3A_109 = arith.addf %add3A_95, %dot_general3A_108 : vector<256x1024xf32>
    %get3A_110 = arith.constant 0 : index
    %get3A_111 = arith.constant 0 : index
    %get3A_112 = vector.load %arg3[%get3A_110, %get3A_111] : memref<256x1024xf32, #tpu.memory_space<vmem>>, vector<256x1024xf32>
    %add3A_113 = arith.addf %get3A_112, %add3A_109 : vector<256x1024xf32>
    %swap3A = arith.constant 0 : index
    %swap3A_114 = arith.constant 0 : index
    %swap3A_115 = vector.load %arg6[%swap3A, %swap3A_114] : memref<256x1024xf32, #tpu.memory_space<vmem>>, vector<256x1024xf32>
    tpu.vector_store %arg6[%swap3A, %swap3A_114], %add3A_113 {strides = array<i32>} : memref<256x1024xf32, #tpu.memory_space<vmem>>, vector<256x1024xf32>,
    %get3A_116 = arith.constant 0 : index
    %get3A_117 = arith.constant 0 : index
    %get3A_118 = vector.load %arg4[%get3A_116, %get3A_117] : memref<1x1024xf32, #tpu.memory_space<vmem>>, vector<1x1024xf32>
    %mul3A = arith.mulf %add3A_113, %add3A_113 : vector<256x1024xf32>
    %reduce_sum3A = arith.constant dense<0.000000e+00> : vector<256xf32>
    %reduce_sum3A_119 = vector.multi_reduction <add>, %mul3A, %reduce_sum3A [1] : vector<256x1024xf32> to vector<256xf32>
    %broadcast_in_dim3A = vector.shape_cast %reduce_sum3A_119 : vector<256xf32> to vector<256x1xf32>
    %div3A = arith.constant 1.024000e+03 : f32
    %div3A_120 = vector.broadcast %div3A : f32 to vector<256x1xf32>
    %div3A_121 = arith.divf %broadcast_in_dim3A, %div3A_120 : vector<256x1xf32>
    %add3A_122 = arith.constant 9.99999997E-7 : f32
    %add3A_123 = vector.broadcast %add3A_122 : f32 to vector<256x1xf32>
    %add3A_124 = arith.addf %div3A_121, %add3A_123 : vector<256x1xf32>
    %rsqrt3A = math.rsqrt %add3A_124 : vector<256x1xf32>
    %mul3A_125 = vector.broadcast %rsqrt3A : vector<256x1xf32> to vector<256x1024xf32>
    %mul3A_126 = arith.mulf %add3A_113, %mul3A_125 : vector<256x1024xf32>
    %mul3A_127 = vector.broadcast %get3A_118 : vector<1x1024xf32> to vector<256x1024xf32>
    %mul3A_128 = arith.mulf %mul3A_126, %mul3A_127 : vector<256x1024xf32>
    %convert_element_type3A_129 = arith.truncf %mul3A_128 : vector<256x1024xf32> to vector<256x1024xbf16>
    %swap3A_130 = arith.constant 0 : index
    %swap3A_131 = arith.constant 0 : index
    %swap3A_132 = vector.load %arg7[%swap3A_130, %swap3A_131] : memref<256x1024xbf16, #tpu.memory_space<vmem>>, vector<256x1024xbf16>
    tpu.vector_store %arg7[%swap3A_130, %swap3A_131], %convert_element_type3A_129 {strides = array<i32>} : memref<256x1024xbf16, #tpu.memory_space<vmem>>, vector<256x1024xbf16>,
    %get3A_133 = arith.constant 0 : index
    %get3A_134 = arith.constant 0 : index
    %get3A_135 = vector.load %arg5[%get3A_133, %get3A_134] : memref<1024x8xf32, #tpu.memory_space<vmem>>, vector<1024x8xf32>
    %dot_general3A_136 = arith.constant dense<0.000000e+00> : vector<256x8xf32>
    %dot_general3A_137 = tpu.matmul %mul3A_128, %get3A_135, %dot_general3A_136 {dimension_numbers = #tpu.dot_dimension_numbers<[1], [0], [0], [1], [0, 0, 1, 1], [], []>, transpose_lhs_hint = false} : vector<256x1024xf32>, vector<1024x8xf32>, vector<256x8xf32> -> vector<256x8xf32>
    %reduce_max3A = arith.constant dense<0xFF800000> : vector<256xf32>
    %reduce_max3A_138 = vector.multi_reduction <maximumf>, %dot_general3A_137, %reduce_max3A [1] : vector<256x8xf32> to vector<256xf32>
    %broadcast_in_dim3A_139 = vector.shape_cast %reduce_max3A_138 : vector<256xf32> to vector<256x1xf32>
    %sub3A = vector.broadcast %broadcast_in_dim3A_139 : vector<256x1xf32> to vector<256x8xf32>
    %sub3A_140 = arith.subf %dot_general3A_137, %sub3A : vector<256x8xf32>
    %exp3A = math.exp %sub3A_140 : vector<256x8xf32>
    %reduce_sum3A_141 = arith.constant dense<0.000000e+00> : vector<256xf32>
    %reduce_sum3A_142 = vector.multi_reduction <add>, %exp3A, %reduce_sum3A_141 [1] : vector<256x8xf32> to vector<256xf32>
    %broadcast_in_dim3A_143 = vector.shape_cast %reduce_sum3A_142 : vector<256xf32> to vector<256x1xf32>
    %div3A_144 = vector.broadcast %broadcast_in_dim3A_143 : vector<256x1xf32> to vector<256x8xf32>
    %div3A_145 = arith.divf %exp3A, %div3A_144 : vector<256x8xf32>
    %iota3A = tpu.iota {dimensions = array<i32: 1>} : vector<256x8xi32>
    %reduce_max3A_146 = arith.constant dense<0xFF800000> : vector<256xf32>
    %reduce_max3A_147 = vector.multi_reduction <maximumf>, %div3A_145, %reduce_max3A_146 [1] : vector<256x8xf32> to vector<256xf32>
    %broadcast_in_dim3A_148 = vector.shape_cast %reduce_max3A_147 : vector<256xf32> to vector<256x1xf32>
    %eq3A_149 = vector.broadcast %broadcast_in_dim3A_148 : vector<256x1xf32> to vector<256x8xf32>
    %eq3A_150 = arith.cmpf oeq, %div3A_145, %eq3A_149 : vector<256x8xf32>
    %jit3A = arith.constant 8 : i32
    %broadcast_in_dim3A_151 = vector.broadcast %jit3A : i32 to vector<256x8xi32>
    %select_n3A = arith.select %eq3A_150, %iota3A, %broadcast_in_dim3A_151 : vector<256x8xi1>, vector<256x8xi32>
    %reduce_min3A = arith.constant dense<2147483647> : vector<256xi32>
    %reduce_min3A_152 = vector.multi_reduction <minsi>, %select_n3A, %reduce_min3A [1] : vector<256x8xi32> to vector<256xi32>
    %broadcast_in_dim3A_153 = vector.shape_cast %reduce_min3A_152 : vector<256xi32> to vector<256x1xi32>
    %eq3A_154 = vector.broadcast %broadcast_in_dim3A_153 : vector<256x1xi32> to vector<256x8xi32>
    %eq3A_155 = arith.cmpi eq, %iota3A, %eq3A_154 : vector<256x8xi32>
    %jit3A_156 = arith.constant 0xFF800000 : f32
    %broadcast_in_dim3A_157 = vector.broadcast %jit3A_156 : f32 to vector<256x8xf32>
    %select_n3A_158 = arith.select %eq3A_155, %broadcast_in_dim3A_157, %div3A_145 : vector<256x8xi1>, vector<256x8xf32>
    %reduce_max3A_159 = arith.constant dense<0xFF800000> : vector<256xf32>
    %reduce_max3A_160 = vector.multi_reduction <maximumf>, %select_n3A_158, %reduce_max3A_159 [1] : vector<256x8xf32> to vector<256xf32>
    %broadcast_in_dim3A_161 = vector.shape_cast %reduce_max3A_160 : vector<256xf32> to vector<256x1xf32>
    %eq3A_162 = vector.broadcast %broadcast_in_dim3A_161 : vector<256x1xf32> to vector<256x8xf32>
    %eq3A_163 = arith.cmpf oeq, %select_n3A_158, %eq3A_162 : vector<256x8xf32>
    %jit3A_164 = arith.constant 8 : i32
    %broadcast_in_dim3A_165 = vector.broadcast %jit3A_164 : i32 to vector<256x8xi32>
    %select_n3A_166 = arith.select %eq3A_163, %iota3A, %broadcast_in_dim3A_165 : vector<256x8xi1>, vector<256x8xi32>
    %reduce_min3A_167 = arith.constant dense<2147483647> : vector<256xi32>
    %reduce_min3A_168 = vector.multi_reduction <minsi>, %select_n3A_166, %reduce_min3A_167 [1] : vector<256x8xi32> to vector<256xi32>
    %broadcast_in_dim3A_169 = vector.shape_cast %reduce_min3A_168 : vector<256xi32> to vector<256x1xi32>
    %add3A_170 = arith.addf %broadcast_in_dim3A_148, %broadcast_in_dim3A_161 : vector<256x1xf32>
    %eq3A_171 = vector.broadcast %broadcast_in_dim3A_153 : vector<256x1xi32> to vector<256x8xi32>
    %eq3A_172 = arith.cmpi eq, %iota3A, %eq3A_171 : vector<256x8xi32>
    %eq3A_173 = vector.broadcast %broadcast_in_dim3A_169 : vector<256x1xi32> to vector<256x8xi32>
    %eq3A_174 = arith.cmpi eq, %iota3A, %eq3A_173 : vector<256x8xi32>
    %or3A = arith.ori %eq3A_172, %eq3A_174 : vector<256x8xi1>
    %convert_element_type3A_175 = arith.extui %or3A : vector<256x8xi1> to vector<256x8xi32>
    %convert_element_type3A_176 = arith.sitofp %convert_element_type3A_175 : vector<256x8xi32> to vector<256x8xf32>
    %convert_element_type3A_177 = arith.truncf %convert_element_type3A_176 : vector<256x8xf32> to vector<256x8xbf16>
    %iota3A_178 = tpu.iota {dimensions = array<i32: 0>} : vector<256x256xi32>
    %iota3A_179 = tpu.iota {dimensions = array<i32: 1>} : vector<256x256xi32>
    %lt3A = arith.cmpi slt, %iota3A_179, %iota3A_178 : vector<256x256xi32>
    %convert_element_type3A_180 = arith.extui %lt3A : vector<256x256xi1> to vector<256x256xi32>
    %convert_element_type3A_181 = arith.sitofp %convert_element_type3A_180 : vector<256x256xi32> to vector<256x256xf32>
    %convert_element_type3A_182 = arith.truncf %convert_element_type3A_181 : vector<256x256xf32> to vector<256x256xbf16>
    %dot_general3A_183 = arith.constant dense<0.000000e+00> : vector<256x8xf32>
    %dot_general3A_184 = tpu.matmul %convert_element_type3A_182, %convert_element_type3A_177, %dot_general3A_183 {dimension_numbers = #tpu.dot_dimension_numbers<[1], [0], [0], [1], [0, 0, 1, 1], [], []>, transpose_lhs_hint = false} : vector<256x256xbf16>, vector<256x8xbf16>, vector<256x8xf32> -> vector<256x8xf32>
    %get3A_185 = arith.constant 0 : index
    %get3A_186 = arith.constant 0 : index
    %get3A_187 = vector.load %arg12[%get3A_185, %get3A_186] : memref<1x8xf32, #tpu.memory_space<vmem>>, vector<1x8xf32>
    %add3A_188 = vector.broadcast %get3A_187 : vector<1x8xf32> to vector<256x8xf32>
    %add3A_189 = arith.addf %dot_general3A_184, %add3A_188 : vector<256x8xf32>
    %eq3A_190 = vector.broadcast %broadcast_in_dim3A_153 : vector<256x1xi32> to vector<256x8xi32>
    %eq3A_191 = arith.cmpi eq, %iota3A, %eq3A_190 : vector<256x8xi32>
    %jit3A_192 = arith.constant 0.000000e+00 : f32
    %broadcast_in_dim3A_193 = vector.broadcast %jit3A_192 : f32 to vector<256x8xf32>
    %select_n3A_194 = arith.select %eq3A_191, %add3A_189, %broadcast_in_dim3A_193 : vector<256x8xi1>, vector<256x8xf32>
    %reduce_sum3A_195 = arith.constant dense<0.000000e+00> : vector<256xf32>
    %reduce_sum3A_196 = vector.multi_reduction <add>, %select_n3A_194, %reduce_sum3A_195 [1] : vector<256x8xf32> to vector<256xf32>
    %broadcast_in_dim3A_197 = vector.shape_cast %reduce_sum3A_196 : vector<256xf32> to vector<256x1xf32>
    %eq3A_198 = vector.broadcast %broadcast_in_dim3A_169 : vector<256x1xi32> to vector<256x8xi32>
    %eq3A_199 = arith.cmpi eq, %iota3A, %eq3A_198 : vector<256x8xi32>
    %jit3A_200 = arith.constant 0.000000e+00 : f32
    %broadcast_in_dim3A_201 = vector.broadcast %jit3A_200 : f32 to vector<256x8xf32>
    %select_n3A_202 = arith.select %eq3A_199, %add3A_189, %broadcast_in_dim3A_201 : vector<256x8xi1>, vector<256x8xf32>
    %reduce_sum3A_203 = arith.constant dense<0.000000e+00> : vector<256xf32>
    %reduce_sum3A_204 = vector.multi_reduction <add>, %select_n3A_202, %reduce_sum3A_203 [1] : vector<256x8xf32> to vector<256xf32>
    %broadcast_in_dim3A_205 = vector.shape_cast %reduce_sum3A_204 : vector<256xf32> to vector<256x1xf32>
    %get3A_206 = arith.constant 0 : index
    %get3A_207 = arith.constant 0 : index
    %get3A_208 = vector.load %arg12[%get3A_206, %get3A_207] : memref<1x8xf32, #tpu.memory_space<vmem>>, vector<1x8xf32>
    %convert_element_type3A_209 = arith.extf %convert_element_type3A_177 : vector<256x8xbf16> to vector<256x8xf32>
    %reduce_sum3A_210 = arith.constant dense<0.000000e+00> : vector<8xf32>
    %reduce_sum3A_211 = vector.multi_reduction <add>, %convert_element_type3A_209, %reduce_sum3A_210 [0] : vector<256x8xf32> to vector<8xf32>
    %broadcast_in_dim3A_212 = vector.shape_cast %reduce_sum3A_211 : vector<8xf32> to vector<1x8xf32>
    %add3A_213 = arith.addf %get3A_208, %broadcast_in_dim3A_212 : vector<1x8xf32>
    %swap3A_214 = arith.constant 0 : index
    %swap3A_215 = arith.constant 0 : index
    %swap3A_216 = vector.load %arg12[%swap3A_214, %swap3A_215] : memref<1x8xf32, #tpu.memory_space<vmem>>, vector<1x8xf32>
    tpu.vector_store %arg12[%swap3A_214, %swap3A_215], %add3A_213 {strides = array<i32>} : memref<1x8xf32, #tpu.memory_space<vmem>>, vector<1x8xf32>,
    %get3A_217 = arith.constant 0 : index
    %get3A_218 = arith.constant 0 : index
    %get3A_219 = vector.load %arg12[%get3A_217, %get3A_218] : memref<1x8xf32, #tpu.memory_space<vmem>>, vector<1x8xf32>
    %swap3A_220 = arith.constant 0 : index
    %swap3A_221 = arith.constant 0 : index
    %swap3A_222 = vector.load %arg11[%swap3A_220, %swap3A_221] : memref<1x8xf32, #tpu.memory_space<vmem>>, vector<1x8xf32>
    tpu.vector_store %arg11[%swap3A_220, %swap3A_221], %get3A_219 {strides = array<i32>} : memref<1x8xf32, #tpu.memory_space<vmem>>, vector<1x8xf32>,
    %concatenate3A = tpu.concatenate %broadcast_in_dim3A_153, %broadcast_in_dim3A_169 in 1 : vector<256x1xi32>, vector<256x1xi32> -> vector<256x2xi32>
    %swap3A_223 = arith.constant 0 : index
    %swap3A_224 = arith.constant 0 : index
    %swap3A_225 = vector.load %arg8[%swap3A_223, %swap3A_224] : memref<256x2xi32, #tpu.memory_space<vmem>>, vector<256x2xi32>
    tpu.vector_store %arg8[%swap3A_223, %swap3A_224], %concatenate3A {strides = array<i32>} : memref<256x2xi32, #tpu.memory_space<vmem>>, vector<256x2xi32>,
    %concatenate3A_226 = tpu.concatenate %broadcast_in_dim3A_197, %broadcast_in_dim3A_205 in 1 : vector<256x1xf32>, vector<256x1xf32> -> vector<256x2xf32>
    %convert_element_type3A_227 = arith.fptosi %concatenate3A_226 : vector<256x2xf32> to vector<256x2xi32>
    %swap3A_228 = arith.constant 0 : index
    %swap3A_229 = arith.constant 0 : index
    %swap3A_230 = vector.load %arg9[%swap3A_228, %swap3A_229] : memref<256x2xi32, #tpu.memory_space<vmem>>, vector<256x2xi32>
    tpu.vector_store %arg9[%swap3A_228, %swap3A_229], %convert_element_type3A_227 {strides = array<i32>} : memref<256x2xi32, #tpu.memory_space<vmem>>, vector<256x2xi32>,
    %div3A_231 = arith.divf %broadcast_in_dim3A_148, %add3A_170 : vector<256x1xf32>
    %div3A_232 = arith.divf %broadcast_in_dim3A_161, %add3A_170 : vector<256x1xf32>
    %concatenate3A_233 = tpu.concatenate %div3A_231, %div3A_232 in 1 : vector<256x1xf32>, vector<256x1xf32> -> vector<256x2xf32>
    %swap3A_234 = arith.constant 0 : index
    %swap3A_235 = arith.constant 0 : index
    %swap3A_236 = vector.load %arg10[%swap3A_234, %swap3A_235] : memref<256x2xf32, #tpu.memory_space<vmem>>, vector<256x2xf32>
    tpu.vector_store %arg10[%swap3A_234, %swap3A_235], %concatenate3A_233 {strides = array<i32>} : memref<256x2xf32, #tpu.memory_space<vmem>>, vector<256x2xf32>,
    return
  }
  func.func @transform_0(%arg0: i32) -> (i32, i32, i32) {
    %c0_i32 = arith.constant 0 : i32
    %c0_i32_0 = arith.constant 0 : i32
    %c0_i32_1 = arith.constant 0 : i32
    return %c0_i32, %arg0, %c0_i32_0 : i32, i32, i32
  }
  func.func @transform_1(%arg0: i32) -> (i32, i32, i32) {
    %c0_i32 = arith.constant 0 : i32
    %c0_i32_0 = arith.constant 0 : i32
    %c0_i32_1 = arith.constant 0 : i32
    %c0_i32_2 = arith.constant 0 : i32
    return %c0_i32, %c0_i32_0, %c0_i32_1 : i32, i32, i32
  }
  func.func @transform_2(%arg0: i32) -> (i32, i32) {
    %c0_i32 = arith.constant 0 : i32
    %c0_i32_0 = arith.constant 0 : i32
    return %arg0, %c0_i32 : i32, i32
  }
  func.func @transform_3(%arg0: i32) -> (i32, i32) {
    %c0_i32 = arith.constant 0 : i32
    %c0_i32_0 = arith.constant 0 : i32
    %c0_i32_1 = arith.constant 0 : i32
    return %c0_i32, %c0_i32_0 : i32, i32
  }
  func.func @transform_4(%arg0: i32) -> (i32, i32) {
    %c0_i32 = arith.constant 0 : i32
    %c0_i32_0 = arith.constant 0 : i32
    %c0_i32_1 = arith.constant 0 : i32
    return %c0_i32, %c0_i32_0 : i32, i32
  }
  func.func @transform_5(%arg0: i32) -> (i32, i32) {
    %c0_i32 = arith.constant 0 : i32
    %c0_i32_0 = arith.constant 0 : i32
    return %arg0, %c0_i32 : i32, i32
  }
  func.func @transform_6(%arg0: i32) -> (i32, i32) {
    %c0_i32 = arith.constant 0 : i32
    %c0_i32_0 = arith.constant 0 : i32
    return %arg0, %c0_i32 : i32, i32
  }
  func.func @transform_7(%arg0: i32) -> (i32, i32) {
    %c0_i32 = arith.constant 0 : i32
    %c0_i32_0 = arith.constant 0 : i32
    return %arg0, %c0_i32 : i32, i32
  }
  func.func @transform_8(%arg0: i32) -> (i32, i32) {
    %c0_i32 = arith.constant 0 : i32
    %c0_i32_0 = arith.constant 0 : i32
    return %arg0, %c0_i32 : i32, i32
  }
  func.func @transform_9(%arg0: i32) -> (i32, i32) {
    %c0_i32 = arith.constant 0 : i32
    %c0_i32_0 = arith.constant 0 : i32
    return %arg0, %c0_i32 : i32, i32
  }
  func.func @transform_10(%arg0: i32) -> (i32, i32) {
    %c0_i32 = arith.constant 0 : i32
    %c0_i32_0 = arith.constant 0 : i32
    %c0_i32_1 = arith.constant 0 : i32
    return %c0_i32, %c0_i32_0 : i32, i32
  }
}

module attributes {stable_mosaic.version = 14 : i64} {
  func.func @_route_kernel(%arg0: memref<1x8xf32, #tpu.memory_space<vmem>>, %arg1: memref<2048x2xi32, #tpu.memory_space<vmem>>, %arg2: memref<2048x2xi32, #tpu.memory_space<vmem>>, %arg3: memref<2048x2xi32, #tpu.memory_space<vmem>>, %arg4: memref<1x24xi32, #tpu.memory_space<vmem>>) attributes {dimension_semantics = [], scalar_prefetch = 0 : i64, scratch_operands = 0 : i64, tpu.core_type = #tpu.core_type<tc>} {
    %get3A = arith.constant 0 : index
    %get3A_0 = arith.constant 0 : index
    %get3A_1 = vector.load %arg0[%get3A, %get3A_0] : memref<1x8xf32, #tpu.memory_space<vmem>>, vector<1x8xf32>
    %add3A = arith.constant 2.550000e+02 : f32
    %add3A_2 = vector.broadcast %add3A : f32 to vector<1x8xf32>
    %add3A_3 = arith.addf %get3A_1, %add3A_2 : vector<1x8xf32>
    %div3A = arith.constant 2.560000e+02 : f32
    %div3A_4 = vector.broadcast %div3A : f32 to vector<1x8xf32>
    %div3A_5 = arith.divf %add3A_3, %div3A_4 : vector<1x8xf32>
    %floor3A = math.floor %div3A_5 : vector<1x8xf32>
    %mul3A = arith.constant 2.560000e+02 : f32
    %mul3A_6 = vector.broadcast %mul3A : f32 to vector<1x8xf32>
    %mul3A_7 = arith.mulf %floor3A, %mul3A_6 : vector<1x8xf32>
    %iota3A = tpu.iota {dimensions = array<i32: 0>} : vector<8x8xi32>
    %iota3A_8 = tpu.iota {dimensions = array<i32: 1>} : vector<8x8xi32>
    %lt3A = arith.cmpi slt, %iota3A, %iota3A_8 : vector<8x8xi32>
    %convert_element_type3A = arith.extui %lt3A : vector<8x8xi1> to vector<8x8xi32>
    %convert_element_type3A_9 = arith.sitofp %convert_element_type3A : vector<8x8xi32> to vector<8x8xf32>
    %dot_general3A = arith.constant dense<0.000000e+00> : vector<1x8xf32>
    %dot_general3A_10 = tpu.matmul %mul3A_7, %convert_element_type3A_9, %dot_general3A {dimension_numbers = #tpu.dot_dimension_numbers<[1], [0], [0], [1], [0, 0, 1, 1], [], []>, transpose_lhs_hint = false} : vector<1x8xf32>, vector<8x8xf32>, vector<1x8xf32> -> vector<1x8xf32>
    %add3A_11 = arith.addf %dot_general3A_10, %mul3A_7 : vector<1x8xf32>
    %get3A_12 = arith.constant 0 : index
    %get3A_13 = arith.constant 0 : index
    %get3A_14 = vector.load %arg1[%get3A_12, %get3A_13] : memref<2048x2xi32, #tpu.memory_space<vmem>>, vector<2048x2xi32>
    %get3A_15 = arith.constant 0 : index
    %get3A_16 = arith.constant 0 : index
    %get3A_17 = vector.load %arg2[%get3A_15, %get3A_16] : memref<2048x2xi32, #tpu.memory_space<vmem>>, vector<2048x2xi32>
    %broadcast_in_dim3A = arith.constant 0.000000e+00 : f32
    %broadcast_in_dim3A_18 = vector.broadcast %broadcast_in_dim3A : f32 to vector<2048x2xf32>
    %eq3A = arith.constant 0 : i32
    %eq3A_19 = vector.broadcast %eq3A : i32 to vector<2048x2xi32>
    %eq3A_20 = arith.cmpi eq, %get3A_14, %eq3A_19 : vector<2048x2xi32>
    %slice3A = vector.extract_strided_slice %dot_general3A_10 {offsets = [0, 0], sizes = [1, 1], strides = [1, 1]} : vector<1x8xf32> to vector<1x1xf32>
    %squeeze3A = vector.extract %slice3A[0, 0] : f32 from vector<1x1xf32>
    %jit3A = arith.constant 0.000000e+00 : f32
    %broadcast_in_dim3A_21 = vector.broadcast %squeeze3A : f32 to vector<2048x2xf32>
    %broadcast_in_dim3A_22 = vector.broadcast %jit3A : f32 to vector<2048x2xf32>
    %select_n3A = arith.select %eq3A_20, %broadcast_in_dim3A_21, %broadcast_in_dim3A_22 : vector<2048x2xi1>, vector<2048x2xf32>
    %add3A_23 = arith.addf %broadcast_in_dim3A_18, %select_n3A : vector<2048x2xf32>
    %eq3A_24 = arith.constant 1 : i32
    %eq3A_25 = vector.broadcast %eq3A_24 : i32 to vector<2048x2xi32>
    %eq3A_26 = arith.cmpi eq, %get3A_14, %eq3A_25 : vector<2048x2xi32>
    %slice3A_27 = vector.extract_strided_slice %dot_general3A_10 {offsets = [0, 1], sizes = [1, 1], strides = [1, 1]} : vector<1x8xf32> to vector<1x1xf32>
    %squeeze3A_28 = vector.extract %slice3A_27[0, 0] : f32 from vector<1x1xf32>
    %jit3A_29 = arith.constant 0.000000e+00 : f32
    %broadcast_in_dim3A_30 = vector.broadcast %squeeze3A_28 : f32 to vector<2048x2xf32>
    %broadcast_in_dim3A_31 = vector.broadcast %jit3A_29 : f32 to vector<2048x2xf32>
    %select_n3A_32 = arith.select %eq3A_26, %broadcast_in_dim3A_30, %broadcast_in_dim3A_31 : vector<2048x2xi1>, vector<2048x2xf32>
    %add3A_33 = arith.addf %add3A_23, %select_n3A_32 : vector<2048x2xf32>
    %eq3A_34 = arith.constant 2 : i32
    %eq3A_35 = vector.broadcast %eq3A_34 : i32 to vector<2048x2xi32>
    %eq3A_36 = arith.cmpi eq, %get3A_14, %eq3A_35 : vector<2048x2xi32>
    %slice3A_37 = vector.extract_strided_slice %dot_general3A_10 {offsets = [0, 2], sizes = [1, 1], strides = [1, 1]} : vector<1x8xf32> to vector<1x1xf32>
    %squeeze3A_38 = vector.extract %slice3A_37[0, 0] : f32 from vector<1x1xf32>
    %jit3A_39 = arith.constant 0.000000e+00 : f32
    %broadcast_in_dim3A_40 = vector.broadcast %squeeze3A_38 : f32 to vector<2048x2xf32>
    %broadcast_in_dim3A_41 = vector.broadcast %jit3A_39 : f32 to vector<2048x2xf32>
    %select_n3A_42 = arith.select %eq3A_36, %broadcast_in_dim3A_40, %broadcast_in_dim3A_41 : vector<2048x2xi1>, vector<2048x2xf32>
    %add3A_43 = arith.addf %add3A_33, %select_n3A_42 : vector<2048x2xf32>
    %eq3A_44 = arith.constant 3 : i32
    %eq3A_45 = vector.broadcast %eq3A_44 : i32 to vector<2048x2xi32>
    %eq3A_46 = arith.cmpi eq, %get3A_14, %eq3A_45 : vector<2048x2xi32>
    %slice3A_47 = vector.extract_strided_slice %dot_general3A_10 {offsets = [0, 3], sizes = [1, 1], strides = [1, 1]} : vector<1x8xf32> to vector<1x1xf32>
    %squeeze3A_48 = vector.extract %slice3A_47[0, 0] : f32 from vector<1x1xf32>
    %jit3A_49 = arith.constant 0.000000e+00 : f32
    %broadcast_in_dim3A_50 = vector.broadcast %squeeze3A_48 : f32 to vector<2048x2xf32>
    %broadcast_in_dim3A_51 = vector.broadcast %jit3A_49 : f32 to vector<2048x2xf32>
    %select_n3A_52 = arith.select %eq3A_46, %broadcast_in_dim3A_50, %broadcast_in_dim3A_51 : vector<2048x2xi1>, vector<2048x2xf32>
    %add3A_53 = arith.addf %add3A_43, %select_n3A_52 : vector<2048x2xf32>
    %eq3A_54 = arith.constant 4 : i32
    %eq3A_55 = vector.broadcast %eq3A_54 : i32 to vector<2048x2xi32>
    %eq3A_56 = arith.cmpi eq, %get3A_14, %eq3A_55 : vector<2048x2xi32>
    %slice3A_57 = vector.extract_strided_slice %dot_general3A_10 {offsets = [0, 4], sizes = [1, 1], strides = [1, 1]} : vector<1x8xf32> to vector<1x1xf32>
    %squeeze3A_58 = vector.extract %slice3A_57[0, 0] : f32 from vector<1x1xf32>
    %jit3A_59 = arith.constant 0.000000e+00 : f32
    %broadcast_in_dim3A_60 = vector.broadcast %squeeze3A_58 : f32 to vector<2048x2xf32>
    %broadcast_in_dim3A_61 = vector.broadcast %jit3A_59 : f32 to vector<2048x2xf32>
    %select_n3A_62 = arith.select %eq3A_56, %broadcast_in_dim3A_60, %broadcast_in_dim3A_61 : vector<2048x2xi1>, vector<2048x2xf32>
    %add3A_63 = arith.addf %add3A_53, %select_n3A_62 : vector<2048x2xf32>
    %eq3A_64 = arith.constant 5 : i32
    %eq3A_65 = vector.broadcast %eq3A_64 : i32 to vector<2048x2xi32>
    %eq3A_66 = arith.cmpi eq, %get3A_14, %eq3A_65 : vector<2048x2xi32>
    %slice3A_67 = vector.extract_strided_slice %dot_general3A_10 {offsets = [0, 5], sizes = [1, 1], strides = [1, 1]} : vector<1x8xf32> to vector<1x1xf32>
    %squeeze3A_68 = vector.extract %slice3A_67[0, 0] : f32 from vector<1x1xf32>
    %jit3A_69 = arith.constant 0.000000e+00 : f32
    %broadcast_in_dim3A_70 = vector.broadcast %squeeze3A_68 : f32 to vector<2048x2xf32>
    %broadcast_in_dim3A_71 = vector.broadcast %jit3A_69 : f32 to vector<2048x2xf32>
    %select_n3A_72 = arith.select %eq3A_66, %broadcast_in_dim3A_70, %broadcast_in_dim3A_71 : vector<2048x2xi1>, vector<2048x2xf32>
    %add3A_73 = arith.addf %add3A_63, %select_n3A_72 : vector<2048x2xf32>
    %eq3A_74 = arith.constant 6 : i32
    %eq3A_75 = vector.broadcast %eq3A_74 : i32 to vector<2048x2xi32>
    %eq3A_76 = arith.cmpi eq, %get3A_14, %eq3A_75 : vector<2048x2xi32>
    %slice3A_77 = vector.extract_strided_slice %dot_general3A_10 {offsets = [0, 6], sizes = [1, 1], strides = [1, 1]} : vector<1x8xf32> to vector<1x1xf32>
    %squeeze3A_78 = vector.extract %slice3A_77[0, 0] : f32 from vector<1x1xf32>
    %jit3A_79 = arith.constant 0.000000e+00 : f32
    %broadcast_in_dim3A_80 = vector.broadcast %squeeze3A_78 : f32 to vector<2048x2xf32>
    %broadcast_in_dim3A_81 = vector.broadcast %jit3A_79 : f32 to vector<2048x2xf32>
    %select_n3A_82 = arith.select %eq3A_76, %broadcast_in_dim3A_80, %broadcast_in_dim3A_81 : vector<2048x2xi1>, vector<2048x2xf32>
    %add3A_83 = arith.addf %add3A_73, %select_n3A_82 : vector<2048x2xf32>
    %eq3A_84 = arith.constant 7 : i32
    %eq3A_85 = vector.broadcast %eq3A_84 : i32 to vector<2048x2xi32>
    %eq3A_86 = arith.cmpi eq, %get3A_14, %eq3A_85 : vector<2048x2xi32>
    %slice3A_87 = vector.extract_strided_slice %dot_general3A_10 {offsets = [0, 7], sizes = [1, 1], strides = [1, 1]} : vector<1x8xf32> to vector<1x1xf32>
    %squeeze3A_88 = vector.extract %slice3A_87[0, 0] : f32 from vector<1x1xf32>
    %jit3A_89 = arith.constant 0.000000e+00 : f32
    %broadcast_in_dim3A_90 = vector.broadcast %squeeze3A_88 : f32 to vector<2048x2xf32>
    %broadcast_in_dim3A_91 = vector.broadcast %jit3A_89 : f32 to vector<2048x2xf32>
    %select_n3A_92 = arith.select %eq3A_86, %broadcast_in_dim3A_90, %broadcast_in_dim3A_91 : vector<2048x2xi1>, vector<2048x2xf32>
    %add3A_93 = arith.addf %add3A_83, %select_n3A_92 : vector<2048x2xf32>
    %convert_element_type3A_94 = arith.sitofp %get3A_17 : vector<2048x2xi32> to vector<2048x2xf32>
    %add3A_95 = arith.addf %add3A_93, %convert_element_type3A_94 : vector<2048x2xf32>
    %convert_element_type3A_96 = arith.fptosi %add3A_95 : vector<2048x2xf32> to vector<2048x2xi32>
    %swap3A = arith.constant 0 : index
    %swap3A_97 = arith.constant 0 : index
    %swap3A_98 = vector.load %arg3[%swap3A, %swap3A_97] : memref<2048x2xi32, #tpu.memory_space<vmem>>, vector<2048x2xi32>
    tpu.vector_store %arg3[%swap3A, %swap3A_97], %convert_element_type3A_96 {strides = array<i32>} : memref<2048x2xi32, #tpu.memory_space<vmem>>, vector<2048x2xi32>,
    %iota3A_99 = tpu.iota {dimensions = array<i32: 1>} : vector<1x24xi32>
    %convert_element_type3A_100 = arith.sitofp %iota3A_99 : vector<1x24xi32> to vector<1x24xf32>
    %mul3A_101 = arith.constant 2.560000e+02 : f32
    %mul3A_102 = vector.broadcast %mul3A_101 : f32 to vector<1x24xf32>
    %mul3A_103 = arith.mulf %convert_element_type3A_100, %mul3A_102 : vector<1x24xf32>
    %broadcast_in_dim3A_104 = arith.constant 0 : i32
    %broadcast_in_dim3A_105 = vector.broadcast %broadcast_in_dim3A_104 : i32 to vector<1x24xi32>
    %slice3A_106 = vector.extract_strided_slice %add3A_11 {offsets = [0, 0], sizes = [1, 1], strides = [1, 1]} : vector<1x8xf32> to vector<1x1xf32>
    %squeeze3A_107 = vector.extract %slice3A_106[0, 0] : f32 from vector<1x1xf32>
    %ge3A = vector.broadcast %squeeze3A_107 : f32 to vector<1x24xf32>
    %ge3A_108 = arith.cmpf oge, %mul3A_103, %ge3A : vector<1x24xf32>
    %jit3A_109 = arith.constant 1 : i32
    %jit3A_110 = arith.constant 0 : i32
    %broadcast_in_dim3A_111 = vector.broadcast %jit3A_109 : i32 to vector<1x24xi32>
    %broadcast_in_dim3A_112 = vector.broadcast %jit3A_110 : i32 to vector<1x24xi32>
    %select_n3A_113 = arith.select %ge3A_108, %broadcast_in_dim3A_111, %broadcast_in_dim3A_112 : vector<1x24xi1>, vector<1x24xi32>
    %add3A_114 = arith.addi %broadcast_in_dim3A_105, %select_n3A_113 : vector<1x24xi32>
    %slice3A_115 = vector.extract_strided_slice %add3A_11 {offsets = [0, 1], sizes = [1, 1], strides = [1, 1]} : vector<1x8xf32> to vector<1x1xf32>
    %squeeze3A_116 = vector.extract %slice3A_115[0, 0] : f32 from vector<1x1xf32>
    %ge3A_117 = vector.broadcast %squeeze3A_116 : f32 to vector<1x24xf32>
    %ge3A_118 = arith.cmpf oge, %mul3A_103, %ge3A_117 : vector<1x24xf32>
    %jit3A_119 = arith.constant 1 : i32
    %jit3A_120 = arith.constant 0 : i32
    %broadcast_in_dim3A_121 = vector.broadcast %jit3A_119 : i32 to vector<1x24xi32>
    %broadcast_in_dim3A_122 = vector.broadcast %jit3A_120 : i32 to vector<1x24xi32>
    %select_n3A_123 = arith.select %ge3A_118, %broadcast_in_dim3A_121, %broadcast_in_dim3A_122 : vector<1x24xi1>, vector<1x24xi32>
    %add3A_124 = arith.addi %add3A_114, %select_n3A_123 : vector<1x24xi32>
    %slice3A_125 = vector.extract_strided_slice %add3A_11 {offsets = [0, 2], sizes = [1, 1], strides = [1, 1]} : vector<1x8xf32> to vector<1x1xf32>
    %squeeze3A_126 = vector.extract %slice3A_125[0, 0] : f32 from vector<1x1xf32>
    %ge3A_127 = vector.broadcast %squeeze3A_126 : f32 to vector<1x24xf32>
    %ge3A_128 = arith.cmpf oge, %mul3A_103, %ge3A_127 : vector<1x24xf32>
    %jit3A_129 = arith.constant 1 : i32
    %jit3A_130 = arith.constant 0 : i32
    %broadcast_in_dim3A_131 = vector.broadcast %jit3A_129 : i32 to vector<1x24xi32>
    %broadcast_in_dim3A_132 = vector.broadcast %jit3A_130 : i32 to vector<1x24xi32>
    %select_n3A_133 = arith.select %ge3A_128, %broadcast_in_dim3A_131, %broadcast_in_dim3A_132 : vector<1x24xi1>, vector<1x24xi32>
    %add3A_134 = arith.addi %add3A_124, %select_n3A_133 : vector<1x24xi32>
    %slice3A_135 = vector.extract_strided_slice %add3A_11 {offsets = [0, 3], sizes = [1, 1], strides = [1, 1]} : vector<1x8xf32> to vector<1x1xf32>
    %squeeze3A_136 = vector.extract %slice3A_135[0, 0] : f32 from vector<1x1xf32>
    %ge3A_137 = vector.broadcast %squeeze3A_136 : f32 to vector<1x24xf32>
    %ge3A_138 = arith.cmpf oge, %mul3A_103, %ge3A_137 : vector<1x24xf32>
    %jit3A_139 = arith.constant 1 : i32
    %jit3A_140 = arith.constant 0 : i32
    %broadcast_in_dim3A_141 = vector.broadcast %jit3A_139 : i32 to vector<1x24xi32>
    %broadcast_in_dim3A_142 = vector.broadcast %jit3A_140 : i32 to vector<1x24xi32>
    %select_n3A_143 = arith.select %ge3A_138, %broadcast_in_dim3A_141, %broadcast_in_dim3A_142 : vector<1x24xi1>, vector<1x24xi32>
    %add3A_144 = arith.addi %add3A_134, %select_n3A_143 : vector<1x24xi32>
    %slice3A_145 = vector.extract_strided_slice %add3A_11 {offsets = [0, 4], sizes = [1, 1], strides = [1, 1]} : vector<1x8xf32> to vector<1x1xf32>
    %squeeze3A_146 = vector.extract %slice3A_145[0, 0] : f32 from vector<1x1xf32>
    %ge3A_147 = vector.broadcast %squeeze3A_146 : f32 to vector<1x24xf32>
    %ge3A_148 = arith.cmpf oge, %mul3A_103, %ge3A_147 : vector<1x24xf32>
    %jit3A_149 = arith.constant 1 : i32
    %jit3A_150 = arith.constant 0 : i32
    %broadcast_in_dim3A_151 = vector.broadcast %jit3A_149 : i32 to vector<1x24xi32>
    %broadcast_in_dim3A_152 = vector.broadcast %jit3A_150 : i32 to vector<1x24xi32>
    %select_n3A_153 = arith.select %ge3A_148, %broadcast_in_dim3A_151, %broadcast_in_dim3A_152 : vector<1x24xi1>, vector<1x24xi32>
    %add3A_154 = arith.addi %add3A_144, %select_n3A_153 : vector<1x24xi32>
    %slice3A_155 = vector.extract_strided_slice %add3A_11 {offsets = [0, 5], sizes = [1, 1], strides = [1, 1]} : vector<1x8xf32> to vector<1x1xf32>
    %squeeze3A_156 = vector.extract %slice3A_155[0, 0] : f32 from vector<1x1xf32>
    %ge3A_157 = vector.broadcast %squeeze3A_156 : f32 to vector<1x24xf32>
    %ge3A_158 = arith.cmpf oge, %mul3A_103, %ge3A_157 : vector<1x24xf32>
    %jit3A_159 = arith.constant 1 : i32
    %jit3A_160 = arith.constant 0 : i32
    %broadcast_in_dim3A_161 = vector.broadcast %jit3A_159 : i32 to vector<1x24xi32>
    %broadcast_in_dim3A_162 = vector.broadcast %jit3A_160 : i32 to vector<1x24xi32>
    %select_n3A_163 = arith.select %ge3A_158, %broadcast_in_dim3A_161, %broadcast_in_dim3A_162 : vector<1x24xi1>, vector<1x24xi32>
    %add3A_164 = arith.addi %add3A_154, %select_n3A_163 : vector<1x24xi32>
    %slice3A_165 = vector.extract_strided_slice %add3A_11 {offsets = [0, 6], sizes = [1, 1], strides = [1, 1]} : vector<1x8xf32> to vector<1x1xf32>
    %squeeze3A_166 = vector.extract %slice3A_165[0, 0] : f32 from vector<1x1xf32>
    %ge3A_167 = vector.broadcast %squeeze3A_166 : f32 to vector<1x24xf32>
    %ge3A_168 = arith.cmpf oge, %mul3A_103, %ge3A_167 : vector<1x24xf32>
    %jit3A_169 = arith.constant 1 : i32
    %jit3A_170 = arith.constant 0 : i32
    %broadcast_in_dim3A_171 = vector.broadcast %jit3A_169 : i32 to vector<1x24xi32>
    %broadcast_in_dim3A_172 = vector.broadcast %jit3A_170 : i32 to vector<1x24xi32>
    %select_n3A_173 = arith.select %ge3A_168, %broadcast_in_dim3A_171, %broadcast_in_dim3A_172 : vector<1x24xi1>, vector<1x24xi32>
    %add3A_174 = arith.addi %add3A_164, %select_n3A_173 : vector<1x24xi32>
    %slice3A_175 = vector.extract_strided_slice %add3A_11 {offsets = [0, 7], sizes = [1, 1], strides = [1, 1]} : vector<1x8xf32> to vector<1x1xf32>
    %squeeze3A_176 = vector.extract %slice3A_175[0, 0] : f32 from vector<1x1xf32>
    %ge3A_177 = vector.broadcast %squeeze3A_176 : f32 to vector<1x24xf32>
    %ge3A_178 = arith.cmpf oge, %mul3A_103, %ge3A_177 : vector<1x24xf32>
    %jit3A_179 = arith.constant 1 : i32
    %jit3A_180 = arith.constant 0 : i32
    %broadcast_in_dim3A_181 = vector.broadcast %jit3A_179 : i32 to vector<1x24xi32>
    %broadcast_in_dim3A_182 = vector.broadcast %jit3A_180 : i32 to vector<1x24xi32>
    %select_n3A_183 = arith.select %ge3A_178, %broadcast_in_dim3A_181, %broadcast_in_dim3A_182 : vector<1x24xi1>, vector<1x24xi32>
    %add3A_184 = arith.addi %add3A_174, %select_n3A_183 : vector<1x24xi32>
    %min3A = arith.constant 7 : i32
    %min3A_185 = vector.broadcast %min3A : i32 to vector<1x24xi32>
    %min3A_186 = arith.minsi %add3A_184, %min3A_185 : vector<1x24xi32>
    %swap3A_187 = arith.constant 0 : index
    %swap3A_188 = arith.constant 0 : index
    %swap3A_189 = vector.load %arg4[%swap3A_187, %swap3A_188] : memref<1x24xi32, #tpu.memory_space<vmem>>, vector<1x24xi32>
    tpu.vector_store %arg4[%swap3A_187, %swap3A_188], %min3A_186 {strides = array<i32>} : memref<1x24xi32, #tpu.memory_space<vmem>>, vector<1x24xi32>,
    return
  }
}

module attributes {stable_mosaic.version = 14 : i64} {
  func.func @_ffn_kernel(%arg0: i32, %arg1: memref<24xi32, #tpu.memory_space<smem>>, %arg2: memref<256x1024xbf16, #tpu.memory_space<vmem>>, %arg3: memref<1x1024x512xf32, #tpu.memory_space<vmem>>, %arg4: memref<1x1024x512xf32, #tpu.memory_space<vmem>>, %arg5: memref<1x512x1024xf32, #tpu.memory_space<vmem>>, %arg6: memref<256x1024xbf16, #tpu.memory_space<vmem>>) attributes {dimension_semantics = [#tpu.dimension_semantics<arbitrary>], iteration_bounds = array<i64: 24>, scalar_prefetch = 1 : i64, scratch_operands = 0 : i64, tpu.core_type = #tpu.core_type<tc>, window_params = [{transform_indices = @transform_0, window_bounds = array<i64: 256, 1024>}, {transform_indices = @transform_1, window_bounds = array<i64: 1, 1024, 512>}, {transform_indices = @transform_2, window_bounds = array<i64: 1, 1024, 512>}, {transform_indices = @transform_3, window_bounds = array<i64: 1, 512, 1024>}, {transform_indices = @transform_4, window_bounds = array<i64: 256, 1024>}]} {
    %get3A = arith.constant 0 : index
    %get3A_0 = arith.constant 0 : index
    %get3A_1 = vector.load %arg2[%get3A, %get3A_0] : memref<256x1024xbf16, #tpu.memory_space<vmem>>, vector<256x1024xbf16>
    %get3A_2 = arith.constant 0 : index
    %get3A_3 = arith.constant 0 : index
    %get3A_4 = arith.constant 0 : index
    %get3A_5 = vector.load %arg3[%get3A_2, %get3A_3, %get3A_4] : memref<1x1024x512xf32, #tpu.memory_space<vmem>>, vector<1x1024x512xf32>
    %get3A_6 = vector.shape_cast %get3A_5 : vector<1x1024x512xf32> to vector<1024x512xf32>
    %convert_element_type3A = arith.truncf %get3A_6 : vector<1024x512xf32> to vector<1024x512xbf16>
    %dot_general3A = arith.constant dense<0.000000e+00> : vector<256x512xf32>
    %dot_general3A_7 = tpu.matmul %get3A_1, %convert_element_type3A, %dot_general3A {dimension_numbers = #tpu.dot_dimension_numbers<[1], [0], [0], [1], [0, 0, 1, 1], [], []>, transpose_lhs_hint = false} : vector<256x1024xbf16>, vector<1024x512xbf16>, vector<256x512xf32> -> vector<256x512xf32>
    %get3A_8 = arith.constant 0 : index
    %get3A_9 = arith.constant 0 : index
    %get3A_10 = arith.constant 0 : index
    %get3A_11 = vector.load %arg4[%get3A_8, %get3A_9, %get3A_10] : memref<1x1024x512xf32, #tpu.memory_space<vmem>>, vector<1x1024x512xf32>
    %get3A_12 = vector.shape_cast %get3A_11 : vector<1x1024x512xf32> to vector<1024x512xf32>
    %convert_element_type3A_13 = arith.truncf %get3A_12 : vector<1024x512xf32> to vector<1024x512xbf16>
    %dot_general3A_14 = arith.constant dense<0.000000e+00> : vector<256x512xf32>
    %dot_general3A_15 = tpu.matmul %get3A_1, %convert_element_type3A_13, %dot_general3A_14 {dimension_numbers = #tpu.dot_dimension_numbers<[1], [0], [0], [1], [0, 0, 1, 1], [], []>, transpose_lhs_hint = false} : vector<256x1024xbf16>, vector<1024x512xbf16>, vector<256x512xf32> -> vector<256x512xf32>
    %logistic3A = arith.negf %dot_general3A_7 : vector<256x512xf32>
    %logistic3A_16 = math.exp %logistic3A : vector<256x512xf32>
    %logistic3A_17 = arith.constant 1.000000e+00 : f32
    %logistic3A_18 = vector.broadcast %logistic3A_17 : f32 to vector<256x512xf32>
    %logistic3A_19 = arith.addf %logistic3A_18, %logistic3A_16 : vector<256x512xf32>
    %logistic3A_20 = arith.divf %logistic3A_18, %logistic3A_19 : vector<256x512xf32>
    %mul3A = arith.mulf %dot_general3A_7, %logistic3A_20 : vector<256x512xf32>
    %mul3A_21 = arith.mulf %mul3A, %dot_general3A_15 : vector<256x512xf32>
    %convert_element_type3A_22 = arith.truncf %mul3A_21 : vector<256x512xf32> to vector<256x512xbf16>
    %get3A_23 = arith.constant 0 : index
    %get3A_24 = arith.constant 0 : index
    %get3A_25 = arith.constant 0 : index
    %get3A_26 = vector.load %arg5[%get3A_23, %get3A_24, %get3A_25] : memref<1x512x1024xf32, #tpu.memory_space<vmem>>, vector<1x512x1024xf32>
    %get3A_27 = vector.shape_cast %get3A_26 : vector<1x512x1024xf32> to vector<512x1024xf32>
    %convert_element_type3A_28 = arith.truncf %get3A_27 : vector<512x1024xf32> to vector<512x1024xbf16>
    %dot_general3A_29 = arith.constant dense<0.000000e+00> : vector<256x1024xf32>
    %dot_general3A_30 = tpu.matmul %convert_element_type3A_22, %convert_element_type3A_28, %dot_general3A_29 {dimension_numbers = #tpu.dot_dimension_numbers<[1], [0], [0], [1], [0, 0, 1, 1], [], []>, transpose_lhs_hint = false} : vector<256x512xbf16>, vector<512x1024xbf16>, vector<256x1024xf32> -> vector<256x1024xf32>
    %convert_element_type3A_31 = arith.truncf %dot_general3A_30 : vector<256x1024xf32> to vector<256x1024xbf16>
    %swap3A = arith.constant 0 : index
    %swap3A_32 = arith.constant 0 : index
    %swap3A_33 = vector.load %arg6[%swap3A, %swap3A_32] : memref<256x1024xbf16, #tpu.memory_space<vmem>>, vector<256x1024xbf16>
    tpu.vector_store %arg6[%swap3A, %swap3A_32], %convert_element_type3A_31 {strides = array<i32>} : memref<256x1024xbf16, #tpu.memory_space<vmem>>, vector<256x1024xbf16>,
    return
  }
  func.func @transform_0(%arg0: i32, %arg1: memref<24xi32, #tpu.memory_space<smem>>) -> (i32, i32) {
    %c0_i32 = arith.constant 0 : i32
    %c0_i32_0 = arith.constant 0 : i32
    return %arg0, %c0_i32 : i32, i32
  }
  func.func @transform_1(%arg0: i32, %arg1: memref<24xi32, #tpu.memory_space<smem>>) -> (i32, i32, i32) {
    %get3A = arith.index_cast %arg0 : i32 to index
    %get3A_0 = memref.load %arg1[%get3A] : memref<24xi32, #tpu.memory_space<smem>>
    %c0_i32 = arith.constant 0 : i32
    %c0_i32_1 = arith.constant 0 : i32
    %c0_i32_2 = arith.constant 0 : i32
    return %get3A_0, %c0_i32, %c0_i32_1 : i32, i32, i32
  }
  func.func @transform_2(%arg0: i32, %arg1: memref<24xi32, #tpu.memory_space<smem>>) -> (i32, i32, i32) {
    %get3A = arith.index_cast %arg0 : i32 to index
    %get3A_0 = memref.load %arg1[%get3A] : memref<24xi32, #tpu.memory_space<smem>>
    %c0_i32 = arith.constant 0 : i32
    %c0_i32_1 = arith.constant 0 : i32
    %c0_i32_2 = arith.constant 0 : i32
    return %get3A_0, %c0_i32, %c0_i32_1 : i32, i32, i32
  }
  func.func @transform_3(%arg0: i32, %arg1: memref<24xi32, #tpu.memory_space<smem>>) -> (i32, i32, i32) {
    %get3A = arith.index_cast %arg0 : i32 to index
    %get3A_0 = memref.load %arg1[%get3A] : memref<24xi32, #tpu.memory_space<smem>>
    %c0_i32 = arith.constant 0 : i32
    %c0_i32_1 = arith.constant 0 : i32
    %c0_i32_2 = arith.constant 0 : i32
    return %get3A_0, %c0_i32, %c0_i32_1 : i32, i32, i32
  }
  func.func @transform_4(%arg0: i32, %arg1: memref<24xi32, #tpu.memory_space<smem>>) -> (i32, i32) {
    %c0_i32 = arith.constant 0 : i32
    %c0_i32_0 = arith.constant 0 : i32
    return %arg0, %c0_i32 : i32, i32
  }
}

module attributes {stable_mosaic.version = 14 : i64} {
  func.func @_shared_kernel(%arg0: i32, %arg1: memref<256x1024xbf16, #tpu.memory_space<vmem>>, %arg2: memref<1024x2048xf32, #tpu.memory_space<vmem>>, %arg3: memref<1024x2048xf32, #tpu.memory_space<vmem>>, %arg4: memref<2048x1024xf32, #tpu.memory_space<vmem>>, %arg5: memref<256x1024xf32, #tpu.memory_space<vmem>>, %arg6: memref<256x1024xf32, #tpu.memory_space<vmem>>) attributes {dimension_semantics = [#tpu.dimension_semantics<arbitrary>], iteration_bounds = array<i64: 8>, scalar_prefetch = 0 : i64, scratch_operands = 0 : i64, tpu.core_type = #tpu.core_type<tc>, window_params = [{transform_indices = @transform_0, window_bounds = array<i64: 256, 1024>}, {pipeline_mode = #tpu.pipeline_mode<synchronous>, transform_indices = @transform_1, window_bounds = array<i64: 1024, 2048>}, {pipeline_mode = #tpu.pipeline_mode<synchronous>, transform_indices = @transform_2, window_bounds = array<i64: 1024, 2048>}, {pipeline_mode = #tpu.pipeline_mode<synchronous>, transform_indices = @transform_3, window_bounds = array<i64: 2048, 1024>}, {transform_indices = @transform_4, window_bounds = array<i64: 256, 1024>}, {transform_indices = @transform_5, window_bounds = array<i64: 256, 1024>}]} {
    %get3A = arith.constant 0 : index
    %get3A_0 = arith.constant 0 : index
    %get3A_1 = vector.load %arg1[%get3A, %get3A_0] : memref<256x1024xbf16, #tpu.memory_space<vmem>>, vector<256x1024xbf16>
    %get3A_2 = arith.constant 0 : index
    %get3A_3 = arith.constant 0 : index
    %get3A_4 = vector.load %arg2[%get3A_2, %get3A_3] : memref<1024x2048xf32, #tpu.memory_space<vmem>>, vector<1024x2048xf32>
    %convert_element_type3A = arith.truncf %get3A_4 : vector<1024x2048xf32> to vector<1024x2048xbf16>
    %dot_general3A = arith.constant dense<0.000000e+00> : vector<256x2048xf32>
    %dot_general3A_5 = tpu.matmul %get3A_1, %convert_element_type3A, %dot_general3A {dimension_numbers = #tpu.dot_dimension_numbers<[1], [0], [0], [1], [0, 0, 1, 1], [], []>, transpose_lhs_hint = false} : vector<256x1024xbf16>, vector<1024x2048xbf16>, vector<256x2048xf32> -> vector<256x2048xf32>
    %get3A_6 = arith.constant 0 : index
    %get3A_7 = arith.constant 0 : index
    %get3A_8 = vector.load %arg3[%get3A_6, %get3A_7] : memref<1024x2048xf32, #tpu.memory_space<vmem>>, vector<1024x2048xf32>
    %convert_element_type3A_9 = arith.truncf %get3A_8 : vector<1024x2048xf32> to vector<1024x2048xbf16>
    %dot_general3A_10 = arith.constant dense<0.000000e+00> : vector<256x2048xf32>
    %dot_general3A_11 = tpu.matmul %get3A_1, %convert_element_type3A_9, %dot_general3A_10 {dimension_numbers = #tpu.dot_dimension_numbers<[1], [0], [0], [1], [0, 0, 1, 1], [], []>, transpose_lhs_hint = false} : vector<256x1024xbf16>, vector<1024x2048xbf16>, vector<256x2048xf32> -> vector<256x2048xf32>
    %logistic3A = arith.negf %dot_general3A_5 : vector<256x2048xf32>
    %logistic3A_12 = math.exp %logistic3A : vector<256x2048xf32>
    %logistic3A_13 = arith.constant 1.000000e+00 : f32
    %logistic3A_14 = vector.broadcast %logistic3A_13 : f32 to vector<256x2048xf32>
    %logistic3A_15 = arith.addf %logistic3A_14, %logistic3A_12 : vector<256x2048xf32>
    %logistic3A_16 = arith.divf %logistic3A_14, %logistic3A_15 : vector<256x2048xf32>
    %mul3A = arith.mulf %dot_general3A_5, %logistic3A_16 : vector<256x2048xf32>
    %mul3A_17 = arith.mulf %mul3A, %dot_general3A_11 : vector<256x2048xf32>
    %convert_element_type3A_18 = arith.truncf %mul3A_17 : vector<256x2048xf32> to vector<256x2048xbf16>
    %get3A_19 = arith.constant 0 : index
    %get3A_20 = arith.constant 0 : index
    %get3A_21 = vector.load %arg4[%get3A_19, %get3A_20] : memref<2048x1024xf32, #tpu.memory_space<vmem>>, vector<2048x1024xf32>
    %convert_element_type3A_22 = arith.truncf %get3A_21 : vector<2048x1024xf32> to vector<2048x1024xbf16>
    %dot_general3A_23 = arith.constant dense<0.000000e+00> : vector<256x1024xf32>
    %dot_general3A_24 = tpu.matmul %convert_element_type3A_18, %convert_element_type3A_22, %dot_general3A_23 {dimension_numbers = #tpu.dot_dimension_numbers<[1], [0], [0], [1], [0, 0, 1, 1], [], []>, transpose_lhs_hint = false} : vector<256x2048xbf16>, vector<2048x1024xbf16>, vector<256x1024xf32> -> vector<256x1024xf32>
    %get3A_25 = arith.constant 0 : index
    %get3A_26 = arith.constant 0 : index
    %get3A_27 = vector.load %arg5[%get3A_25, %get3A_26] : memref<256x1024xf32, #tpu.memory_space<vmem>>, vector<256x1024xf32>
    %add3A = arith.addf %get3A_27, %dot_general3A_24 : vector<256x1024xf32>
    %swap3A = arith.constant 0 : index
    %swap3A_28 = arith.constant 0 : index
    %swap3A_29 = vector.load %arg6[%swap3A, %swap3A_28] : memref<256x1024xf32, #tpu.memory_space<vmem>>, vector<256x1024xf32>
    tpu.vector_store %arg6[%swap3A, %swap3A_28], %add3A {strides = array<i32>} : memref<256x1024xf32, #tpu.memory_space<vmem>>, vector<256x1024xf32>,
    return
  }
  func.func @transform_0(%arg0: i32) -> (i32, i32) {
    %c0_i32 = arith.constant 0 : i32
    %c0_i32_0 = arith.constant 0 : i32
    return %arg0, %c0_i32 : i32, i32
  }
  func.func @transform_1(%arg0: i32) -> (i32, i32) {
    %c0_i32 = arith.constant 0 : i32
    %c0_i32_0 = arith.constant 0 : i32
    %c0_i32_1 = arith.constant 0 : i32
    return %c0_i32, %c0_i32_0 : i32, i32
  }
  func.func @transform_2(%arg0: i32) -> (i32, i32) {
    %c0_i32 = arith.constant 0 : i32
    %c0_i32_0 = arith.constant 0 : i32
    %c0_i32_1 = arith.constant 0 : i32
    return %c0_i32, %c0_i32_0 : i32, i32
  }
  func.func @transform_3(%arg0: i32) -> (i32, i32) {
    %c0_i32 = arith.constant 0 : i32
    %c0_i32_0 = arith.constant 0 : i32
    %c0_i32_1 = arith.constant 0 : i32
    return %c0_i32, %c0_i32_0 : i32, i32
  }
  func.func @transform_4(%arg0: i32) -> (i32, i32) {
    %c0_i32 = arith.constant 0 : i32
    %c0_i32_0 = arith.constant 0 : i32
    return %arg0, %c0_i32 : i32, i32
  }
  func.func @transform_5(%arg0: i32) -> (i32, i32) {
    %c0_i32 = arith.constant 0 : i32
    %c0_i32_0 = arith.constant 0 : i32
    return %arg0, %c0_i32 : i32, i32
  }
}

module attributes {stable_mosaic.version = 14 : i64} {
  func.func @_final_kernel(%arg0: i32, %arg1: memref<256x1024xf32, #tpu.memory_space<vmem>>, %arg2: memref<256x1024xbf16, #tpu.memory_space<vmem>>, %arg3: memref<256x1024xbf16, #tpu.memory_space<vmem>>, %arg4: memref<256x1xf32, #tpu.memory_space<vmem>>, %arg5: memref<256x1xf32, #tpu.memory_space<vmem>>, %arg6: memref<256x1024xf32, #tpu.memory_space<vmem>>) attributes {dimension_semantics = [#tpu.dimension_semantics<arbitrary>], iteration_bounds = array<i64: 8>, scalar_prefetch = 0 : i64, scratch_operands = 0 : i64, tpu.core_type = #tpu.core_type<tc>, window_params = [{transform_indices = @transform_0, window_bounds = array<i64: 256, 1024>}, {transform_indices = @transform_1, window_bounds = array<i64: 256, 1024>}, {transform_indices = @transform_2, window_bounds = array<i64: 256, 1024>}, {transform_indices = @transform_3, window_bounds = array<i64: 256, 1>}, {transform_indices = @transform_4, window_bounds = array<i64: 256, 1>}, {transform_indices = @transform_5, window_bounds = array<i64: 256, 1024>}]} {
    %get3A = arith.constant 0 : index
    %get3A_0 = arith.constant 0 : index
    %get3A_1 = vector.load %arg1[%get3A, %get3A_0] : memref<256x1024xf32, #tpu.memory_space<vmem>>, vector<256x1024xf32>
    %get3A_2 = arith.constant 0 : index
    %get3A_3 = arith.constant 0 : index
    %get3A_4 = vector.load %arg4[%get3A_2, %get3A_3] : memref<256x1xf32, #tpu.memory_space<vmem>>, vector<256x1xf32>
    %get3A_5 = arith.constant 0 : index
    %get3A_6 = arith.constant 0 : index
    %get3A_7 = vector.load %arg2[%get3A_5, %get3A_6] : memref<256x1024xbf16, #tpu.memory_space<vmem>>, vector<256x1024xbf16>
    %convert_element_type3A = arith.extf %get3A_7 : vector<256x1024xbf16> to vector<256x1024xf32>
    %mul3A = vector.broadcast %get3A_4 : vector<256x1xf32> to vector<256x1024xf32>
    %mul3A_8 = arith.mulf %mul3A, %convert_element_type3A : vector<256x1024xf32>
    %add3A = arith.addf %get3A_1, %mul3A_8 : vector<256x1024xf32>
    %get3A_9 = arith.constant 0 : index
    %get3A_10 = arith.constant 0 : index
    %get3A_11 = vector.load %arg5[%get3A_9, %get3A_10] : memref<256x1xf32, #tpu.memory_space<vmem>>, vector<256x1xf32>
    %get3A_12 = arith.constant 0 : index
    %get3A_13 = arith.constant 0 : index
    %get3A_14 = vector.load %arg3[%get3A_12, %get3A_13] : memref<256x1024xbf16, #tpu.memory_space<vmem>>, vector<256x1024xbf16>
    %convert_element_type3A_15 = arith.extf %get3A_14 : vector<256x1024xbf16> to vector<256x1024xf32>
    %mul3A_16 = vector.broadcast %get3A_11 : vector<256x1xf32> to vector<256x1024xf32>
    %mul3A_17 = arith.mulf %mul3A_16, %convert_element_type3A_15 : vector<256x1024xf32>
    %add3A_18 = arith.addf %add3A, %mul3A_17 : vector<256x1024xf32>
    %swap3A = arith.constant 0 : index
    %swap3A_19 = arith.constant 0 : index
    %swap3A_20 = vector.load %arg6[%swap3A, %swap3A_19] : memref<256x1024xf32, #tpu.memory_space<vmem>>, vector<256x1024xf32>
    tpu.vector_store %arg6[%swap3A, %swap3A_19], %add3A_18 {strides = array<i32>} : memref<256x1024xf32, #tpu.memory_space<vmem>>, vector<256x1024xf32>,
    return
  }
  func.func @transform_0(%arg0: i32) -> (i32, i32) {
    %c0_i32 = arith.constant 0 : i32
    %c0_i32_0 = arith.constant 0 : i32
    return %arg0, %c0_i32 : i32, i32
  }
  func.func @transform_1(%arg0: i32) -> (i32, i32) {
    %c0_i32 = arith.constant 0 : i32
    %c0_i32_0 = arith.constant 0 : i32
    return %arg0, %c0_i32 : i32, i32
  }
  func.func @transform_2(%arg0: i32) -> (i32, i32) {
    %c0_i32 = arith.constant 0 : i32
    %c0_i32_0 = arith.constant 0 : i32
    return %arg0, %c0_i32 : i32, i32
  }
  func.func @transform_3(%arg0: i32) -> (i32, i32) {
    %c0_i32 = arith.constant 0 : i32
    %c0_i32_0 = arith.constant 0 : i32
    return %arg0, %c0_i32 : i32, i32
  }
  func.func @transform_4(%arg0: i32) -> (i32, i32) {
    %c0_i32 = arith.constant 0 : i32
    %c0_i32_0 = arith.constant 0 : i32
    return %arg0, %c0_i32 : i32, i32
  }
  func.func @transform_5(%arg0: i32) -> (i32, i32) {
    %c0_i32 = arith.constant 0 : i32
    %c0_i32_0 = arith.constant 0 : i32
    return %arg0, %c0_i32 : i32, i32
  }
}

</mosaic_0001>

<sc_bundles>
// kernel: kernel.12.cloned.1.call-start
scs
__scs_entry_jumppad:
0x0: {  	(pc) =	sbr.rel $0x88, $3  }
0x1: {  	(tag) =	ssettag $0x0;
	lr =	simm.s32 $0x1  }
0x2: {  	[smem:$0x3F93] =	sst lr;
	_ =	strace $0xD0000000  }
0x3: {  	_ = 	snop  }
0x4: {  	_ = 	snop  }
0x5: {  	_ = 	snop  }
0x6: {  	_ = 	snop  }
0x7: {  	_ = 	snop  }
__scs_overlays_trampoline_lowered:
0x8: {  	[smem:$0x3FA2] =	sst s0  }
0x9: {  	[smem:$0x3FA3] =	sst s1  }
0xa: {  	[smem:$0x3FA4] =	sst s2  }
0xb: {  	[smem:$0x3FA5] =	sst s3  }
0xc: {  	[smem:$0x3FA6] =	sst s4  }
0xd: {  	[smem:$0x3FA7] =	sst s5  }
0xe: {  	[smem:$0x3FA8] =	sst s6  }
0xf: {  	[smem:$0x3FA9] =	sst s7  }
0x10: {  	[smem:$0x3FAA] =	sst s8  }
0x11: {  	[smem:$0x3FAB] =	sst s9;
	s0 =	simm.s32 @!p0 $0x0  }
0x12: {  	s1 =	sld [smem:$0x3F91];
	s0 =	simm.s32 @p0 $0x1  }
0x13: {  	[smem:$0x3FAC] =	sst s0;
	s0 =	simm.s32 @!p1 $0x0  }
0x14: {  	s2 =	sld [smem:$0x3F90];
	s0 =	simm.s32 @p1 $0x1  }
0x15: {  	[smem:$0x3FAD] =	sst s0;
	s0 =	simm.s32 @!p2 $0x0  }
0x16: {  	s3 =	sld [smem:$0x3FDB];
	s0 =	simm.s32 @p2 $0x1  }
0x17: {  	s4 =	simm.s32 $0x1BF5;
	[smem:$0x3FAF] =	sst s0  }
0x18: {  	s0 =	sld [smem:$0x3F92];
	_ =	swait.ge [sflag:s4], $0x0  }
0x19: {  	s7 =	sld [smem:$0x3F93]  }
0x1a: {  	s8 =	sadd.s32 $0xFFFFE003, lr  }
0x1b: {  	s9 =	sadd.s32 $0xFFFFFEF7, lr;
	s5 =	simm.s32 $0xFFFFFFFF;
	p2 =	slt.u32 s8, $0xFFFFF086  }
0x1c: {  	p1 =	slt.u32 s9, $0xF7A;
	s5 =	simm.s32 @!p2 $0x0  }
0x1d: {  	s5 =	simm.s32 @p1 $0x1;
	p0 =	seq.s32 s7, s2  }
0x1e: {  	s7 =	smul.u32 @!p0 $0xF7A, s2;
	p2 =	seq.s32 @!p0 s5, $0x0  }
0x1f: {  	s9 =	smul.u32 $0xF7A, s1;
	s8 =	simm.s32 @!p0 $0x1BF5;
	p2 =	por !p2, p0  }
0x20: {  	[sflag:s8] =	ssyncset.s32 @!p0 $0xFFFFF086;
	s6 =	sadd.s32 @!p0 s3, s7;
	s7 =	simm.s32 @!p0 $0x108  }
0x21: {  	s3 =	sadd.s32 s3, s9;
	s6 =	sadd.s32 @!p0 $0x88, s6;
	s7 =	simm.s32 @p2 $0x1082  }
0x22: {  	[simem:s7], [sflag:s8] =	dma.local @!p0 [hbm:s6], $0xF7A  }
0x23: {  	s9 =	sor.u32 $0xD0000000, s2;
	s6 =	simm.s32 $0x108;
	_ =	swait.ge @!p0 [sflag:s8], $0x0  }
0x24: {  	s3 =	sadd.s32 $0x88, s3;
	s6 =	simm.s32 @!p1 $0x1082;
	[sflag:s4] =	ssyncset.s32 $0xFFFFF086  }
0x25: {  	[simem:s6], [sflag:s4] =	dma.local [hbm:s3], $0xF7A  }
0x26: {  	[smem:$0x3F93] =	sst s1;
	(tag) =	ssettag s2;
	_ =	strace s9  }
0x27: {  	s1 =	sld [smem:$0x3FA3]  }
0x28: {  	s2 =	sld [smem:$0x3FA4]  }
0x29: {  	s4 =	sld [smem:$0x3FA6]  }
0x2a: {  	p0 =	seq.s32 s5, $0x0;
	s5 =	sld [smem:$0x3FA7]  }
0x2b: {  	s6 =	sld [smem:$0x3FA8]  }
0x2c: {  	s7 =	sld [smem:$0x3FA9]  }
0x2d: {  	s3 =	simm.s32 $0x108;
	s8 =	sld [smem:$0x3FAA]  }
0x2e: {  	s3 =	simm.s32 @!p0 $0x1082;
	s9 =	sld [smem:$0x3FAB]  }
0x2f: {  	lr =	sadd.s32 s0, s3;
	s0 =	sld [smem:$0x3FA2]  }
0x30: {  	s3 =	sld [smem:$0x3FA5]  }
0x31: {  	[smem:$0x3FAE] =	sst s10  }
0x32: {  	s10 =	sld [smem:$0x3FAC];
	_ =	sdelay $0x3  }
0x33: {  	p0 =	seq.s32 s10, $0x1;
	s10 =	sld [smem:$0x3FAE];
	_ =	sdelay $0x3  }
0x34: {  	[smem:$0x3FAE] =	sst s10  }
0x35: {  	s10 =	sld [smem:$0x3FAD];
	_ =	sdelay $0x3  }
0x36: {  	p1 =	seq.s32 s10, $0x1;
	s10 =	sld [smem:$0x3FAE];
	_ =	sdelay $0x3  }
0x37: {  	[smem:$0x3FAE] =	sst s10  }
0x38: {  	s10 =	sld [smem:$0x3FAF]  }
0x39: {  	_ = 	snop;
	(pc) =	sbr.ind lr, $3  }
0x3a: {  	_ = 	snop  }
0x3b: {  	_ = 	snop  }
0x3c: {  	p2 =	seq.s32 s10, $0x1;
	s10 =	sld [smem:$0x3FAE]  }
0x3d: {  	_ =	shalt  }
0x3e: {  	_ =	shalt  }
0x3f: {  	_ =	shalt  }
0x40: {  	_ =	shalt  }
0x41: {  	_ =	shalt  }
0x42: {  	_ =	shalt  }
0x43: {  	_ =	shalt  }
0x44: {  	_ =	shalt  }
0x45: {  	_ =	shalt  }
0x46: {  	_ =	shalt  }
0x47: {  	_ =	shalt  }
0x48: {  	_ =	shalt  }
0x49: {  	_ =	shalt  }
0x4a: {  	_ =	shalt  }
0x4b: {  	_ =	shalt  }
0x4c: {  	_ =	shalt  }
0x4d: {  	_ =	shalt  }
0x4e: {  	_ =	shalt  }
0x4f: {  	_ =	shalt  }
0x50: {  	_ =	shalt  }
0x51: {  	_ =	shalt  }
0x52: {  	_ =	shalt  }
0x53: {  	_ =	shalt  }
0x54: {  	_ =	shalt  }
0x55: {  	_ =	shalt  }
0x56: {  	_ =	shalt  }
0x57: {  	_ =	shalt  }
0x58: {  	_ =	shalt  }
0x59: {  	_ =	shalt  }
0x5a: {  	_ =	shalt  }
0x5b: {  	_ =	shalt  }
0x5c: {  	_ =	shalt  }
0x5d: {  	_ =	shalt  }
0x5e: {  	_ =	shalt  }
0x5f: {  	_ =	shalt  }
0x60: {  	_ =	shalt  }
0x61: {  	_ =	shalt  }
0x62: {  	_ =	shalt  }
0x63: {  	_ =	shalt  }
0x64: {  	_ =	shalt  }
0x65: {  	_ =	shalt  }
0x66: {  	_ =	shalt  }
0x67: {  	_ =	shalt  }
0x68: {  	_ =	shalt  }
0x69: {  	_ =	shalt  }
0x6a: {  	_ =	shalt  }
0x6b: {  	_ =	shalt  }
0x6c: {  	_ =	shalt  }
0x6d: {  	_ =	shalt  }
0x6e: {  	_ =	shalt  }
0x6f: {  	_ =	shalt  }
0x70: {  	_ =	shalt  }
0x71: {  	_ =	shalt  }
0x72: {  	_ =	shalt  }
0x73: {  	_ =	shalt  }
0x74: {  	_ =	shalt  }
0x75: {  	_ =	shalt  }
0x76: {  	_ =	shalt  }
0x77: {  	_ =	shalt  }
0x78: {  	_ =	shalt  }
0x79: {  	_ =	shalt  }
0x7a: {  	_ =	shalt  }
0x7b: {  	_ =	shalt  }
0x7c: {  	_ =	shalt  }
0x7d: {  	_ =	shalt  }
0x7e: {  	_ =	shalt  }
0x7f: {  	_ =	shalt  }
0x80: {  	_ =	shalt  }
0x81: {  	_ =	shalt  }
0x82: {  	_ =	shalt  }
0x83: {  	_ =	shalt  }
0x84: {  	_ =	shalt  }
0x85: {  	_ =	shalt  }
0x86: {  	_ =	shalt  }
0x87: {  	_ =	shalt  }
.Lfunc_end0:
.L_simem_size_0:
called_computation_lowered:
.L_overlay_start_0:
0x88: {  	s2 =	sld [smem:$0x3FD9]  }
0x89: {  	s3 =	sld [smem:$0x3FFE];
	_ =	sdelay $0x1  }
0x8a: {  	s1 =	srdreg.scid  }
0x8b: {  	s0 =	sand.u32 $0x1, s1  }
0x8c: {  	s16 =	sshll.u32 s0, $0xA;
	s2 =	sadd.s32 s3, s2  }
0x8d: {  	s2 =	sadd.s32 s2, s16  }
0x8e: {  	[smem:$0x3FBA] =	sst s2  }
0x8f: {  	_ = 	snop  }
0x90: {  	(tm) =	ssettm $0x1  }
0x91: {  	s17 =	sld [smem:$0x3FFB];
	_ =	sdelay $0x3  }
0x92: {  	_ =	strace s17  }
0x93: {  	s2 =	sld [smem:$0x3FFC];
	_ =	sdelay $0x3  }
0x94: {  	_ =	strace s2  }
0x95: {  	s2 =	sld [smem:$0x3FFD];
	_ =	sdelay $0x3  }
0x96: {  	_ =	strace s2  }
0x97: {  	_ =	strace $0x8FFFFFFF  }
0x98: {  	s18 =	sld [smem:$0x3FDB];
	_ =	sdelay $0x1  }
0x99: {  	s19 =	simm.s32 $_scs_section_size  }
0x9a: {  	s4 =	simm.s32 $_size__tile_overlayer_lowered;
	s5 =	simm.s32 $_tile_overlayer_lowered  }
0x9b: {  	s22 =	simm.s32 $0x1BFF;
	s21 =	sshll.u32 s5, $0x1;
	s2 =	sadd.s32 s19, s18  }
0x9c: {  	s6 =	simm.s32 $0x0;
	s20 =	sshll.u32 s4, $0x1;
	s4 =	sadd.s32 s21, s2  }
0x9d: {  	[timem:s6], [sflag:s22] =	dma.local [hbm:s4], s20  }
0x9e: {  	_ =	swait.ge [sflag:s22], s20  }
0x9f: {  	s3 =	ssub.s32 $0x0, s20;
	[sflag:s22] =	ssyncset.done $0x0  }
0xa0: {  	[sflag:s22] =	ssyncadd.s32 s3;
	_ =	sdelay $0x1  }
0xa1: {  	s23 =	simm.s32 $0x1B8B  }
0xa2: {  	_ =	swait.ge [sflag:s23], $0x1  }
0xa3: {  	[sflag:s23] =	ssyncset.done $0x0  }
0xa4: {  	s25 =	simm.s32 $0x1B8E;
	s24 =	sld [smem:$0x3FFE];
	[sflag:s23] =	ssyncadd.s32 $0xFFFFFFFF  }
0xa5: {  	s26 =	simm.s32 $execute0_lowered;
	[smem:$0x3FD2] =	sst s25  }
0xa6: {  	s4 =	sshll.u32 s26, $0x1;
	_ =	strace $0x80000046;
	[dreg:$0x1] =	wrdreg $0xFFFFFFFF  }
0xa7: {  	s28 =	simm.s32 $_size_execute0_lowered;
	s2 =	sadd.s32 s2, s4;
	[dreg:$0x0] =	wrdreg $0x0  }
0xa8: {  	s4 =	sshll.u32 s28, $0x1;
	[dreg:$0x2] =	wrdreg s2  }
0xa9: {  	[dreg:$0x3] =	wrdreg s4  }
0xaa: {  	[dreg:$0x4] =	wrdreg $0xC0  }
0xab: {  	_ =	task [dreg:s6], $0x5FFFF  }
0xac: {  	[dreg:$0x1] =	wrdreg $0xFFFFFFFF  }
0xad: {  	[dreg:$0x0] =	wrdreg $0x60  }
0xae: {  	[dreg:$0x2] =	wrdreg s24  }
0xaf: {  	[dreg:$0x3] =	wrdreg $0x9  }
0xb0: {  	_ =	task.clear_ibuf [dreg:s6], $0x4FFFF;
	_ =	strace $0x90000046  }
0xb1: {  	s29 =	simm.s32 $0x9;
	_ =	strace $0x8000004D  }
0xb2: {  	_ =	swait.ge [sflag:s29], $0x1  }
0xb3: {  	[sflag:s29] =	ssyncadd.s32 $0xFFFFFFFF  }
0xb4: {  	_ =	strace $0x9000004D  }
0xb5: {  	_ =	sfence  }
0xb6: {  	s30 =	sld [smem:$0x0];
	_ =	sdelay $0x2  }
0xb7: {  	s31 =	sshll.u32 s1, $0xD;
	s1 =	sshrl.u32 s1, $0x2  }
0xb8: {  	s3 =	sand.u32 $0x4000, s31;
	s1 =	sadd.s32 s1, s30  }
0xb9: {  	s0 =	sor.u32 s3, s0;
	s1 =	sshll.u32 s1, $0x11  }
0xba: {  	s0 =	sor.u32 s1, s0  }
0xbb: {  	s0 =	sadd.s32 $0x8F2B, s0  }
0xbc: {  	[sflag:s0] =	ssyncadd.remote.s32 $0x1  }
0xbd: {  	_ =	sfence.sel $0xFFFF  }
0xbe: {  	[dreg:$0x0] =	wrdreg $0xFFFFFFFF;
	(pc) =	sbr.abs _section_cstart, $3  }
0xbf: {  	[dreg:$0x1] =	wrdreg $0xFFFFFFFF  }
0xc0: {  	_ =	task.clear_ibuf [dreg:s6], $0x2FFFF;
	_ =	strace $0x9FFFFFFF  }
0xc1: {  	(tm) =	ssettm $0x7FFFFFFF  }
tec
execute0_lowered:
.L_overlay_start_1:
0x0: {  	(tag) =	ssettag $0x1  }
0x1: {  	s0 =	srdreg.scid;
	s4 =	rddreg [dreg:$0x0]  }
0x2: {  	s1 =	stileid.u32;
	s2 =	simm.s32 $0x0;
	s9 =	simm.s32 $0x10100  }
0x3: {  	s10 =	simm.s32 $0x1;
	s11 =	simm.s32 $0x3;
	s12 =	simm.s32 $0x5  }
0x4: {  	s13 =	simm.s32 $0x800;
	s14 =	simm.s32 $0x1000;
	s15 =	simm.s32 $0x1800  }
0x5: {  	s16 =	simm.s32 $0x2000;
	s17 =	simm.s32 $0x2800;
	s18 =	simm.s32 $0x3000  }
0x6: {  	s19 =	simm.s32 $0x3800;
	s20 =	simm.s32 $0x4000;
	s21 =	simm.s32 $0x4800  }
0x7: {  	s22 =	simm.s32 $0x5000;
	s23 =	simm.s32 $0x5800;
	s24 =	simm.s32 $0x6000  }
0x8: {  	s25 =	simm.s32 $0x6800;
	s26 =	simm.s32 $0x7000;
	s28 =	simm.s32 $0x7800  }
0x9: {  	s29 =	simm.s32 $0x7;
	s3 =	sand.u32 $0x1, s0;
	s0 =	rddreg [dreg:$0x1]  }
0xa: {  	[smem:$0x7FF] =	sst s2;
	s7 =	sshll.u32 s1, $0x4;
	s5 =	sshll.u32 s3, $0x4  }
0xb: {  	_ =	strace $0x80000047;
	s7 =	sand.u32 $0x70, s7;
	s5 =	sor.u32 s1, s5  }
0xc: {  	s31 =	ssub.s32 $0x2, s3;
	s3 =	sadd.s32 $0x4A600, s4;
	s6 =	sshll.u32 s5, $0x4  }
0xd: {  	s8 =	sshrl.u32 s31, $0x1;
	s5 =	sshll.u32 s5, $0xC;
	s6 =	sand.u32 $0x180, s6  }
0xe: {  	v2 =	vlaneseq.u32;
	s5 =	sadd.s32 s5, s4;
	s6 =	sor.u32 s7, s6;
	s7 =	ssub.s32 s31, s8  }
0xf: {  	vm0 =	vmmov $0xffff;
	v1 =	vshrl.u32 v2, $0x3;
	s8 =	simm.s32 $0x10000;
	s6 =	sadd.s32 s6, s4;
	s4 =	sadd.s32 $0x2A200, s5  }
0x10: {  	v0 =	vand.u32 $0x7, v2;
	v2 =	vor.u32 $0x8, v2;
	v1 =	vmul.u32 $0x8, v1;
	s7 =	smax.u32 s7, $0x1;
	s5 =	sadd.s32 $0x4A400, s6;
	s6 =	sadd.s32 $0x4A200, s6  }
.LBB2_1:
0x11: {  	_ =	strace $0x80000048  }
0x12: {  	[tilespmem:s2], [sflag:$0x1] =	stream.linear.gather [hbm4b:s4+s2], $0x8000, $0x200038;
	[tilespmem:$0x10200] =	vst v63  }
0x13: {  	_ = 	snop  }
0x14: {  	[tilespmem:s8], [sflag:$0x3] =	stream.linear.gather [hbm4b:s5+s2], $0x80, $0x200038;
	[tilespmem:$0x10200] =	vst v63  }
0x15: {  	_ = 	snop  }
0x16: {  	[tilespmem:s9], [sflag:$0x5] =	stream.linear.gather [hbm4b:s6+s2], $0x80, $0x200038;
	[tilespmem:$0x10200] =	vst v63  }
0x17: {  	_ =	strace $0x90000048  }
0x18: {  	_ =	strace $0x80000049  }
0x19: {  	_ =	swait.ge [sflag:s10], $0x8000  }
0x1a: {  	[sflag:s10] =	ssyncset.done $0x0  }
0x1b: {  	[sflag:s10] =	ssyncadd.s32 $0xFFFF8000  }
0x1c: {  	_ =	strace $0x90000049  }
0x1d: {  	_ =	strace $0x8000004A  }
0x1e: {  	_ =	swait.ge [sflag:s11], $0x80  }
0x1f: {  	[sflag:s11] =	ssyncset.done $0x0  }
0x20: {  	[sflag:s11] =	ssyncadd.s32 $0xFFFFFF80  }
0x21: {  	_ =	strace $0x9000004A  }
0x22: {  	_ =	strace $0x8000004B  }
0x23: {  	_ =	swait.ge [sflag:s12], $0x80  }
0x24: {  	[sflag:s12] =	ssyncset.done $0x0  }
0x25: {  	[sflag:s12] =	ssyncadd.s32 $0xFFFFFF80  }
0x26: {  	_ =	strace $0x9000004B  }
0x27: {  	_ =	strace $0x8000004C  }
0x28: {  	v3 =	vld [tilespmem:$0x10000];
	_ =	sdelay $0x4  }
0x29: {  	v4 =	vshll.u32 v3, $0x1  }
0x2a: {  	v3 =	vand.u32 $0x7, v3;
	v4 =	vand.u32 $0xFFFFFFF0, v4  }
0x2b: {  	v3 =	vor.u32 v3, v4  }
0x2c: {  	v4 =	vperm.xlane v3, v0;
	_ =	sdelay $0x1  }
0x2d: {  	v3 =	vperm.xlane v3, v2;
	v4 =	vadd.s32 v1, v4;
	_ =	sdelay $0x1  }
0x2e: {  	v3 =	vadd.s32 v1, v3;
	_ =	sdelay $0x2  }
0x2f: {  	[hbm4b:s3+s2] =	stream.indirect_vreg.scatter [tilespmem:s2], [sflag:$0x7], $0x80, v4, vm0, $0x2000b8;
	[tilespmem:$0x10200] =	vst v63  }
0x30: {  	_ = 	snop  }
0x31: {  	[hbm4b:s3+s2] =	stream.indirect_vreg.scatter [tilespmem:s13], [sflag:$0x7], $0x80, v3, vm0, $0x2000b8;
	[tilespmem:$0x10200] =	vst v63  }
0x32: {  	v3 =	vld [tilespmem:$0x10010];
	_ =	sdelay $0x4  }
0x33: {  	v49 =	vshll.u32 v3, $0x1  }
0x34: {  	v3 =	vand.u32 $0x7, v3;
	v4 =	vand.u32 $0xFFFFFFF0, v49  }
0x35: {  	v3 =	vor.u32 v3, v4  }
0x36: {  	v4 =	vperm.xlane v3, v0;
	_ =	sdelay $0x1  }
0x37: {  	v3 =	vperm.xlane v3, v2;
	v4 =	vadd.s32 v1, v4;
	_ =	sdelay $0x1  }
0x38: {  	v3 =	vadd.s32 v1, v3;
	_ =	sdelay $0x2  }
0x39: {  	[hbm4b:s3+s2] =	stream.indirect_vreg.scatter [tilespmem:s14], [sflag:$0x7], $0x80, v4, vm0, $0x2000b8;
	[tilespmem:$0x10200] =	vst v63  }
0x3a: {  	_ = 	snop  }
0x3b: {  	[hbm4b:s3+s2] =	stream.indirect_vreg.scatter [tilespmem:s15], [sflag:$0x7], $0x80, v3, vm0, $0x2000b8;
	[tilespmem:$0x10200] =	vst v63  }
0x3c: {  	v3 =	vld [tilespmem:$0x10020];
	_ =	sdelay $0x4  }
0x3d: {  	v50 =	vshll.u32 v3, $0x1  }
0x3e: {  	v3 =	vand.u32 $0x7, v3;
	v4 =	vand.u32 $0xFFFFFFF0, v50  }
0x3f: {  	v3 =	vor.u32 v3, v4  }
0x40: {  	v4 =	vperm.xlane v3, v0;
	_ =	sdelay $0x1  }
0x41: {  	v3 =	vperm.xlane v3, v2;
	v4 =	vadd.s32 v1, v4;
	_ =	sdelay $0x1  }
0x42: {  	v3 =	vadd.s32 v1, v3;
	_ =	sdelay $0x2  }
0x43: {  	[hbm4b:s3+s2] =	stream.indirect_vreg.scatter [tilespmem:s16], [sflag:$0x7], $0x80, v4, vm0, $0x2000b8;
	[tilespmem:$0x10200] =	vst v63  }
0x44: {  	_ = 	snop  }
0x45: {  	[hbm4b:s3+s2] =	stream.indirect_vreg.scatter [tilespmem:s17], [sflag:$0x7], $0x80, v3, vm0, $0x2000b8;
	[tilespmem:$0x10200] =	vst v63  }
0x46: {  	v3 =	vld [tilespmem:$0x10030];
	_ =	sdelay $0x4  }
0x47: {  	v51 =	vshll.u32 v3, $0x1  }
0x48: {  	v3 =	vand.u32 $0x7, v3;
	v4 =	vand.u32 $0xFFFFFFF0, v51  }
0x49: {  	v3 =	vor.u32 v3, v4  }
0x4a: {  	v4 =	vperm.xlane v3, v0;
	_ =	sdelay $0x1  }
0x4b: {  	v3 =	vperm.xlane v3, v2;
	v4 =	vadd.s32 v1, v4;
	_ =	sdelay $0x1  }
0x4c: {  	v3 =	vadd.s32 v1, v3;
	_ =	sdelay $0x2  }
0x4d: {  	[hbm4b:s3+s2] =	stream.indirect_vreg.scatter [tilespmem:s18], [sflag:$0x7], $0x80, v4, vm0, $0x2000b8;
	[tilespmem:$0x10200] =	vst v63  }
0x4e: {  	_ = 	snop  }
0x4f: {  	[hbm4b:s3+s2] =	stream.indirect_vreg.scatter [tilespmem:s19], [sflag:$0x7], $0x80, v3, vm0, $0x2000b8;
	[tilespmem:$0x10200] =	vst v63  }
0x50: {  	v3 =	vld [tilespmem:$0x10040];
	_ =	sdelay $0x4  }
0x51: {  	v52 =	vshll.u32 v3, $0x1  }
0x52: {  	v3 =	vand.u32 $0x7, v3;
	v4 =	vand.u32 $0xFFFFFFF0, v52  }
0x53: {  	v3 =	vor.u32 v3, v4  }
0x54: {  	v4 =	vperm.xlane v3, v0;
	_ =	sdelay $0x1  }
0x55: {  	v3 =	vperm.xlane v3, v2;
	v4 =	vadd.s32 v1, v4;
	_ =	sdelay $0x1  }
0x56: {  	v3 =	vadd.s32 v1, v3;
	_ =	sdelay $0x2  }
0x57: {  	[hbm4b:s3+s2] =	stream.indirect_vreg.scatter [tilespmem:s20], [sflag:$0x7], $0x80, v4, vm0, $0x2000b8;
	[tilespmem:$0x10200] =	vst v63  }
0x58: {  	_ = 	snop  }
0x59: {  	[hbm4b:s3+s2] =	stream.indirect_vreg.scatter [tilespmem:s21], [sflag:$0x7], $0x80, v3, vm0, $0x2000b8;
	[tilespmem:$0x10200] =	vst v63  }
0x5a: {  	v3 =	vld [tilespmem:$0x10050];
	_ =	sdelay $0x4  }
0x5b: {  	v53 =	vshll.u32 v3, $0x1  }
0x5c: {  	v3 =	vand.u32 $0x7, v3;
	v4 =	vand.u32 $0xFFFFFFF0, v53  }
0x5d: {  	v3 =	vor.u32 v3, v4  }
0x5e: {  	v4 =	vperm.xlane v3, v0;
	_ =	sdelay $0x1  }
0x5f: {  	v3 =	vperm.xlane v3, v2;
	v4 =	vadd.s32 v1, v4;
	_ =	sdelay $0x1  }
0x60: {  	v3 =	vadd.s32 v1, v3;
	_ =	sdelay $0x2  }
0x61: {  	[hbm4b:s3+s2] =	stream.indirect_vreg.scatter [tilespmem:s22], [sflag:$0x7], $0x80, v4, vm0, $0x2000b8;
	[tilespmem:$0x10200] =	vst v63  }
0x62: {  	_ = 	snop  }
0x63: {  	[hbm4b:s3+s2] =	stream.indirect_vreg.scatter [tilespmem:s23], [sflag:$0x7], $0x80, v3, vm0, $0x2000b8;
	[tilespmem:$0x10200] =	vst v63  }
0x64: {  	v3 =	vld [tilespmem:$0x10060];
	_ =	sdelay $0x4  }
0x65: {  	v54 =	vshll.u32 v3, $0x1  }
0x66: {  	v3 =	vand.u32 $0x7, v3;
	v4 =	vand.u32 $0xFFFFFFF0, v54  }
0x67: {  	v3 =	vor.u32 v3, v4  }
0x68: {  	v4 =	vperm.xlane v3, v0;
	_ =	sdelay $0x1  }
0x69: {  	v3 =	vperm.xlane v3, v2;
	v4 =	vadd.s32 v1, v4;
	_ =	sdelay $0x1  }
0x6a: {  	v3 =	vadd.s32 v1, v3;
	_ =	sdelay $0x2  }
0x6b: {  	[hbm4b:s3+s2] =	stream.indirect_vreg.scatter [tilespmem:s24], [sflag:$0x7], $0x80, v4, vm0, $0x2000b8;
	[tilespmem:$0x10200] =	vst v63  }
0x6c: {  	_ = 	snop  }
0x6d: {  	[hbm4b:s3+s2] =	stream.indirect_vreg.scatter [tilespmem:s25], [sflag:$0x7], $0x80, v3, vm0, $0x2000b8;
	[tilespmem:$0x10200] =	vst v63  }
0x6e: {  	v3 =	vld [tilespmem:$0x10070];
	_ =	sdelay $0x4  }
0x6f: {  	v55 =	vshll.u32 v3, $0x1  }
0x70: {  	v3 =	vand.u32 $0x7, v3;
	v4 =	vand.u32 $0xFFFFFFF0, v55  }
0x71: {  	v3 =	vor.u32 v3, v4  }
0x72: {  	v4 =	vperm.xlane v3, v0;
	_ =	sdelay $0x1  }
0x73: {  	v3 =	vperm.xlane v3, v2;
	v4 =	vadd.s32 v1, v4;
	_ =	sdelay $0x1  }
0x74: {  	v3 =	vadd.s32 v1, v3;
	_ =	sdelay $0x2  }
0x75: {  	[hbm4b:s3+s2] =	stream.indirect_vreg.scatter [tilespmem:s26], [sflag:$0x7], $0x80, v4, vm0, $0x2000b8;
	[tilespmem:$0x10200] =	vst v63  }
0x76: {  	_ = 	snop  }
0x77: {  	[hbm4b:s3+s2] =	stream.indirect_vreg.scatter [tilespmem:s28], [sflag:$0x7], $0x80, v3, vm0, $0x2000b8;
	[tilespmem:$0x10200] =	vst v63  }
0x78: {  	_ =	swait.ge [sflag:s29], $0x8000  }
0x79: {  	[sflag:s29] =	ssyncset.done $0x0  }
0x7a: {  	[sflag:s29] =	ssyncadd.s32 $0xFFFF8000  }
0x7b: {  	v3 =	vld [tilespmem:$0x10100];
	_ =	sdelay $0x4  }
0x7c: {  	v56 =	vshll.u32 v3, $0x1  }
0x7d: {  	v3 =	vand.u32 $0x7, v3;
	v4 =	vand.u32 $0xFFFFFFF0, v56  }
0x7e: {  	v3 =	vor.u32 v3, v4  }
0x7f: {  	v4 =	vperm.xlane v3, v0;
	_ =	sdelay $0x1  }
0x80: {  	v3 =	vperm.xlane v3, v2;
	v4 =	vadd.s32 v1, v4;
	_ =	sdelay $0x1  }
0x81: {  	v3 =	vadd.s32 v1, v3;
	_ =	sdelay $0x2  }
0x82: {  	[hbm4b:s3+s2] =	stream.indirect_vreg.scatter [tilespmem:s2], [sflag:$0x7], $0x80, v4, vm0, $0x2000b8;
	[tilespmem:$0x10200] =	vst v63  }
0x83: {  	_ = 	snop  }
0x84: {  	[hbm4b:s3+s2] =	stream.indirect_vreg.scatter [tilespmem:s13], [sflag:$0x7], $0x80, v3, vm0, $0x2000b8;
	[tilespmem:$0x10200] =	vst v63  }
0x85: {  	v3 =	vld [tilespmem:$0x10110];
	_ =	sdelay $0x4  }
0x86: {  	v57 =	vshll.u32 v3, $0x1  }
0x87: {  	v3 =	vand.u32 $0x7, v3;
	v4 =	vand.u32 $0xFFFFFFF0, v57  }
0x88: {  	v3 =	vor.u32 v3, v4  }
0x89: {  	v4 =	vperm.xlane v3, v0;
	_ =	sdelay $0x1  }
0x8a: {  	v3 =	vperm.xlane v3, v2;
	v4 =	vadd.s32 v1, v4;
	_ =	sdelay $0x1  }
0x8b: {  	v3 =	vadd.s32 v1, v3;
	_ =	sdelay $0x2  }
0x8c: {  	[hbm4b:s3+s2] =	stream.indirect_vreg.scatter [tilespmem:s14], [sflag:$0x7], $0x80, v4, vm0, $0x2000b8;
	[tilespmem:$0x10200] =	vst v63  }
0x8d: {  	_ = 	snop  }
0x8e: {  	[hbm4b:s3+s2] =	stream.indirect_vreg.scatter [tilespmem:s15], [sflag:$0x7], $0x80, v3, vm0, $0x2000b8;
	[tilespmem:$0x10200] =	vst v63  }
0x8f: {  	v3 =	vld [tilespmem:$0x10120];
	_ =	sdelay $0x4  }
0x90: {  	v58 =	vshll.u32 v3, $0x1  }
0x91: {  	v3 =	vand.u32 $0x7, v3;
	v4 =	vand.u32 $0xFFFFFFF0, v58  }
0x92: {  	v3 =	vor.u32 v3, v4  }
0x93: {  	v4 =	vperm.xlane v3, v0;
	_ =	sdelay $0x1  }
0x94: {  	v3 =	vperm.xlane v3, v2;
	v4 =	vadd.s32 v1, v4;
	_ =	sdelay $0x1  }
0x95: {  	v3 =	vadd.s32 v1, v3;
	_ =	sdelay $0x2  }
0x96: {  	[hbm4b:s3+s2] =	stream.indirect_vreg.scatter [tilespmem:s16], [sflag:$0x7], $0x80, v4, vm0, $0x2000b8;
	[tilespmem:$0x10200] =	vst v63  }
0x97: {  	_ = 	snop  }
0x98: {  	[hbm4b:s3+s2] =	stream.indirect_vreg.scatter [tilespmem:s17], [sflag:$0x7], $0x80, v3, vm0, $0x2000b8;
	[tilespmem:$0x10200] =	vst v63  }
0x99: {  	v3 =	vld [tilespmem:$0x10130];
	_ =	sdelay $0x4  }
0x9a: {  	v59 =	vshll.u32 v3, $0x1  }
0x9b: {  	v3 =	vand.u32 $0x7, v3;
	v4 =	vand.u32 $0xFFFFFFF0, v59  }
0x9c: {  	v3 =	vor.u32 v3, v4  }
0x9d: {  	v4 =	vperm.xlane v3, v0;
	_ =	sdelay $0x1  }
0x9e: {  	v3 =	vperm.xlane v3, v2;
	v4 =	vadd.s32 v1, v4;
	_ =	sdelay $0x1  }
0x9f: {  	v3 =	vadd.s32 v1, v3;
	_ =	sdelay $0x2  }
0xa0: {  	[hbm4b:s3+s2] =	stream.indirect_vreg.scatter [tilespmem:s18], [sflag:$0x7], $0x80, v4, vm0, $0x2000b8;
	[tilespmem:$0x10200] =	vst v63  }
0xa1: {  	_ = 	snop  }
0xa2: {  	[hbm4b:s3+s2] =	stream.indirect_vreg.scatter [tilespmem:s19], [sflag:$0x7], $0x80, v3, vm0, $0x2000b8;
	[tilespmem:$0x10200] =	vst v63  }
0xa3: {  	v3 =	vld [tilespmem:$0x10140];
	_ =	sdelay $0x4  }
0xa4: {  	v60 =	vshll.u32 v3, $0x1  }
0xa5: {  	v3 =	vand.u32 $0x7, v3;
	v4 =	vand.u32 $0xFFFFFFF0, v60  }
0xa6: {  	v3 =	vor.u32 v3, v4  }
0xa7: {  	v4 =	vperm.xlane v3, v0;
	_ =	sdelay $0x1  }
0xa8: {  	v3 =	vperm.xlane v3, v2;
	v4 =	vadd.s32 v1, v4;
	_ =	sdelay $0x1  }
0xa9: {  	v3 =	vadd.s32 v1, v3;
	_ =	sdelay $0x2  }
0xaa: {  	[hbm4b:s3+s2] =	stream.indirect_vreg.scatter [tilespmem:s20], [sflag:$0x7], $0x80, v4, vm0, $0x2000b8;
	[tilespmem:$0x10200] =	vst v63  }
0xab: {  	_ = 	snop  }
0xac: {  	[hbm4b:s3+s2] =	stream.indirect_vreg.scatter [tilespmem:s21], [sflag:$0x7], $0x80, v3, vm0, $0x2000b8;
	[tilespmem:$0x10200] =	vst v63  }
0xad: {  	v3 =	vld [tilespmem:$0x10150];
	_ =	sdelay $0x4  }
0xae: {  	v61 =	vshll.u32 v3, $0x1  }
0xaf: {  	v3 =	vand.u32 $0x7, v3;
	v4 =	vand.u32 $0xFFFFFFF0, v61  }
0xb0: {  	v3 =	vor.u32 v3, v4  }
0xb1: {  	v4 =	vperm.xlane v3, v0;
	_ =	sdelay $0x1  }
0xb2: {  	v3 =	vperm.xlane v3, v2;
	v4 =	vadd.s32 v1, v4;
	_ =	sdelay $0x1  }
0xb3: {  	v3 =	vadd.s32 v1, v3;
	_ =	sdelay $0x2  }
0xb4: {  	[hbm4b:s3+s2] =	stream.indirect_vreg.scatter [tilespmem:s22], [sflag:$0x7], $0x80, v4, vm0, $0x2000b8;
	[tilespmem:$0x10200] =	vst v63  }
0xb5: {  	_ = 	snop  }
0xb6: {  	[hbm4b:s3+s2] =	stream.indirect_vreg.scatter [tilespmem:s23], [sflag:$0x7], $0x80, v3, vm0, $0x2000b8;
	[tilespmem:$0x10200] =	vst v63  }
0xb7: {  	v3 =	vld [tilespmem:$0x10160];
	_ =	sdelay $0x4  }
0xb8: {  	v62 =	vshll.u32 v3, $0x1  }
0xb9: {  	v3 =	vand.u32 $0x7, v3;
	v4 =	vand.u32 $0xFFFFFFF0, v62  }
0xba: {  	v3 =	vor.u32 v3, v4  }
0xbb: {  	v4 =	vperm.xlane v3, v0;
	_ =	sdelay $0x1  }
0xbc: {  	v3 =	vperm.xlane v3, v2;
	v4 =	vadd.s32 v1, v4;
	_ =	sdelay $0x1  }
0xbd: {  	v3 =	vadd.s32 v1, v3;
	_ =	sdelay $0x2  }
0xbe: {  	[hbm4b:s3+s2] =	stream.indirect_vreg.scatter [tilespmem:s24], [sflag:$0x7], $0x80, v4, vm0, $0x2000b8;
	[tilespmem:$0x10200] =	vst v63  }
0xbf: {  	_ = 	snop  }
0xc0: {  	[hbm4b:s3+s2] =	stream.indirect_vreg.scatter [tilespmem:s25], [sflag:$0x7], $0x80, v3, vm0, $0x2000b8;
	[tilespmem:$0x10200] =	vst v63  }
0xc1: {  	v3 =	vld [tilespmem:$0x10170];
	_ =	sdelay $0x4  }
0xc2: {  	v63 =	vshll.u32 v3, $0x1  }
0xc3: {  	v3 =	vand.u32 $0x7, v3;
	v4 =	vand.u32 $0xFFFFFFF0, v63  }
0xc4: {  	v3 =	vor.u32 v3, v4  }
0xc5: {  	v4 =	vperm.xlane v3, v0;
	_ =	sdelay $0x1  }
0xc6: {  	v3 =	vperm.xlane v3, v2;
	v4 =	vadd.s32 v1, v4;
	_ =	sdelay $0x1  }
0xc7: {  	v3 =	vadd.s32 v1, v3;
	_ =	sdelay $0x2  }
0xc8: {  	[hbm4b:s3+s2] =	stream.indirect_vreg.scatter [tilespmem:s26], [sflag:$0x7], $0x80, v4, vm0, $0x2000b8;
	[tilespmem:$0x10200] =	vst v63  }
0xc9: {  	p0 =	sne.s32 s7, $0x1  }
0xca: {  	[hbm4b:s3+s2] =	stream.indirect_vreg.scatter [tilespmem:s28], [sflag:$0x7], $0x80, v3, vm0, $0x2000b8;
	[tilespmem:$0x10200] =	vst v63  }
.Ltmp0:
0xcb: {  	_ = 	snop;
	(pc) =	sbr.rel @p0 .LBB2_1-.Ltmp0, $4  }
0xcc: {  	_ =	swait.ge [sflag:s29], $0x8000  }
0xcd: {  	[sflag:s29] =	ssyncset.done $0x0  }
0xce: {  	[sflag:s29] =	ssyncadd.s32 $0xFFFF8000  }
0xcf: {  	s7 =	sadd.s32 $0xFFFFFFFF, s7;
	_ =	strace $0x9000004C  }
0xd0: {  	_ =	sfence.sel $0x180000  }
0xd1: {  	[bflag:$0x0] =	sbarrier.arrive $0xFFFF  }
0xd2: {  	p0 =	sne.s32 s1, $0x0;
	_ =	strace $0x90000047  }
0xd3: {  	s0 =	sadd.s32 @!p0 $0x100000, s0;
	[bflag:$0x2] =	sbarrier.arrive $0xFFFF  }
0xd4: {  	[sflag:s0] =	ssyncadd.tile.s32 @!p0 $0x1;
	_ =	shalt  }
.Lfunc_end2:
_tile_overlayer_lowered:
.L_overlay_start_2:
0xd5: {  	(tag) =	ssettag $0x2  }
0xd6: {  	s0 =	rddreg [dreg:$0x0];
	s2 =	stileid.u32  }
0xd7: {  	s1 =	rddreg [dreg:$0x1];
	p0 =	sne.s32 s2, $0x0  }
0xd8: {  	s3 =	rddreg [dreg:$0x2];
	[bflag:$0x3] =	sbarrier.arrive $0xFFFF;
	s2 =	simm.s32 @!p0 $0x1C01  }
0xd9: {  	[timem:s3], [sflag:s2] =	dma.local @!p0 [hbm:s0], s1  }
0xda: {  	s0 =	simm.s32 @!p0 $0x1  }
0xdb: {  	_ =	swait.ge @!p0 [sflag:s0], s1  }
0xdc: {  	s1 =	ssub.s32 @!p0 $0x0, s1;
	[sflag:s0] =	ssyncset.done @!p0 $0x0  }
0xdd: {  	[sflag:s0] =	ssyncadd.s32 @!p0 s1  }
0xde: {  	[bflag:$0x3] =	sbarrier.arrive $0xFFFF  }
0xdf: {  	_ =	shalt  }

// kernel: kernel.15.cloned.1.call-start
scs
__scs_entry_jumppad:
0x0: {  	(pc) =	sbr.rel $0x88, $3  }
0x1: {  	(tag) =	ssettag $0x0;
	lr =	simm.s32 $0x1  }
0x2: {  	[smem:$0x3F93] =	sst lr;
	_ =	strace $0xD0000000  }
0x3: {  	_ = 	snop  }
0x4: {  	_ = 	snop  }
0x5: {  	_ = 	snop  }
0x6: {  	_ = 	snop  }
0x7: {  	_ = 	snop  }
__scs_overlays_trampoline_lowered:
0x8: {  	[smem:$0x3FA2] =	sst s0  }
0x9: {  	[smem:$0x3FA3] =	sst s1  }
0xa: {  	[smem:$0x3FA4] =	sst s2  }
0xb: {  	[smem:$0x3FA5] =	sst s3  }
0xc: {  	[smem:$0x3FA6] =	sst s4  }
0xd: {  	[smem:$0x3FA7] =	sst s5  }
0xe: {  	[smem:$0x3FA8] =	sst s6  }
0xf: {  	[smem:$0x3FA9] =	sst s7  }
0x10: {  	[smem:$0x3FAA] =	sst s8  }
0x11: {  	[smem:$0x3FAB] =	sst s9;
	s0 =	simm.s32 @!p0 $0x0  }
0x12: {  	s1 =	sld [smem:$0x3F91];
	s0 =	simm.s32 @p0 $0x1  }
0x13: {  	[smem:$0x3FAC] =	sst s0;
	s0 =	simm.s32 @!p1 $0x0  }
0x14: {  	s2 =	sld [smem:$0x3F90];
	s0 =	simm.s32 @p1 $0x1  }
0x15: {  	[smem:$0x3FAD] =	sst s0;
	s0 =	simm.s32 @!p2 $0x0  }
0x16: {  	s3 =	sld [smem:$0x3FDB];
	s0 =	simm.s32 @p2 $0x1  }
0x17: {  	s4 =	simm.s32 $0x1BF5;
	[smem:$0x3FAF] =	sst s0  }
0x18: {  	s0 =	sld [smem:$0x3F92];
	_ =	swait.ge [sflag:s4], $0x0  }
0x19: {  	s7 =	sld [smem:$0x3F93]  }
0x1a: {  	s8 =	sadd.s32 $0xFFFFE003, lr  }
0x1b: {  	s9 =	sadd.s32 $0xFFFFFEF7, lr;
	s5 =	simm.s32 $0xFFFFFFFF;
	p2 =	slt.u32 s8, $0xFFFFF086  }
0x1c: {  	p1 =	slt.u32 s9, $0xF7A;
	s5 =	simm.s32 @!p2 $0x0  }
0x1d: {  	s5 =	simm.s32 @p1 $0x1;
	p0 =	seq.s32 s7, s2  }
0x1e: {  	s7 =	smul.u32 @!p0 $0xF7A, s2;
	p2 =	seq.s32 @!p0 s5, $0x0  }
0x1f: {  	s9 =	smul.u32 $0xF7A, s1;
	s8 =	simm.s32 @!p0 $0x1BF5;
	p2 =	por !p2, p0  }
0x20: {  	[sflag:s8] =	ssyncset.s32 @!p0 $0xFFFFF086;
	s6 =	sadd.s32 @!p0 s3, s7;
	s7 =	simm.s32 @!p0 $0x108  }
0x21: {  	s3 =	sadd.s32 s3, s9;
	s6 =	sadd.s32 @!p0 $0x88, s6;
	s7 =	simm.s32 @p2 $0x1082  }
0x22: {  	[simem:s7], [sflag:s8] =	dma.local @!p0 [hbm:s6], $0xF7A  }
0x23: {  	s9 =	sor.u32 $0xD0000000, s2;
	s6 =	simm.s32 $0x108;
	_ =	swait.ge @!p0 [sflag:s8], $0x0  }
0x24: {  	s3 =	sadd.s32 $0x88, s3;
	s6 =	simm.s32 @!p1 $0x1082;
	[sflag:s4] =	ssyncset.s32 $0xFFFFF086  }
0x25: {  	[simem:s6], [sflag:s4] =	dma.local [hbm:s3], $0xF7A  }
0x26: {  	[smem:$0x3F93] =	sst s1;
	(tag) =	ssettag s2;
	_ =	strace s9  }
0x27: {  	s1 =	sld [smem:$0x3FA3]  }
0x28: {  	s2 =	sld [smem:$0x3FA4]  }
0x29: {  	s4 =	sld [smem:$0x3FA6]  }
0x2a: {  	p0 =	seq.s32 s5, $0x0;
	s5 =	sld [smem:$0x3FA7]  }
0x2b: {  	s6 =	sld [smem:$0x3FA8]  }
0x2c: {  	s7 =	sld [smem:$0x3FA9]  }
0x2d: {  	s3 =	simm.s32 $0x108;
	s8 =	sld [smem:$0x3FAA]  }
0x2e: {  	s3 =	simm.s32 @!p0 $0x1082;
	s9 =	sld [smem:$0x3FAB]  }
0x2f: {  	lr =	sadd.s32 s0, s3;
	s0 =	sld [smem:$0x3FA2]  }
0x30: {  	s3 =	sld [smem:$0x3FA5]  }
0x31: {  	[smem:$0x3FAE] =	sst s10  }
0x32: {  	s10 =	sld [smem:$0x3FAC];
	_ =	sdelay $0x3  }
0x33: {  	p0 =	seq.s32 s10, $0x1;
	s10 =	sld [smem:$0x3FAE];
	_ =	sdelay $0x3  }
0x34: {  	[smem:$0x3FAE] =	sst s10  }
0x35: {  	s10 =	sld [smem:$0x3FAD];
	_ =	sdelay $0x3  }
0x36: {  	p1 =	seq.s32 s10, $0x1;
	s10 =	sld [smem:$0x3FAE];
	_ =	sdelay $0x3  }
0x37: {  	[smem:$0x3FAE] =	sst s10  }
0x38: {  	s10 =	sld [smem:$0x3FAF]  }
0x39: {  	_ = 	snop;
	(pc) =	sbr.ind lr, $3  }
0x3a: {  	_ = 	snop  }
0x3b: {  	_ = 	snop  }
0x3c: {  	p2 =	seq.s32 s10, $0x1;
	s10 =	sld [smem:$0x3FAE]  }
0x3d: {  	_ =	shalt  }
0x3e: {  	_ =	shalt  }
0x3f: {  	_ =	shalt  }
0x40: {  	_ =	shalt  }
0x41: {  	_ =	shalt  }
0x42: {  	_ =	shalt  }
0x43: {  	_ =	shalt  }
0x44: {  	_ =	shalt  }
0x45: {  	_ =	shalt  }
0x46: {  	_ =	shalt  }
0x47: {  	_ =	shalt  }
0x48: {  	_ =	shalt  }
0x49: {  	_ =	shalt  }
0x4a: {  	_ =	shalt  }
0x4b: {  	_ =	shalt  }
0x4c: {  	_ =	shalt  }
0x4d: {  	_ =	shalt  }
0x4e: {  	_ =	shalt  }
0x4f: {  	_ =	shalt  }
0x50: {  	_ =	shalt  }
0x51: {  	_ =	shalt  }
0x52: {  	_ =	shalt  }
0x53: {  	_ =	shalt  }
0x54: {  	_ =	shalt  }
0x55: {  	_ =	shalt  }
0x56: {  	_ =	shalt  }
0x57: {  	_ =	shalt  }
0x58: {  	_ =	shalt  }
0x59: {  	_ =	shalt  }
0x5a: {  	_ =	shalt  }
0x5b: {  	_ =	shalt  }
0x5c: {  	_ =	shalt  }
0x5d: {  	_ =	shalt  }
0x5e: {  	_ =	shalt  }
0x5f: {  	_ =	shalt  }
0x60: {  	_ =	shalt  }
0x61: {  	_ =	shalt  }
0x62: {  	_ =	shalt  }
0x63: {  	_ =	shalt  }
0x64: {  	_ =	shalt  }
0x65: {  	_ =	shalt  }
0x66: {  	_ =	shalt  }
0x67: {  	_ =	shalt  }
0x68: {  	_ =	shalt  }
0x69: {  	_ =	shalt  }
0x6a: {  	_ =	shalt  }
0x6b: {  	_ =	shalt  }
0x6c: {  	_ =	shalt  }
0x6d: {  	_ =	shalt  }
0x6e: {  	_ =	shalt  }
0x6f: {  	_ =	shalt  }
0x70: {  	_ =	shalt  }
0x71: {  	_ =	shalt  }
0x72: {  	_ =	shalt  }
0x73: {  	_ =	shalt  }
0x74: {  	_ =	shalt  }
0x75: {  	_ =	shalt  }
0x76: {  	_ =	shalt  }
0x77: {  	_ =	shalt  }
0x78: {  	_ =	shalt  }
0x79: {  	_ =	shalt  }
0x7a: {  	_ =	shalt  }
0x7b: {  	_ =	shalt  }
0x7c: {  	_ =	shalt  }
0x7d: {  	_ =	shalt  }
0x7e: {  	_ =	shalt  }
0x7f: {  	_ =	shalt  }
0x80: {  	_ =	shalt  }
0x81: {  	_ =	shalt  }
0x82: {  	_ =	shalt  }
0x83: {  	_ =	shalt  }
0x84: {  	_ =	shalt  }
0x85: {  	_ =	shalt  }
0x86: {  	_ =	shalt  }
0x87: {  	_ =	shalt  }
.Lfunc_end0:
.L_simem_size_0:
called_computation.1_lowered:
.L_overlay_start_0:
0x88: {  	s2 =	sld [smem:$0x3FD9]  }
0x89: {  	s3 =	sld [smem:$0x3FFE];
	_ =	sdelay $0x1  }
0x8a: {  	s1 =	srdreg.scid  }
0x8b: {  	s0 =	sand.u32 $0x1, s1  }
0x8c: {  	s17 =	sshll.u32 s0, $0xA;
	s2 =	sadd.s32 s3, s2  }
0x8d: {  	s2 =	sadd.s32 s2, s17  }
0x8e: {  	[smem:$0x3FBA] =	sst s2  }
0x8f: {  	_ = 	snop  }
0x90: {  	(tm) =	ssettm $0x1  }
0x91: {  	s18 =	sld [smem:$0x3FFB];
	_ =	sdelay $0x3  }
0x92: {  	_ =	strace s18  }
0x93: {  	s2 =	sld [smem:$0x3FFC];
	_ =	sdelay $0x3  }
0x94: {  	_ =	strace s2  }
0x95: {  	s2 =	sld [smem:$0x3FFD];
	_ =	sdelay $0x3  }
0x96: {  	_ =	strace s2  }
0x97: {  	_ =	strace $0x8FFFFFFF  }
0x98: {  	s19 =	sld [smem:$0x3FDB];
	_ =	sdelay $0x1  }
0x99: {  	s20 =	simm.s32 $_scs_section_size  }
0x9a: {  	s4 =	simm.s32 $_size__tile_overlayer_lowered;
	s5 =	simm.s32 $_tile_overlayer_lowered  }
0x9b: {  	s6 =	simm.s32 $0x1BFF;
	s21 =	sshll.u32 s5, $0x1;
	s3 =	sadd.s32 s20, s19  }
0x9c: {  	s22 =	simm.s32 $0x0;
	s4 =	sshll.u32 s4, $0x1;
	s5 =	sadd.s32 s21, s3  }
0x9d: {  	[timem:s22], [sflag:s6] =	dma.local [hbm:s5], s4  }
0x9e: {  	_ =	swait.ge [sflag:s6], s4  }
0x9f: {  	s4 =	ssub.s32 $0x0, s4;
	[sflag:s6] =	ssyncset.done $0x0  }
0xa0: {  	[sflag:s6] =	ssyncadd.s32 s4;
	_ =	sdelay $0x1  }
0xa1: {  	s23 =	simm.s32 $0x1B8B  }
0xa2: {  	_ =	swait.ge [sflag:s23], $0x1  }
0xa3: {  	[sflag:s23] =	ssyncset.done $0x0  }
0xa4: {  	[sflag:s23] =	ssyncadd.s32 $0xFFFFFFFF  }
0xa5: {  	s4 =	sld [smem:$0x0]  }
0xa6: {  	s5 =	sand.u32 $0xFFFFFFFE, s1  }
0xa7: {  	p0 =	sne.s32 s1, s5  }
0xa8: {  	s5 =	sshll.u32 @p0 s5, $0xE  }
0xa9: {  	s5 =	sadd.s32 @p0 $0x11B8D, s5;
	s6 =	sshll.u32 @p0 s4, $0x11  }
0xaa: {  	s5 =	sor.u32 @p0 s6, s5  }
0xab: {  	[sflag:s5] =	ssyncadd.remote.s32 @p0 $0x1;
	_ =	sdelay $0x1  }
0xac: {  	s5 =	simm.s32 @p0 $0x1B8D  }
0xad: {  	_ =	swait.eq @p0 [sflag:s5], $0x1  }
0xae: {  	[sflag:s5] =	ssyncadd.s32 @p0 $0xFFFFFFFF  }
0xaf: {  	s6 =	sshll.u32 @!p0 s1, $0xE  }
0xb0: {  	s6 =	sor.u32 @!p0 $0x4000, s6;
	s5 =	simm.s32 @!p0 $0x1B8D  }
0xb1: {  	s4 =	sshll.u32 @!p0 s4, $0x11;
	s6 =	sadd.s32 @!p0 $0x11B8D, s6;
	_ =	swait.eq @!p0 [sflag:s5], $0x1  }
0xb2: {  	s4 =	sor.u32 @!p0 s4, s6;
	[sflag:s5] =	ssyncadd.s32 @!p0 $0xFFFFFFFF  }
0xb3: {  	s25 =	simm.s32 $0x1B8E;
	s24 =	sld [smem:$0x3FFE];
	[sflag:s4] =	ssyncadd.remote.s32 @!p0 $0x1  }
0xb4: {  	s26 =	simm.s32 $execute0_lowered;
	[smem:$0x3FD2] =	sst s25  }
0xb5: {  	s5 =	sshll.u32 s26, $0x1;
	_ =	strace $0x80000056;
	[dreg:$0x1] =	wrdreg $0xFFFFFFFF  }
0xb6: {  	s28 =	simm.s32 $_size_execute0_lowered;
	s3 =	sadd.s32 s3, s5;
	[dreg:$0x0] =	wrdreg $0x0  }
0xb7: {  	s5 =	sshll.u32 s28, $0x1;
	[dreg:$0x2] =	wrdreg s3  }
0xb8: {  	[dreg:$0x3] =	wrdreg s5  }
0xb9: {  	[dreg:$0x4] =	wrdreg $0xC0  }
0xba: {  	_ =	task [dreg:s22], $0x5FFFF  }
0xbb: {  	[dreg:$0x1] =	wrdreg $0xFFFFFFFF  }
0xbc: {  	[dreg:$0x0] =	wrdreg $0x60  }
0xbd: {  	[dreg:$0x2] =	wrdreg s24  }
0xbe: {  	[dreg:$0x3] =	wrdreg $0x9  }
0xbf: {  	_ =	task.clear_ibuf [dreg:s22], $0x4FFFF;
	_ =	strace $0x90000056  }
0xc0: {  	s29 =	simm.s32 $0x9;
	_ =	strace $0x8000005D  }
0xc1: {  	_ =	swait.ge [sflag:s29], $0x1  }
0xc2: {  	[sflag:s29] =	ssyncadd.s32 $0xFFFFFFFF  }
0xc3: {  	_ =	strace $0x9000005D  }
0xc4: {  	_ =	sfence  }
0xc5: {  	s30 =	sld [smem:$0x0];
	_ =	sdelay $0x2  }
0xc6: {  	s31 =	sshll.u32 s1, $0xD;
	s1 =	sshrl.u32 s1, $0x2  }
0xc7: {  	s4 =	sand.u32 $0x4000, s31;
	s1 =	sadd.s32 s1, s30  }
0xc8: {  	s0 =	sor.u32 s4, s0;
	s1 =	sshll.u32 s1, $0x11  }
0xc9: {  	s0 =	sor.u32 s1, s0  }
0xca: {  	s0 =	sadd.s32 $0x8F2B, s0  }
0xcb: {  	[sflag:s0] =	ssyncadd.remote.s32 $0x1  }
0xcc: {  	_ =	sfence.sel $0xFFFF  }
0xcd: {  	[dreg:$0x0] =	wrdreg $0xFFFFFFFF;
	(pc) =	sbr.abs _section_cstart, $3  }
0xce: {  	[dreg:$0x1] =	wrdreg $0xFFFFFFFF  }
0xcf: {  	_ =	task.clear_ibuf [dreg:s22], $0x2FFFF;
	_ =	strace $0x9FFFFFFF  }
0xd0: {  	(tm) =	ssettm $0x7FFFFFFF  }
0xd1: {  	_ =	shalt  }
tec
execute0_lowered:
.L_overlay_start_1:
0x0: {  	(tag) =	ssettag $0x1  }
0x1: {  	s4 =	rddreg [dreg:$0x0];
	s1 =	srdreg.scid  }
0x2: {  	s0 =	rddreg [dreg:$0x1];
	s2 =	simm.s32 $0x0;
	s10 =	simm.s32 $0x1100  }
0x3: {  	s11 =	simm.s32 $0x1900;
	s12 =	simm.s32 $0x2100;
	s13 =	simm.s32 $0x2900  }
0x4: {  	s14 =	simm.s32 $0x3100;
	s15 =	simm.s32 $0x3900;
	s16 =	simm.s32 $0x4100  }
0x5: {  	s17 =	simm.s32 $0x4900;
	s18 =	simm.s32 $0x5100;
	s19 =	simm.s32 $0x5900  }
0x6: {  	s20 =	simm.s32 $0x6100;
	s21 =	simm.s32 $0x6900;
	s22 =	simm.s32 $0x7100  }
0x7: {  	s23 =	simm.s32 $0x7900;
	s24 =	simm.s32 $0x5;
	s25 =	simm.s32 $0x3  }
0x8: {  	s5 =	sand.u32 $0x1, s1;
	[smem:$0x7FF] =	sst s2;
	s1 =	stileid.u32  }
0x9: {  	s3 =	sshll.u32 s5, $0x4;
	_ =	strace $0x80000057;
	s6 =	sshll.u32 s1, $0x4  }
0xa: {  	s5 =	ssub.s32 $0x2, s5;
	s7 =	sor.u32 s1, s3;
	s3 =	sadd.s32 $0x4A600, s4  }
0xb: {  	s6 =	sand.u32 $0x70, s6;
	s9 =	sshrl.u32 s5, $0x1;
	s8 =	sshll.u32 s7, $0x4  }
0xc: {  	s6 =	sadd.s32 s6, s4;
	s7 =	sshll.u32 s7, $0xC;
	s31 =	ssub.s32 s5, s9  }
0xd: {  	v2 =	vlaneseq.u32;
	s9 =	simm.s32 $0x900;
	s8 =	sand.u32 $0x180, s8;
	s7 =	sadd.s32 s7, s4  }
0xe: {  	vm0 =	vmmov $0xffff;
	v1 =	vshrl.u32 v2, $0x3;
	s6 =	sadd.s32 s8, s6;
	s5 =	sadd.s32 $0xAA800, s7;
	s7 =	simm.s32 $0x1  }
0xf: {  	v0 =	vand.u32 $0x7, v2;
	v2 =	vor.u32 $0x8, v2;
	v1 =	vmul.u32 $0x8, v1;
	s8 =	simm.s32 $0x100;
	s4 =	sadd.s32 $0x4A400, s6;
	s6 =	smax.u32 s31, $0x1  }
.LBB2_1:
0x10: {  	_ =	strace $0x80000058  }
0x11: {  	[tilespmem:s2], [sflag:$0x1] =	stream.linear.gather [hbm4b:s4+s2], $0x80, $0x200038;
	[tilespmem:$0x10100] =	vst v63  }
0x12: {  	_ =	strace $0x90000058  }
0x13: {  	_ =	strace $0x80000059  }
0x14: {  	_ =	swait.ge [sflag:s7], $0x80  }
0x15: {  	[sflag:s7] =	ssyncset.done $0x0  }
0x16: {  	[sflag:s7] =	ssyncadd.s32 $0xFFFFFF80  }
0x17: {  	_ =	strace $0x90000059  }
0x18: {  	_ =	strace $0x8000005A  }
0x19: {  	v3 =	vld [tilespmem:$0x0];
	_ =	sdelay $0x4  }
0x1a: {  	v4 =	vshll.u32 v3, $0x1  }
0x1b: {  	v3 =	vand.u32 $0x7, v3;
	v4 =	vand.u32 $0xFFFFFFF0, v4  }
0x1c: {  	v3 =	vor.u32 v3, v4  }
0x1d: {  	v4 =	vperm.xlane v3, v0;
	_ =	sdelay $0x1  }
0x1e: {  	v3 =	vperm.xlane v3, v2;
	v4 =	vadd.s32 v1, v4;
	_ =	sdelay $0x1  }
0x1f: {  	v3 =	vadd.s32 v1, v3;
	_ =	sdelay $0x2  }
0x20: {  	[tilespmem:s8], [sflag:$0x5] =	stream.indirect_vreg.gather [hbm4b:s3+s2], $0x80, v4, vm0, $0x2000b8;
	[tilespmem:$0x10100] =	vst v63  }
0x21: {  	_ = 	snop  }
0x22: {  	[tilespmem:s9], [sflag:$0x5] =	stream.indirect_vreg.gather [hbm4b:s3+s2], $0x80, v3, vm0, $0x2000b8;
	[tilespmem:$0x10100] =	vst v63  }
0x23: {  	v3 =	vld [tilespmem:$0x10];
	_ =	sdelay $0x4  }
0x24: {  	v57 =	vshll.u32 v3, $0x1  }
0x25: {  	v3 =	vand.u32 $0x7, v3;
	v4 =	vand.u32 $0xFFFFFFF0, v57  }
0x26: {  	v3 =	vor.u32 v3, v4  }
0x27: {  	v4 =	vperm.xlane v3, v0;
	_ =	sdelay $0x1  }
0x28: {  	v3 =	vperm.xlane v3, v2;
	v4 =	vadd.s32 v1, v4;
	_ =	sdelay $0x1  }
0x29: {  	v3 =	vadd.s32 v1, v3;
	_ =	sdelay $0x2  }
0x2a: {  	[tilespmem:s10], [sflag:$0x5] =	stream.indirect_vreg.gather [hbm4b:s3+s2], $0x80, v4, vm0, $0x2000b8;
	[tilespmem:$0x10100] =	vst v63  }
0x2b: {  	_ = 	snop  }
0x2c: {  	[tilespmem:s11], [sflag:$0x5] =	stream.indirect_vreg.gather [hbm4b:s3+s2], $0x80, v3, vm0, $0x2000b8;
	[tilespmem:$0x10100] =	vst v63  }
0x2d: {  	v3 =	vld [tilespmem:$0x20];
	_ =	sdelay $0x4  }
0x2e: {  	v58 =	vshll.u32 v3, $0x1  }
0x2f: {  	v3 =	vand.u32 $0x7, v3;
	v4 =	vand.u32 $0xFFFFFFF0, v58  }
0x30: {  	v3 =	vor.u32 v3, v4  }
0x31: {  	v4 =	vperm.xlane v3, v0;
	_ =	sdelay $0x1  }
0x32: {  	v3 =	vperm.xlane v3, v2;
	v4 =	vadd.s32 v1, v4;
	_ =	sdelay $0x1  }
0x33: {  	v3 =	vadd.s32 v1, v3;
	_ =	sdelay $0x2  }
0x34: {  	[tilespmem:s12], [sflag:$0x5] =	stream.indirect_vreg.gather [hbm4b:s3+s2], $0x80, v4, vm0, $0x2000b8;
	[tilespmem:$0x10100] =	vst v63  }
0x35: {  	_ = 	snop  }
0x36: {  	[tilespmem:s13], [sflag:$0x5] =	stream.indirect_vreg.gather [hbm4b:s3+s2], $0x80, v3, vm0, $0x2000b8;
	[tilespmem:$0x10100] =	vst v63  }
0x37: {  	v3 =	vld [tilespmem:$0x30];
	_ =	sdelay $0x4  }
0x38: {  	v59 =	vshll.u32 v3, $0x1  }
0x39: {  	v3 =	vand.u32 $0x7, v3;
	v4 =	vand.u32 $0xFFFFFFF0, v59  }
0x3a: {  	v3 =	vor.u32 v3, v4  }
0x3b: {  	v4 =	vperm.xlane v3, v0;
	_ =	sdelay $0x1  }
0x3c: {  	v3 =	vperm.xlane v3, v2;
	v4 =	vadd.s32 v1, v4;
	_ =	sdelay $0x1  }
0x3d: {  	v3 =	vadd.s32 v1, v3;
	_ =	sdelay $0x2  }
0x3e: {  	[tilespmem:s14], [sflag:$0x5] =	stream.indirect_vreg.gather [hbm4b:s3+s2], $0x80, v4, vm0, $0x2000b8;
	[tilespmem:$0x10100] =	vst v63  }
0x3f: {  	_ = 	snop  }
0x40: {  	[tilespmem:s15], [sflag:$0x5] =	stream.indirect_vreg.gather [hbm4b:s3+s2], $0x80, v3, vm0, $0x2000b8;
	[tilespmem:$0x10100] =	vst v63  }
0x41: {  	v3 =	vld [tilespmem:$0x40];
	_ =	sdelay $0x4  }
0x42: {  	v60 =	vshll.u32 v3, $0x1  }
0x43: {  	v3 =	vand.u32 $0x7, v3;
	v4 =	vand.u32 $0xFFFFFFF0, v60  }
0x44: {  	v3 =	vor.u32 v3, v4  }
0x45: {  	v4 =	vperm.xlane v3, v0;
	_ =	sdelay $0x1  }
0x46: {  	v3 =	vperm.xlane v3, v2;
	v4 =	vadd.s32 v1, v4;
	_ =	sdelay $0x1  }
0x47: {  	v3 =	vadd.s32 v1, v3;
	_ =	sdelay $0x2  }
0x48: {  	[tilespmem:s16], [sflag:$0x5] =	stream.indirect_vreg.gather [hbm4b:s3+s2], $0x80, v4, vm0, $0x2000b8;
	[tilespmem:$0x10100] =	vst v63  }
0x49: {  	_ = 	snop  }
0x4a: {  	[tilespmem:s17], [sflag:$0x5] =	stream.indirect_vreg.gather [hbm4b:s3+s2], $0x80, v3, vm0, $0x2000b8;
	[tilespmem:$0x10100] =	vst v63  }
0x4b: {  	v3 =	vld [tilespmem:$0x50];
	_ =	sdelay $0x4  }
0x4c: {  	v61 =	vshll.u32 v3, $0x1  }
0x4d: {  	v3 =	vand.u32 $0x7, v3;
	v4 =	vand.u32 $0xFFFFFFF0, v61  }
0x4e: {  	v3 =	vor.u32 v3, v4  }
0x4f: {  	v4 =	vperm.xlane v3, v0;
	_ =	sdelay $0x1  }
0x50: {  	v3 =	vperm.xlane v3, v2;
	v4 =	vadd.s32 v1, v4;
	_ =	sdelay $0x1  }
0x51: {  	v3 =	vadd.s32 v1, v3;
	_ =	sdelay $0x2  }
0x52: {  	[tilespmem:s18], [sflag:$0x5] =	stream.indirect_vreg.gather [hbm4b:s3+s2], $0x80, v4, vm0, $0x2000b8;
	[tilespmem:$0x10100] =	vst v63  }
0x53: {  	_ = 	snop  }
0x54: {  	[tilespmem:s19], [sflag:$0x5] =	stream.indirect_vreg.gather [hbm4b:s3+s2], $0x80, v3, vm0, $0x2000b8;
	[tilespmem:$0x10100] =	vst v63  }
0x55: {  	v3 =	vld [tilespmem:$0x60];
	_ =	sdelay $0x4  }
0x56: {  	v62 =	vshll.u32 v3, $0x1  }
0x57: {  	v3 =	vand.u32 $0x7, v3;
	v4 =	vand.u32 $0xFFFFFFF0, v62  }
0x58: {  	v3 =	vor.u32 v3, v4  }
0x59: {  	v4 =	vperm.xlane v3, v0;
	_ =	sdelay $0x1  }
0x5a: {  	v3 =	vperm.xlane v3, v2;
	v4 =	vadd.s32 v1, v4;
	_ =	sdelay $0x1  }
0x5b: {  	v3 =	vadd.s32 v1, v3;
	_ =	sdelay $0x2  }
0x5c: {  	[tilespmem:s20], [sflag:$0x5] =	stream.indirect_vreg.gather [hbm4b:s3+s2], $0x80, v4, vm0, $0x2000b8;
	[tilespmem:$0x10100] =	vst v63  }
0x5d: {  	_ = 	snop  }
0x5e: {  	[tilespmem:s21], [sflag:$0x5] =	stream.indirect_vreg.gather [hbm4b:s3+s2], $0x80, v3, vm0, $0x2000b8;
	[tilespmem:$0x10100] =	vst v63  }
0x5f: {  	v3 =	vld [tilespmem:$0x70];
	_ =	sdelay $0x4  }
0x60: {  	v63 =	vshll.u32 v3, $0x1  }
0x61: {  	v3 =	vand.u32 $0x7, v3;
	v4 =	vand.u32 $0xFFFFFFF0, v63  }
0x62: {  	v3 =	vor.u32 v3, v4  }
0x63: {  	v4 =	vperm.xlane v3, v0;
	_ =	sdelay $0x1  }
0x64: {  	v3 =	vperm.xlane v3, v2;
	v4 =	vadd.s32 v1, v4;
	_ =	sdelay $0x1  }
0x65: {  	v3 =	vadd.s32 v1, v3;
	_ =	sdelay $0x2  }
0x66: {  	[tilespmem:s22], [sflag:$0x5] =	stream.indirect_vreg.gather [hbm4b:s3+s2], $0x80, v4, vm0, $0x2000b8;
	[tilespmem:$0x10100] =	vst v63  }
0x67: {  	_ = 	snop  }
0x68: {  	[tilespmem:s23], [sflag:$0x5] =	stream.indirect_vreg.gather [hbm4b:s3+s2], $0x80, v3, vm0, $0x2000b8;
	[tilespmem:$0x10100] =	vst v63  }
0x69: {  	_ =	swait.ge [sflag:s24], $0x8000  }
0x6a: {  	[sflag:s24] =	ssyncset.done $0x0  }
0x6b: {  	[sflag:s24] =	ssyncadd.s32 $0xFFFF8000  }
0x6c: {  	_ =	strace $0x9000005A  }
0x6d: {  	_ =	strace $0x8000005B  }
0x6e: {  	[hbm4b:s5+s2] =	stream.linear.scatter [tilespmem:s8], [sflag:$0x3], $0x8000, $0x200038;
	[tilespmem:$0x10100] =	vst v63  }
0x6f: {  	p0 =	sne.s32 s6, $0x1;
	_ =	strace $0x9000005B  }
.Ltmp0:
0x70: {  	_ =	strace $0x8000005C;
	(pc) =	sbr.rel @p0 .LBB2_1-.Ltmp0, $4  }
0x71: {  	_ =	swait.ge [sflag:s25], $0x8000  }
0x72: {  	[sflag:s25] =	ssyncset.done $0x0  }
0x73: {  	[sflag:s25] =	ssyncadd.s32 $0xFFFF8000  }
0x74: {  	s6 =	sadd.s32 $0xFFFFFFFF, s6;
	_ =	strace $0x9000005C  }
0x75: {  	_ =	sfence.sel $0x180000  }
0x76: {  	[bflag:$0x0] =	sbarrier.arrive $0xFFFF  }
0x77: {  	p0 =	sne.s32 s1, $0x0;
	_ =	strace $0x90000057  }
0x78: {  	s0 =	sadd.s32 @!p0 $0x100000, s0;
	[bflag:$0x2] =	sbarrier.arrive $0xFFFF  }
0x79: {  	[sflag:s0] =	ssyncadd.tile.s32 @!p0 $0x1;
	_ =	shalt  }
.Lfunc_end2:
_tile_overlayer_lowered:
.L_overlay_start_2:
0x7a: {  	(tag) =	ssettag $0x2  }
0x7b: {  	s0 =	rddreg [dreg:$0x0];
	s2 =	stileid.u32  }
0x7c: {  	s1 =	rddreg [dreg:$0x1];
	p0 =	sne.s32 s2, $0x0  }
0x7d: {  	s3 =	rddreg [dreg:$0x2];
	[bflag:$0x3] =	sbarrier.arrive $0xFFFF;
	s2 =	simm.s32 @!p0 $0x1C01  }
0x7e: {  	[timem:s3], [sflag:s2] =	dma.local @!p0 [hbm:s0], s1  }
0x7f: {  	s0 =	simm.s32 @!p0 $0x1  }
0x80: {  	_ =	swait.ge @!p0 [sflag:s0], s1  }
0x81: {  	s1 =	ssub.s32 @!p0 $0x0, s1;
	[sflag:s0] =	ssyncset.done @!p0 $0x0  }
0x82: {  	[sflag:s0] =	ssyncadd.s32 @!p0 s1  }
0x83: {  	[bflag:$0x3] =	sbarrier.arrive $0xFFFF  }
0x84: {  	_ =	shalt  }

// kernel: kernel.18.cloned.1.call-start
scs
__scs_entry_jumppad:
0x0: {  	(pc) =	sbr.rel $0x88, $3  }
0x1: {  	(tag) =	ssettag $0x0;
	lr =	simm.s32 $0x1  }
0x2: {  	[smem:$0x3F93] =	sst lr;
	_ =	strace $0xD0000000  }
0x3: {  	_ = 	snop  }
0x4: {  	_ = 	snop  }
0x5: {  	_ = 	snop  }
0x6: {  	_ = 	snop  }
0x7: {  	_ = 	snop  }
__scs_overlays_trampoline_lowered:
0x8: {  	[smem:$0x3FA2] =	sst s0  }
0x9: {  	[smem:$0x3FA3] =	sst s1  }
0xa: {  	[smem:$0x3FA4] =	sst s2  }
0xb: {  	[smem:$0x3FA5] =	sst s3  }
0xc: {  	[smem:$0x3FA6] =	sst s4  }
0xd: {  	[smem:$0x3FA7] =	sst s5  }
0xe: {  	[smem:$0x3FA8] =	sst s6  }
0xf: {  	[smem:$0x3FA9] =	sst s7  }
0x10: {  	[smem:$0x3FAA] =	sst s8  }
0x11: {  	[smem:$0x3FAB] =	sst s9;
	s0 =	simm.s32 @!p0 $0x0  }
0x12: {  	s1 =	sld [smem:$0x3F91];
	s0 =	simm.s32 @p0 $0x1  }
0x13: {  	[smem:$0x3FAC] =	sst s0;
	s0 =	simm.s32 @!p1 $0x0  }
0x14: {  	s2 =	sld [smem:$0x3F90];
	s0 =	simm.s32 @p1 $0x1  }
0x15: {  	[smem:$0x3FAD] =	sst s0;
	s0 =	simm.s32 @!p2 $0x0  }
0x16: {  	s3 =	sld [smem:$0x3FDB];
	s0 =	simm.s32 @p2 $0x1  }
0x17: {  	s4 =	simm.s32 $0x1BF5;
	[smem:$0x3FAF] =	sst s0  }
0x18: {  	s0 =	sld [smem:$0x3F92];
	_ =	swait.ge [sflag:s4], $0x0  }
0x19: {  	s7 =	sld [smem:$0x3F93]  }
0x1a: {  	s8 =	sadd.s32 $0xFFFFE003, lr  }
0x1b: {  	s9 =	sadd.s32 $0xFFFFFEF7, lr;
	s5 =	simm.s32 $0xFFFFFFFF;
	p2 =	slt.u32 s8, $0xFFFFF086  }
0x1c: {  	p1 =	slt.u32 s9, $0xF7A;
	s5 =	simm.s32 @!p2 $0x0  }
0x1d: {  	s5 =	simm.s32 @p1 $0x1;
	p0 =	seq.s32 s7, s2  }
0x1e: {  	s7 =	smul.u32 @!p0 $0xF7A, s2;
	p2 =	seq.s32 @!p0 s5, $0x0  }
0x1f: {  	s9 =	smul.u32 $0xF7A, s1;
	s8 =	simm.s32 @!p0 $0x1BF5;
	p2 =	por !p2, p0  }
0x20: {  	[sflag:s8] =	ssyncset.s32 @!p0 $0xFFFFF086;
	s6 =	sadd.s32 @!p0 s3, s7;
	s7 =	simm.s32 @!p0 $0x108  }
0x21: {  	s3 =	sadd.s32 s3, s9;
	s6 =	sadd.s32 @!p0 $0x88, s6;
	s7 =	simm.s32 @p2 $0x1082  }
0x22: {  	[simem:s7], [sflag:s8] =	dma.local @!p0 [hbm:s6], $0xF7A  }
0x23: {  	s9 =	sor.u32 $0xD0000000, s2;
	s6 =	simm.s32 $0x108;
	_ =	swait.ge @!p0 [sflag:s8], $0x0  }
0x24: {  	s3 =	sadd.s32 $0x88, s3;
	s6 =	simm.s32 @!p1 $0x1082;
	[sflag:s4] =	ssyncset.s32 $0xFFFFF086  }
0x25: {  	[simem:s6], [sflag:s4] =	dma.local [hbm:s3], $0xF7A  }
0x26: {  	[smem:$0x3F93] =	sst s1;
	(tag) =	ssettag s2;
	_ =	strace s9  }
0x27: {  	s1 =	sld [smem:$0x3FA3]  }
0x28: {  	s2 =	sld [smem:$0x3FA4]  }
0x29: {  	s4 =	sld [smem:$0x3FA6]  }
0x2a: {  	p0 =	seq.s32 s5, $0x0;
	s5 =	sld [smem:$0x3FA7]  }
0x2b: {  	s6 =	sld [smem:$0x3FA8]  }
0x2c: {  	s7 =	sld [smem:$0x3FA9]  }
0x2d: {  	s3 =	simm.s32 $0x108;
	s8 =	sld [smem:$0x3FAA]  }
0x2e: {  	s3 =	simm.s32 @!p0 $0x1082;
	s9 =	sld [smem:$0x3FAB]  }
0x2f: {  	lr =	sadd.s32 s0, s3;
	s0 =	sld [smem:$0x3FA2]  }
0x30: {  	s3 =	sld [smem:$0x3FA5]  }
0x31: {  	[smem:$0x3FAE] =	sst s10  }
0x32: {  	s10 =	sld [smem:$0x3FAC];
	_ =	sdelay $0x3  }
0x33: {  	p0 =	seq.s32 s10, $0x1;
	s10 =	sld [smem:$0x3FAE];
	_ =	sdelay $0x3  }
0x34: {  	[smem:$0x3FAE] =	sst s10  }
0x35: {  	s10 =	sld [smem:$0x3FAD];
	_ =	sdelay $0x3  }
0x36: {  	p1 =	seq.s32 s10, $0x1;
	s10 =	sld [smem:$0x3FAE];
	_ =	sdelay $0x3  }
0x37: {  	[smem:$0x3FAE] =	sst s10  }
0x38: {  	s10 =	sld [smem:$0x3FAF]  }
0x39: {  	_ = 	snop;
	(pc) =	sbr.ind lr, $3  }
0x3a: {  	_ = 	snop  }
0x3b: {  	_ = 	snop  }
0x3c: {  	p2 =	seq.s32 s10, $0x1;
	s10 =	sld [smem:$0x3FAE]  }
0x3d: {  	_ =	shalt  }
0x3e: {  	_ =	shalt  }
0x3f: {  	_ =	shalt  }
0x40: {  	_ =	shalt  }
0x41: {  	_ =	shalt  }
0x42: {  	_ =	shalt  }
0x43: {  	_ =	shalt  }
0x44: {  	_ =	shalt  }
0x45: {  	_ =	shalt  }
0x46: {  	_ =	shalt  }
0x47: {  	_ =	shalt  }
0x48: {  	_ =	shalt  }
0x49: {  	_ =	shalt  }
0x4a: {  	_ =	shalt  }
0x4b: {  	_ =	shalt  }
0x4c: {  	_ =	shalt  }
0x4d: {  	_ =	shalt  }
0x4e: {  	_ =	shalt  }
0x4f: {  	_ =	shalt  }
0x50: {  	_ =	shalt  }
0x51: {  	_ =	shalt  }
0x52: {  	_ =	shalt  }
0x53: {  	_ =	shalt  }
0x54: {  	_ =	shalt  }
0x55: {  	_ =	shalt  }
0x56: {  	_ =	shalt  }
0x57: {  	_ =	shalt  }
0x58: {  	_ =	shalt  }
0x59: {  	_ =	shalt  }
0x5a: {  	_ =	shalt  }
0x5b: {  	_ =	shalt  }
0x5c: {  	_ =	shalt  }
0x5d: {  	_ =	shalt  }
0x5e: {  	_ =	shalt  }
0x5f: {  	_ =	shalt  }
0x60: {  	_ =	shalt  }
0x61: {  	_ =	shalt  }
0x62: {  	_ =	shalt  }
0x63: {  	_ =	shalt  }
0x64: {  	_ =	shalt  }
0x65: {  	_ =	shalt  }
0x66: {  	_ =	shalt  }
0x67: {  	_ =	shalt  }
0x68: {  	_ =	shalt  }
0x69: {  	_ =	shalt  }
0x6a: {  	_ =	shalt  }
0x6b: {  	_ =	shalt  }
0x6c: {  	_ =	shalt  }
0x6d: {  	_ =	shalt  }
0x6e: {  	_ =	shalt  }
0x6f: {  	_ =	shalt  }
0x70: {  	_ =	shalt  }
0x71: {  	_ =	shalt  }
0x72: {  	_ =	shalt  }
0x73: {  	_ =	shalt  }
0x74: {  	_ =	shalt  }
0x75: {  	_ =	shalt  }
0x76: {  	_ =	shalt  }
0x77: {  	_ =	shalt  }
0x78: {  	_ =	shalt  }
0x79: {  	_ =	shalt  }
0x7a: {  	_ =	shalt  }
0x7b: {  	_ =	shalt  }
0x7c: {  	_ =	shalt  }
0x7d: {  	_ =	shalt  }
0x7e: {  	_ =	shalt  }
0x7f: {  	_ =	shalt  }
0x80: {  	_ =	shalt  }
0x81: {  	_ =	shalt  }
0x82: {  	_ =	shalt  }
0x83: {  	_ =	shalt  }
0x84: {  	_ =	shalt  }
0x85: {  	_ =	shalt  }
0x86: {  	_ =	shalt  }
0x87: {  	_ =	shalt  }
.Lfunc_end0:
.L_simem_size_0:
called_computation.2_lowered:
.L_overlay_start_0:
0x88: {  	s2 =	sld [smem:$0x3FD9]  }
0x89: {  	s3 =	sld [smem:$0x3FFE];
	_ =	sdelay $0x1  }
0x8a: {  	s1 =	srdreg.scid  }
0x8b: {  	s0 =	sand.u32 $0x1, s1  }
0x8c: {  	s16 =	sshll.u32 s0, $0xA;
	s2 =	sadd.s32 s3, s2  }
0x8d: {  	s2 =	sadd.s32 s2, s16  }
0x8e: {  	[smem:$0x3FBA] =	sst s2  }
0x8f: {  	_ = 	snop  }
0x90: {  	(tm) =	ssettm $0x1  }
0x91: {  	s17 =	sld [smem:$0x3FFB];
	_ =	sdelay $0x3  }
0x92: {  	_ =	strace s17  }
0x93: {  	s2 =	sld [smem:$0x3FFC];
	_ =	sdelay $0x3  }
0x94: {  	_ =	strace s2  }
0x95: {  	s2 =	sld [smem:$0x3FFD];
	_ =	sdelay $0x3  }
0x96: {  	_ =	strace s2  }
0x97: {  	_ =	strace $0x8FFFFFFF  }
0x98: {  	s18 =	sld [smem:$0x3FDB];
	_ =	sdelay $0x1  }
0x99: {  	s19 =	simm.s32 $_scs_section_size  }
0x9a: {  	s4 =	simm.s32 $_size__tile_overlayer_lowered;
	s5 =	simm.s32 $_tile_overlayer_lowered  }
0x9b: {  	s22 =	simm.s32 $0x1BFF;
	s21 =	sshll.u32 s5, $0x1;
	s2 =	sadd.s32 s19, s18  }
0x9c: {  	s6 =	simm.s32 $0x0;
	s20 =	sshll.u32 s4, $0x1;
	s4 =	sadd.s32 s21, s2  }
0x9d: {  	[timem:s6], [sflag:s22] =	dma.local [hbm:s4], s20  }
0x9e: {  	_ =	swait.ge [sflag:s22], s20  }
0x9f: {  	s3 =	ssub.s32 $0x0, s20;
	[sflag:s22] =	ssyncset.done $0x0  }
0xa0: {  	[sflag:s22] =	ssyncadd.s32 s3;
	_ =	sdelay $0x1  }
0xa1: {  	s23 =	simm.s32 $0x1B8B  }
0xa2: {  	_ =	swait.ge [sflag:s23], $0x1  }
0xa3: {  	[sflag:s23] =	ssyncset.done $0x0  }
0xa4: {  	s25 =	simm.s32 $0x1B8E;
	s24 =	sld [smem:$0x3FFE];
	[sflag:s23] =	ssyncadd.s32 $0xFFFFFFFF  }
0xa5: {  	s26 =	simm.s32 $execute0_lowered;
	[smem:$0x3FD2] =	sst s25  }
0xa6: {  	s4 =	sshll.u32 s26, $0x1;
	_ =	strace $0x8000004E;
	[dreg:$0x1] =	wrdreg $0xFFFFFFFF  }
0xa7: {  	s28 =	simm.s32 $_size_execute0_lowered;
	s2 =	sadd.s32 s2, s4;
	[dreg:$0x0] =	wrdreg $0x0  }
0xa8: {  	s4 =	sshll.u32 s28, $0x1;
	[dreg:$0x2] =	wrdreg s2  }
0xa9: {  	[dreg:$0x3] =	wrdreg s4  }
0xaa: {  	[dreg:$0x4] =	wrdreg $0xC0  }
0xab: {  	_ =	task [dreg:s6], $0x5FFFF  }
0xac: {  	[dreg:$0x1] =	wrdreg $0xFFFFFFFF  }
0xad: {  	[dreg:$0x0] =	wrdreg $0x60  }
0xae: {  	[dreg:$0x2] =	wrdreg s24  }
0xaf: {  	[dreg:$0x3] =	wrdreg $0xA  }
0xb0: {  	_ =	task.clear_ibuf [dreg:s6], $0x4FFFF;
	_ =	strace $0x9000004E  }
0xb1: {  	s29 =	simm.s32 $0xA;
	_ =	strace $0x80000055  }
0xb2: {  	_ =	swait.ge [sflag:s29], $0x1  }
0xb3: {  	[sflag:s29] =	ssyncadd.s32 $0xFFFFFFFF  }
0xb4: {  	_ =	strace $0x90000055  }
0xb5: {  	_ =	sfence  }
0xb6: {  	s30 =	sld [smem:$0x0];
	_ =	sdelay $0x2  }
0xb7: {  	s31 =	sshll.u32 s1, $0xD;
	s1 =	sshrl.u32 s1, $0x2  }
0xb8: {  	s3 =	sand.u32 $0x4000, s31;
	s1 =	sadd.s32 s1, s30  }
0xb9: {  	s0 =	sor.u32 s3, s0;
	s1 =	sshll.u32 s1, $0x11  }
0xba: {  	s0 =	sor.u32 s1, s0  }
0xbb: {  	s0 =	sadd.s32 $0x8F2B, s0  }
0xbc: {  	[sflag:s0] =	ssyncadd.remote.s32 $0x1  }
0xbd: {  	_ =	sfence.sel $0xFFFF  }
0xbe: {  	[dreg:$0x0] =	wrdreg $0xFFFFFFFF;
	(pc) =	sbr.abs _section_cstart, $3  }
0xbf: {  	[dreg:$0x1] =	wrdreg $0xFFFFFFFF  }
0xc0: {  	_ =	task.clear_ibuf [dreg:s6], $0x2FFFF;
	_ =	strace $0x9FFFFFFF  }
0xc1: {  	(tm) =	ssettm $0x7FFFFFFF  }
tec
execute0_lowered:
.L_overlay_start_1:
0x0: {  	(tag) =	ssettag $0x1  }
0x1: {  	s4 =	rddreg [dreg:$0x0];
	s1 =	srdreg.scid  }
0x2: {  	s0 =	rddreg [dreg:$0x1];
	s2 =	simm.s32 $0x0;
	s10 =	simm.s32 $0x1100  }
0x3: {  	s11 =	simm.s32 $0x1900;
	s12 =	simm.s32 $0x2100;
	s13 =	simm.s32 $0x2900  }
0x4: {  	s14 =	simm.s32 $0x3100;
	s15 =	simm.s32 $0x3900;
	s16 =	simm.s32 $0x4100  }
0x5: {  	s17 =	simm.s32 $0x4900;
	s18 =	simm.s32 $0x5100;
	s19 =	simm.s32 $0x5900  }
0x6: {  	s20 =	simm.s32 $0x6100;
	s21 =	simm.s32 $0x6900;
	s22 =	simm.s32 $0x7100  }
0x7: {  	s23 =	simm.s32 $0x7900;
	s24 =	simm.s32 $0x5;
	s25 =	simm.s32 $0x3  }
0x8: {  	s5 =	sand.u32 $0x1, s1;
	[smem:$0x7FF] =	sst s2;
	s1 =	stileid.u32  }
0x9: {  	s3 =	sshll.u32 s5, $0x4;
	_ =	strace $0x8000004F;
	s6 =	sshll.u32 s1, $0x4  }
0xa: {  	s5 =	ssub.s32 $0x2, s5;
	s7 =	sor.u32 s1, s3;
	s3 =	sadd.s32 $0x4A600, s4  }
0xb: {  	s6 =	sand.u32 $0x70, s6;
	s9 =	sshrl.u32 s5, $0x1;
	s8 =	sshll.u32 s7, $0x4  }
0xc: {  	s6 =	sadd.s32 s6, s4;
	s7 =	sshll.u32 s7, $0xC;
	s31 =	ssub.s32 s5, s9  }
0xd: {  	v2 =	vlaneseq.u32;
	s9 =	simm.s32 $0x900;
	s8 =	sand.u32 $0x180, s8;
	s7 =	sadd.s32 s7, s4  }
0xe: {  	vm0 =	vmmov $0xffff;
	v1 =	vshrl.u32 v2, $0x3;
	s6 =	sadd.s32 s8, s6;
	s5 =	sadd.s32 $0x2A200, s7;
	s7 =	simm.s32 $0x1  }
0xf: {  	v0 =	vand.u32 $0x7, v2;
	v2 =	vor.u32 $0x8, v2;
	v1 =	vmul.u32 $0x8, v1;
	s8 =	simm.s32 $0x100;
	s4 =	sadd.s32 $0x4A200, s6;
	s6 =	smax.u32 s31, $0x1  }
.LBB2_1:
0x10: {  	_ =	strace $0x80000050  }
0x11: {  	[tilespmem:s2], [sflag:$0x1] =	stream.linear.gather [hbm4b:s4+s2], $0x80, $0x200038;
	[tilespmem:$0x10100] =	vst v63  }
0x12: {  	_ =	strace $0x90000050  }
0x13: {  	_ =	strace $0x80000051  }
0x14: {  	_ =	swait.ge [sflag:s7], $0x80  }
0x15: {  	[sflag:s7] =	ssyncset.done $0x0  }
0x16: {  	[sflag:s7] =	ssyncadd.s32 $0xFFFFFF80  }
0x17: {  	_ =	strace $0x90000051  }
0x18: {  	_ =	strace $0x80000052  }
0x19: {  	v3 =	vld [tilespmem:$0x0];
	_ =	sdelay $0x4  }
0x1a: {  	v4 =	vshll.u32 v3, $0x1  }
0x1b: {  	v3 =	vand.u32 $0x7, v3;
	v4 =	vand.u32 $0xFFFFFFF0, v4  }
0x1c: {  	v3 =	vor.u32 v3, v4  }
0x1d: {  	v4 =	vperm.xlane v3, v0;
	_ =	sdelay $0x1  }
0x1e: {  	v3 =	vperm.xlane v3, v2;
	v4 =	vadd.s32 v1, v4;
	_ =	sdelay $0x1  }
0x1f: {  	v3 =	vadd.s32 v1, v3;
	_ =	sdelay $0x2  }
0x20: {  	[tilespmem:s8], [sflag:$0x5] =	stream.indirect_vreg.gather [hbm4b:s3+s2], $0x80, v4, vm0, $0x2000b8;
	[tilespmem:$0x10100] =	vst v63  }
0x21: {  	_ = 	snop  }
0x22: {  	[tilespmem:s9], [sflag:$0x5] =	stream.indirect_vreg.gather [hbm4b:s3+s2], $0x80, v3, vm0, $0x2000b8;
	[tilespmem:$0x10100] =	vst v63  }
0x23: {  	v3 =	vld [tilespmem:$0x10];
	_ =	sdelay $0x4  }
0x24: {  	v57 =	vshll.u32 v3, $0x1  }
0x25: {  	v3 =	vand.u32 $0x7, v3;
	v4 =	vand.u32 $0xFFFFFFF0, v57  }
0x26: {  	v3 =	vor.u32 v3, v4  }
0x27: {  	v4 =	vperm.xlane v3, v0;
	_ =	sdelay $0x1  }
0x28: {  	v3 =	vperm.xlane v3, v2;
	v4 =	vadd.s32 v1, v4;
	_ =	sdelay $0x1  }
0x29: {  	v3 =	vadd.s32 v1, v3;
	_ =	sdelay $0x2  }
0x2a: {  	[tilespmem:s10], [sflag:$0x5] =	stream.indirect_vreg.gather [hbm4b:s3+s2], $0x80, v4, vm0, $0x2000b8;
	[tilespmem:$0x10100] =	vst v63  }
0x2b: {  	_ = 	snop  }
0x2c: {  	[tilespmem:s11], [sflag:$0x5] =	stream.indirect_vreg.gather [hbm4b:s3+s2], $0x80, v3, vm0, $0x2000b8;
	[tilespmem:$0x10100] =	vst v63  }
0x2d: {  	v3 =	vld [tilespmem:$0x20];
	_ =	sdelay $0x4  }
0x2e: {  	v58 =	vshll.u32 v3, $0x1  }
0x2f: {  	v3 =	vand.u32 $0x7, v3;
	v4 =	vand.u32 $0xFFFFFFF0, v58  }
0x30: {  	v3 =	vor.u32 v3, v4  }
0x31: {  	v4 =	vperm.xlane v3, v0;
	_ =	sdelay $0x1  }
0x32: {  	v3 =	vperm.xlane v3, v2;
	v4 =	vadd.s32 v1, v4;
	_ =	sdelay $0x1  }
0x33: {  	v3 =	vadd.s32 v1, v3;
	_ =	sdelay $0x2  }
0x34: {  	[tilespmem:s12], [sflag:$0x5] =	stream.indirect_vreg.gather [hbm4b:s3+s2], $0x80, v4, vm0, $0x2000b8;
	[tilespmem:$0x10100] =	vst v63  }
0x35: {  	_ = 	snop  }
0x36: {  	[tilespmem:s13], [sflag:$0x5] =	stream.indirect_vreg.gather [hbm4b:s3+s2], $0x80, v3, vm0, $0x2000b8;
	[tilespmem:$0x10100] =	vst v63  }
0x37: {  	v3 =	vld [tilespmem:$0x30];
	_ =	sdelay $0x4  }
0x38: {  	v59 =	vshll.u32 v3, $0x1  }
0x39: {  	v3 =	vand.u32 $0x7, v3;
	v4 =	vand.u32 $0xFFFFFFF0, v59  }
0x3a: {  	v3 =	vor.u32 v3, v4  }
0x3b: {  	v4 =	vperm.xlane v3, v0;
	_ =	sdelay $0x1  }
0x3c: {  	v3 =	vperm.xlane v3, v2;
	v4 =	vadd.s32 v1, v4;
	_ =	sdelay $0x1  }
0x3d: {  	v3 =	vadd.s32 v1, v3;
	_ =	sdelay $0x2  }
0x3e: {  	[tilespmem:s14], [sflag:$0x5] =	stream.indirect_vreg.gather [hbm4b:s3+s2], $0x80, v4, vm0, $0x2000b8;
	[tilespmem:$0x10100] =	vst v63  }
0x3f: {  	_ = 	snop  }
0x40: {  	[tilespmem:s15], [sflag:$0x5] =	stream.indirect_vreg.gather [hbm4b:s3+s2], $0x80, v3, vm0, $0x2000b8;
	[tilespmem:$0x10100] =	vst v63  }
0x41: {  	v3 =	vld [tilespmem:$0x40];
	_ =	sdelay $0x4  }
0x42: {  	v60 =	vshll.u32 v3, $0x1  }
0x43: {  	v3 =	vand.u32 $0x7, v3;
	v4 =	vand.u32 $0xFFFFFFF0, v60  }
0x44: {  	v3 =	vor.u32 v3, v4  }
0x45: {  	v4 =	vperm.xlane v3, v0;
	_ =	sdelay $0x1  }
0x46: {  	v3 =	vperm.xlane v3, v2;
	v4 =	vadd.s32 v1, v4;
	_ =	sdelay $0x1  }
0x47: {  	v3 =	vadd.s32 v1, v3;
	_ =	sdelay $0x2  }
0x48: {  	[tilespmem:s16], [sflag:$0x5] =	stream.indirect_vreg.gather [hbm4b:s3+s2], $0x80, v4, vm0, $0x2000b8;
	[tilespmem:$0x10100] =	vst v63  }
0x49: {  	_ = 	snop  }
0x4a: {  	[tilespmem:s17], [sflag:$0x5] =	stream.indirect_vreg.gather [hbm4b:s3+s2], $0x80, v3, vm0, $0x2000b8;
	[tilespmem:$0x10100] =	vst v63  }
0x4b: {  	v3 =	vld [tilespmem:$0x50];
	_ =	sdelay $0x4  }
0x4c: {  	v61 =	vshll.u32 v3, $0x1  }
0x4d: {  	v3 =	vand.u32 $0x7, v3;
	v4 =	vand.u32 $0xFFFFFFF0, v61  }
0x4e: {  	v3 =	vor.u32 v3, v4  }
0x4f: {  	v4 =	vperm.xlane v3, v0;
	_ =	sdelay $0x1  }
0x50: {  	v3 =	vperm.xlane v3, v2;
	v4 =	vadd.s32 v1, v4;
	_ =	sdelay $0x1  }
0x51: {  	v3 =	vadd.s32 v1, v3;
	_ =	sdelay $0x2  }
0x52: {  	[tilespmem:s18], [sflag:$0x5] =	stream.indirect_vreg.gather [hbm4b:s3+s2], $0x80, v4, vm0, $0x2000b8;
	[tilespmem:$0x10100] =	vst v63  }
0x53: {  	_ = 	snop  }
0x54: {  	[tilespmem:s19], [sflag:$0x5] =	stream.indirect_vreg.gather [hbm4b:s3+s2], $0x80, v3, vm0, $0x2000b8;
	[tilespmem:$0x10100] =	vst v63  }
0x55: {  	v3 =	vld [tilespmem:$0x60];
	_ =	sdelay $0x4  }
0x56: {  	v62 =	vshll.u32 v3, $0x1  }
0x57: {  	v3 =	vand.u32 $0x7, v3;
	v4 =	vand.u32 $0xFFFFFFF0, v62  }
0x58: {  	v3 =	vor.u32 v3, v4  }
0x59: {  	v4 =	vperm.xlane v3, v0;
	_ =	sdelay $0x1  }
0x5a: {  	v3 =	vperm.xlane v3, v2;
	v4 =	vadd.s32 v1, v4;
	_ =	sdelay $0x1  }
0x5b: {  	v3 =	vadd.s32 v1, v3;
	_ =	sdelay $0x2  }
0x5c: {  	[tilespmem:s20], [sflag:$0x5] =	stream.indirect_vreg.gather [hbm4b:s3+s2], $0x80, v4, vm0, $0x2000b8;
	[tilespmem:$0x10100] =	vst v63  }
0x5d: {  	_ = 	snop  }
0x5e: {  	[tilespmem:s21], [sflag:$0x5] =	stream.indirect_vreg.gather [hbm4b:s3+s2], $0x80, v3, vm0, $0x2000b8;
	[tilespmem:$0x10100] =	vst v63  }
0x5f: {  	v3 =	vld [tilespmem:$0x70];
	_ =	sdelay $0x4  }
0x60: {  	v63 =	vshll.u32 v3, $0x1  }
0x61: {  	v3 =	vand.u32 $0x7, v3;
	v4 =	vand.u32 $0xFFFFFFF0, v63  }
0x62: {  	v3 =	vor.u32 v3, v4  }
0x63: {  	v4 =	vperm.xlane v3, v0;
	_ =	sdelay $0x1  }
0x64: {  	v3 =	vperm.xlane v3, v2;
	v4 =	vadd.s32 v1, v4;
	_ =	sdelay $0x1  }
0x65: {  	v3 =	vadd.s32 v1, v3;
	_ =	sdelay $0x2  }
0x66: {  	[tilespmem:s22], [sflag:$0x5] =	stream.indirect_vreg.gather [hbm4b:s3+s2], $0x80, v4, vm0, $0x2000b8;
	[tilespmem:$0x10100] =	vst v63  }
0x67: {  	_ = 	snop  }
0x68: {  	[tilespmem:s23], [sflag:$0x5] =	stream.indirect_vreg.gather [hbm4b:s3+s2], $0x80, v3, vm0, $0x2000b8;
	[tilespmem:$0x10100] =	vst v63  }
0x69: {  	_ =	swait.ge [sflag:s24], $0x8000  }
0x6a: {  	[sflag:s24] =	ssyncset.done $0x0  }
0x6b: {  	[sflag:s24] =	ssyncadd.s32 $0xFFFF8000  }
0x6c: {  	_ =	strace $0x90000052  }
0x6d: {  	_ =	strace $0x80000053  }
0x6e: {  	[hbm4b:s5+s2] =	stream.linear.scatter [tilespmem:s8], [sflag:$0x3], $0x8000, $0x200038;
	[tilespmem:$0x10100] =	vst v63  }
0x6f: {  	p0 =	sne.s32 s6, $0x1;
	_ =	strace $0x90000053  }
.Ltmp0:
0x70: {  	_ =	strace $0x80000054;
	(pc) =	sbr.rel @p0 .LBB2_1-.Ltmp0, $4  }
0x71: {  	_ =	swait.ge [sflag:s25], $0x8000  }
0x72: {  	[sflag:s25] =	ssyncset.done $0x0  }
0x73: {  	[sflag:s25] =	ssyncadd.s32 $0xFFFF8000  }
0x74: {  	s6 =	sadd.s32 $0xFFFFFFFF, s6;
	_ =	strace $0x90000054  }
0x75: {  	_ =	sfence.sel $0x180000  }
0x76: {  	[bflag:$0x0] =	sbarrier.arrive $0xFFFF  }
0x77: {  	p0 =	sne.s32 s1, $0x0;
	_ =	strace $0x9000004F  }
0x78: {  	s0 =	sadd.s32 @!p0 $0x100000, s0;
	[bflag:$0x2] =	sbarrier.arrive $0xFFFF  }
0x79: {  	[sflag:s0] =	ssyncadd.tile.s32 @!p0 $0x1;
	_ =	shalt  }
.Lfunc_end2:
_tile_overlayer_lowered:
.L_overlay_start_2:
0x7a: {  	(tag) =	ssettag $0x2  }
0x7b: {  	s0 =	rddreg [dreg:$0x0];
	s2 =	stileid.u32  }
0x7c: {  	s1 =	rddreg [dreg:$0x1];
	p0 =	sne.s32 s2, $0x0  }
0x7d: {  	s3 =	rddreg [dreg:$0x2];
	[bflag:$0x3] =	sbarrier.arrive $0xFFFF;
	s2 =	simm.s32 @!p0 $0x1C01  }
0x7e: {  	[timem:s3], [sflag:s2] =	dma.local @!p0 [hbm:s0], s1  }
0x7f: {  	s0 =	simm.s32 @!p0 $0x1  }
0x80: {  	_ =	swait.ge @!p0 [sflag:s0], s1  }
0x81: {  	s1 =	ssub.s32 @!p0 $0x0, s1;
	[sflag:s0] =	ssyncset.done @!p0 $0x0  }
0x82: {  	[sflag:s0] =	ssyncadd.s32 @!p0 s1  }
0x83: {  	[bflag:$0x3] =	sbarrier.arrive $0xFFFF  }
0x84: {  	_ =	shalt  }

</sc_bundles>
